<compile_context>
chip_gen: v7x
topology: tpu7x:2x2x1
jax: 0.10.2.dev20260603
libtpu: 0.0.44.dev20260713+nightly
codegen_flags: <defaults>
</compile_context>

<pallas_src>
import functools

import jax
import jax.numpy as jnp
from jax import lax
from jax.experimental import pallas as pl
from jax.experimental.pallas import tpu as pltpu
from jax.experimental.pallas import tpu_sc as plsc

N = 10000
E = 320000
IN_CH = 128
HID = 64
OUT_CH = 5

NC = 2
NS = 16
NW = NC * NS
EPW = E // NW
N_PAD = 10240
RPT = N_PAD // NS
CHUNK1 = 40
CHUNK2 = 50


def _gelu_exact(v):
    return 0.5 * v * (1.0 + lax.erf(v * 0.7071067811865476))


def _make_edge_scatter(width, nbuf, chunk):
    NCHUNK = EPW // chunk
    CHUNK = chunk
    assert EPW % chunk == 0 and NCHUNK % nbuf == 0
    pd = nbuf - 1
    mesh = plsc.VectorSubcoreMesh(core_axis_name="c", subcore_axis_name="s")

    @functools.partial(
        pl.kernel,
        mesh=mesh,
        compiler_params=pltpu.CompilerParams(use_tc_tiling_on_sc=False),
        out_type=jax.ShapeDtypeStruct((NC, N_PAD, width), jnp.float32),
        scratch_types=(
            [pltpu.VMEM((NCHUNK, CHUNK), jnp.int32),
             pltpu.VMEM((NCHUNK, CHUNK), jnp.int32)]
            + [pltpu.VMEM((CHUNK, width), jnp.float32)] * nbuf
            + [pltpu.VMEM_SHARED((N_PAD, width), jnp.float32)]
            + [pltpu.SemaphoreType.DMA] * nbuf
        ),
    )
    def k(vals_hbm, src_hbm, dst_hbm, out_hbm, sidx, didx, *rest):
        rows = rest[:nbuf]
        acc = rest[nbuf]
        sems = rest[nbuf + 1:]
        cid = lax.axis_index("c")
        sid = lax.axis_index("s")
        wid = sid * NC + cid

        ibase = wid * NCHUNK
        pltpu.async_copy(src_hbm.at[pl.ds(ibase, NCHUNK)], sidx, sems[0])
        pltpu.async_copy(dst_hbm.at[pl.ds(ibase, NCHUNK)], didx, sems[1])

        zvec = jnp.zeros((16,), jnp.float32)

        def zero_body(i, carry):
            for j in range(width // 16):
                rows[0][i, pl.ds(j * 16, 16)] = zvec
            return carry

        lax.fori_loop(0, CHUNK, zero_body, 0)
        full, tail = divmod(RPT, CHUNK)
        for j in range(full):
            pltpu.sync_copy(rows[0],
                            acc.at[pl.ds(sid * RPT + j * CHUNK, CHUNK)])
        if tail:
            pltpu.sync_copy(rows[0].at[pl.ds(0, tail)],
                            acc.at[pl.ds(sid * RPT + full * CHUNK, tail)])

        pltpu.make_async_copy(src_hbm.at[pl.ds(ibase, NCHUNK)], sidx,
                              sems[0]).wait()
        pltpu.make_async_copy(dst_hbm.at[pl.ds(ibase, NCHUNK)], didx,
                              sems[1]).wait()
        plsc.subcore_barrier()

        for b in range(pd):
            pltpu.async_copy(vals_hbm.at[sidx.at[b]], rows[b], sems[b])

        def edge_body(t, carry):
            base = nbuf * t
            for j in range(nbuf):
                c = base + j
                nxt = c + pd
                pn = jnp.where(nxt >= NCHUNK, nxt - NCHUNK, nxt)
                bj = (j + pd) % nbuf
                pltpu.make_async_copy(vals_hbm.at[sidx.at[c]], rows[j],
                                      sems[j]).wait()
                pltpu.async_copy(vals_hbm.at[sidx.at[pn]], rows[bj], sems[bj])
                pltpu.sync_copy(rows[j], acc.at[didx.at[c]], add=True)
            return carry

        lax.fori_loop(0, NCHUNK // nbuf, edge_body, 0)
        for b in range(pd):
            pltpu.make_async_copy(vals_hbm.at[sidx.at[b]], rows[b],
                                  sems[b]).wait()
        plsc.subcore_barrier()
        pltpu.sync_copy(
            acc.at[pl.ds(sid * RPT, RPT)],
            out_hbm.at[cid, pl.ds(sid * RPT, RPT)],
        )

    return k


_scatter_in = _make_edge_scatter(IN_CH, 5, CHUNK1)
_scatter_hid = _make_edge_scatter(HID, 10, CHUNK2)


_ROWS_BLK = 1000
_GRID = N // _ROWS_BLK


def _tc1_body(x_ref, p0_ref, p1_ref, ws_ref, wn_ref, h_ref):
    agg = p0_ref[0] + p1_ref[0]
    pre = (jnp.dot(x_ref[...], ws_ref[...], preferred_element_type=jnp.float32)
           + jnp.dot(agg, wn_ref[...], preferred_element_type=jnp.float32))
    h_ref[...] = _gelu_exact(_gelu_exact(pre))


def _tc2_body(h_ref, q0_ref, q1_ref, ws_ref, wn_ref, o_ref):
    agg = q0_ref[0] + q1_ref[0]
    pre = (jnp.dot(h_ref[...], ws_ref[...], preferred_element_type=jnp.float32)
           + jnp.dot(agg, wn_ref[...], preferred_element_type=jnp.float32))
    o_ref[...] = jnp.tanh(_gelu_exact(pre))


def kernel(x, edge_index, Ws0, Wn0, Ws1, Wn1):
    src = edge_index[0].astype(jnp.int32)
    dst = edge_index[1].astype(jnp.int32)
    src1 = src.reshape(E // CHUNK1, CHUNK1)
    dst1 = dst.reshape(E // CHUNK1, CHUNK1)
    src2 = src.reshape(E // CHUNK2, CHUNK2)
    dst2 = dst.reshape(E // CHUNK2, CHUNK2)

    row_spec = lambda w: pl.BlockSpec((_ROWS_BLK, w), lambda i: (i, 0))
    full_spec = lambda r, c: pl.BlockSpec((r, c), lambda i: (0, 0))
    part_spec = lambda w, c: pl.BlockSpec(
        (1, _ROWS_BLK, w), lambda i, c=c: (c, i, 0))

    parts0 = _scatter_in(x, src1, dst1)

    h1 = pl.pallas_call(
        _tc1_body,
        grid=(_GRID,),
        in_specs=[row_spec(IN_CH), part_spec(IN_CH, 0), part_spec(IN_CH, 1),
                  full_spec(IN_CH, HID), full_spec(IN_CH, HID)],
        out_specs=row_spec(HID),
        out_shape=jax.ShapeDtypeStruct((N, HID), jnp.float32),
    )(x, parts0, parts0, Ws0.T, Wn0.T)

    parts1 = _scatter_hid(h1, src2, dst2)

    out = pl.pallas_call(
        _tc2_body,
        grid=(_GRID,),
        in_specs=[row_spec(HID), part_spec(HID, 0), part_spec(HID, 1),
                  full_spec(HID, OUT_CH), full_spec(HID, OUT_CH)],
        out_specs=row_spec(OUT_CH),
        out_shape=jax.ShapeDtypeStruct((N, OUT_CH), jnp.float32),
    )(h1, parts1, parts1, Ws1.T, Wn1.T)

    return out

# --- scband reference (transcript-rebuilt; emitter-appended) ---
"""Pipeline reference for scband-conformal-sheaf-learner-84834194030861 (READ-ONLY COPY).

The authoritative reference and input builder live on the scoring server;
editing this copy changes nothing except your own understanding.
"""

import jax, jax.numpy as jnp
import numpy as np

N_NODES = 10000
N_EDGES = 320000
IN_CH = 128          # (hidden_channels + pe_size) * d = (64 + 0) * 2
GNN_HIDDEN = 64
OUT_CH = 5           # prod(out_shape) + 1 (conformal) = 2*2 + 1

def _gelu(x):
    # torch F.gelu default is the exact (erf) variant
    return jax.nn.gelu(x, approximate=False)

def setup_inputs(seed: int = 0) -> dict:
    key = jax.random.key(seed)
    k_x, k_ei, k0, k1, k2, k3 = jax.random.split(key, 6)
    x = jax.random.normal(k_x, (N_NODES, IN_CH), dtype=jnp.float32)
    edge_index = jax.random.randint(k_ei, (2, N_EDGES), 0, N_NODES, dtype=jnp.int64)
    # SumGNN layer 0: Linear(IN_CH, GNN_HIDDEN, bias=False) weights [out, in]
    Ws0 = jax.random.normal(k0, (GNN_HIDDEN, IN_CH), dtype=jnp.float32) * (1.0 / np.sqrt(IN_CH))
    Wn0 = jax.random.normal(k1, (GNN_HIDDEN, IN_CH), dtype=jnp.float32) * (1.0 / np.sqrt(IN_CH))
    # SumGNN layer 1: Linear(GNN_HIDDEN, OUT_CH, bias=False)
    Ws1 = jax.random.normal(k2, (OUT_CH, GNN_HIDDEN), dtype=jnp.float32) * (1.0 / np.sqrt(GNN_HIDDEN))
    Wn1 = jax.random.normal(k3, (OUT_CH, GNN_HIDDEN), dtype=jnp.float32) * (1.0 / np.sqrt(GNN_HIDDEN))
    return {"x": x, "edge_index": edge_index, "Ws0": Ws0, "Wn0": Wn0, "Ws1": Ws1, "Wn1": Wn1}

def _sum_gnn(h, src, dst, Ws, Wn, n_nodes):
    # message = x_j (source node features); aggr='add' scatter into dst
    agg = jax.ops.segment_sum(h[src], dst, num_segments=n_nodes)
    return _gelu(h @ Ws.T + agg @ Wn.T)

def reference(x, edge_index, Ws0, Wn0, Ws1, Wn1):
    n_nodes = x.shape[0]
    src = edge_index[0]
    dst = edge_index[1]
    # pe is empty (pe_size=0): maps = cat([x, pe]) == x
    maps = x
    # layer 0: SumGNN then outer F.gelu (gnn_layers=2, layer != last)
    maps = _sum_gnn(maps, src, dst, Ws0, Wn0, n_nodes)
    maps = _gelu(maps)
    # layer 1 (last): SumGNN, no outer gelu, no residual
    maps = _sum_gnn(maps, src, dst, Ws1, Wn1, n_nodes)
    # sheaf activation (tanh)
    maps = jnp.tanh(maps)
    return maps

if __name__ == "__main__":
    import jax
    _d = setup_inputs()
    print(jax.jit(kernel)(*tuple(_d.values())))

</pallas_src>

<mosaic_0001>
#map = affine_map<(d0, d1) -> (0, 0)>
#map1 = affine_map<(d0, d1) -> (0, 0, 0)>
module attributes {stable_mosaic.version = 14 : i64} {
  func.func @k(%arg0: i32, %arg1: i32, %arg2: memref<10000x128xf32, #tpu.memory_space<hbm>>, %arg3: memref<8000x40xi32, #tpu.memory_space<hbm>>, %arg4: memref<8000x40xi32, #tpu.memory_space<hbm>>, %arg5: memref<2x10240x128xf32, #tpu.memory_space<hbm>>, %arg6: memref<250x40xi32, #tpu.memory_space<vmem>>, %arg7: memref<250x40xi32, #tpu.memory_space<vmem>>, %arg8: memref<40x128xf32, #tpu.memory_space<vmem>>, %arg9: memref<40x128xf32, #tpu.memory_space<vmem>>, %arg10: memref<40x128xf32, #tpu.memory_space<vmem>>, %arg11: memref<40x128xf32, #tpu.memory_space<vmem>>, %arg12: memref<40x128xf32, #tpu.memory_space<vmem>>, %arg13: memref<10240x128xf32, #tpu.memory_space<vmem_shared>>, %arg14: memref<!tpu.dma_semaphore, #tpu.memory_space<semaphore_mem>>, %arg15: memref<!tpu.dma_semaphore, #tpu.memory_space<semaphore_mem>>, %arg16: memref<!tpu.dma_semaphore, #tpu.memory_space<semaphore_mem>>, %arg17: memref<!tpu.dma_semaphore, #tpu.memory_space<semaphore_mem>>, %arg18: memref<!tpu.dma_semaphore, #tpu.memory_space<semaphore_mem>>) attributes {dimension_semantics = [#tpu.dimension_semantics<core_parallel>, #tpu.dimension_semantics<subcore_parallel>], iteration_bounds = array<i64: 2, 16>, scalar_prefetch = 0 : i64, scratch_operands = 13 : i64, tpu.core_type = #tpu.core_type<sc_vector_subcore>, window_params = [{transform_indices = #map}, {transform_indices = #map}, {transform_indices = #map}, {transform_indices = #map1}]} {
    %mul3A = arith.constant 2 : i32
    %mul3A_0 = arith.muli %arg1, %mul3A : i32
    %add3A = arith.addi %mul3A_0, %arg0 : i32
    %mul3A_1 = arith.constant 250 : i32
    %mul3A_2 = arith.muli %add3A, %mul3A_1 : i32
    %dma_start3A = arith.constant 0 : i32
    %dma_start3A_3 = tpu.memref_slice %arg3[%mul3A_2, %dma_start3A] : memref<8000x40xi32, #tpu.memory_space<hbm>> -> memref<250x40xi32, #tpu.memory_space<hbm>>
    %dma_start3A_4 = arith.constant 0 : i32
    %dma_start3A_5 = tpu.memref_slice %arg3[%mul3A_2, %dma_start3A_4] : memref<8000x40xi32, #tpu.memory_space<hbm>> -> memref<250x40xi32, #tpu.memory_space<hbm>>
    tpu.enqueue_dma source(%dma_start3A_5 : memref<250x40xi32, #tpu.memory_space<hbm>>) target(%arg6 : memref<250x40xi32, #tpu.memory_space<vmem>>) target_semaphore(%arg14 : memref<!tpu.dma_semaphore, #tpu.memory_space<semaphore_mem>>)
    %dma_start3A_6 = arith.constant 0 : i32
    %dma_start3A_7 = tpu.memref_slice %arg4[%mul3A_2, %dma_start3A_6] : memref<8000x40xi32, #tpu.memory_space<hbm>> -> memref<250x40xi32, #tpu.memory_space<hbm>>
    %dma_start3A_8 = arith.constant 0 : i32
    %dma_start3A_9 = tpu.memref_slice %arg4[%mul3A_2, %dma_start3A_8] : memref<8000x40xi32, #tpu.memory_space<hbm>> -> memref<250x40xi32, #tpu.memory_space<hbm>>
    tpu.enqueue_dma source(%dma_start3A_9 : memref<250x40xi32, #tpu.memory_space<hbm>>) target(%arg7 : memref<250x40xi32, #tpu.memory_space<vmem>>) target_semaphore(%arg15 : memref<!tpu.dma_semaphore, #tpu.memory_space<semaphore_mem>>)
    %broadcast_in_dim3A = arith.constant 0.000000e+00 : f32
    %broadcast_in_dim3A_10 = vector.broadcast %broadcast_in_dim3A : f32 to vector<16xf32>
    %scan3A = arith.constant 0 : i32
    %scan3A_11 = arith.constant 0 : i32
    %scan3A_12 = arith.constant 40 : i32
    %scan3A_13 = arith.addi %scan3A_11, %scan3A_12 : i32
    %scan3A_14 = arith.constant 1 : i32
    scf.for %scan3A_154 = %scan3A_11 to %scan3A_13 step %scan3A_14  : i32 {
      %swap3A = arith.index_cast %scan3A_154 : i32 to index
      %swap3A_155 = arith.constant 0 : index
      %swap3A_156 = tpu.vector_load %arg8[%swap3A, %swap3A_155] {strides = array<i32>} : memref<40x128xf32, #tpu.memory_space<vmem>>, vector<1x16xf32>,
      %swap3A_157 = vector.shape_cast %swap3A_156 : vector<1x16xf32> to vector<16xf32>
      %swap3A_158 = vector.shape_cast %broadcast_in_dim3A_10 : vector<16xf32> to vector<1x16xf32>
      tpu.vector_store %arg8[%swap3A, %swap3A_155], %swap3A_158 {strides = array<i32>} : memref<40x128xf32, #tpu.memory_space<vmem>>, vector<1x16xf32>,
      %swap3A_159 = arith.index_cast %scan3A_154 : i32 to index
      %swap3A_160 = arith.constant 16 : index
      %swap3A_161 = tpu.vector_load %arg8[%swap3A_159, %swap3A_160] {strides = array<i32>} : memref<40x128xf32, #tpu.memory_space<vmem>>, vector<1x16xf32>,
      %swap3A_162 = vector.shape_cast %swap3A_161 : vector<1x16xf32> to vector<16xf32>
      %swap3A_163 = vector.shape_cast %broadcast_in_dim3A_10 : vector<16xf32> to vector<1x16xf32>
      tpu.vector_store %arg8[%swap3A_159, %swap3A_160], %swap3A_163 {strides = array<i32>} : memref<40x128xf32, #tpu.memory_space<vmem>>, vector<1x16xf32>,
      %swap3A_164 = arith.index_cast %scan3A_154 : i32 to index
      %swap3A_165 = arith.constant 32 : index
      %swap3A_166 = tpu.vector_load %arg8[%swap3A_164, %swap3A_165] {strides = array<i32>} : memref<40x128xf32, #tpu.memory_space<vmem>>, vector<1x16xf32>,
      %swap3A_167 = vector.shape_cast %swap3A_166 : vector<1x16xf32> to vector<16xf32>
      %swap3A_168 = vector.shape_cast %broadcast_in_dim3A_10 : vector<16xf32> to vector<1x16xf32>
      tpu.vector_store %arg8[%swap3A_164, %swap3A_165], %swap3A_168 {strides = array<i32>} : memref<40x128xf32, #tpu.memory_space<vmem>>, vector<1x16xf32>,
      %swap3A_169 = arith.index_cast %scan3A_154 : i32 to index
      %swap3A_170 = arith.constant 48 : index
      %swap3A_171 = tpu.vector_load %arg8[%swap3A_169, %swap3A_170] {strides = array<i32>} : memref<40x128xf32, #tpu.memory_space<vmem>>, vector<1x16xf32>,
      %swap3A_172 = vector.shape_cast %swap3A_171 : vector<1x16xf32> to vector<16xf32>
      %swap3A_173 = vector.shape_cast %broadcast_in_dim3A_10 : vector<16xf32> to vector<1x16xf32>
      tpu.vector_store %arg8[%swap3A_169, %swap3A_170], %swap3A_173 {strides = array<i32>} : memref<40x128xf32, #tpu.memory_space<vmem>>, vector<1x16xf32>,
      %swap3A_174 = arith.index_cast %scan3A_154 : i32 to index
      %swap3A_175 = arith.constant 64 : index
      %swap3A_176 = tpu.vector_load %arg8[%swap3A_174, %swap3A_175] {strides = array<i32>} : memref<40x128xf32, #tpu.memory_space<vmem>>, vector<1x16xf32>,
      %swap3A_177 = vector.shape_cast %swap3A_176 : vector<1x16xf32> to vector<16xf32>
      %swap3A_178 = vector.shape_cast %broadcast_in_dim3A_10 : vector<16xf32> to vector<1x16xf32>
      tpu.vector_store %arg8[%swap3A_174, %swap3A_175], %swap3A_178 {strides = array<i32>} : memref<40x128xf32, #tpu.memory_space<vmem>>, vector<1x16xf32>,
      %swap3A_179 = arith.index_cast %scan3A_154 : i32 to index
      %swap3A_180 = arith.constant 80 : index
      %swap3A_181 = tpu.vector_load %arg8[%swap3A_179, %swap3A_180] {strides = array<i32>} : memref<40x128xf32, #tpu.memory_space<vmem>>, vector<1x16xf32>,
      %swap3A_182 = vector.shape_cast %swap3A_181 : vector<1x16xf32> to vector<16xf32>
      %swap3A_183 = vector.shape_cast %broadcast_in_dim3A_10 : vector<16xf32> to vector<1x16xf32>
      tpu.vector_store %arg8[%swap3A_179, %swap3A_180], %swap3A_183 {strides = array<i32>} : memref<40x128xf32, #tpu.memory_space<vmem>>, vector<1x16xf32>,
      %swap3A_184 = arith.index_cast %scan3A_154 : i32 to index
      %swap3A_185 = arith.constant 96 : index
      %swap3A_186 = tpu.vector_load %arg8[%swap3A_184, %swap3A_185] {strides = array<i32>} : memref<40x128xf32, #tpu.memory_space<vmem>>, vector<1x16xf32>,
      %swap3A_187 = vector.shape_cast %swap3A_186 : vector<1x16xf32> to vector<16xf32>
      %swap3A_188 = vector.shape_cast %broadcast_in_dim3A_10 : vector<16xf32> to vector<1x16xf32>
      tpu.vector_store %arg8[%swap3A_184, %swap3A_185], %swap3A_188 {strides = array<i32>} : memref<40x128xf32, #tpu.memory_space<vmem>>, vector<1x16xf32>,
      %swap3A_189 = arith.index_cast %scan3A_154 : i32 to index
      %swap3A_190 = arith.constant 112 : index
      %swap3A_191 = tpu.vector_load %arg8[%swap3A_189, %swap3A_190] {strides = array<i32>} : memref<40x128xf32, #tpu.memory_space<vmem>>, vector<1x16xf32>,
      %swap3A_192 = vector.shape_cast %swap3A_191 : vector<1x16xf32> to vector<16xf32>
      %swap3A_193 = vector.shape_cast %broadcast_in_dim3A_10 : vector<16xf32> to vector<1x16xf32>
      tpu.vector_store %arg8[%swap3A_189, %swap3A_190], %swap3A_193 {strides = array<i32>} : memref<40x128xf32, #tpu.memory_space<vmem>>, vector<1x16xf32>,
    }
    %scan3A_15 = arith.constant 40 : i32
    %mul3A_16 = arith.constant 640 : i32
    %mul3A_17 = arith.muli %arg1, %mul3A_16 : i32
    %add3A_18 = arith.constant 0 : i32
    %add3A_19 = arith.addi %mul3A_17, %add3A_18 : i32
    "tpu.region"() ({
      %run_scoped3A = tpu.sem_alloc : memref<!tpu.dma_semaphore, #tpu.memory_space<semaphore_mem>>
      %dma_start3A_154 = arith.constant 0 : i32
      %dma_start3A_155 = tpu.memref_slice %arg13[%add3A_19, %dma_start3A_154] : memref<10240x128xf32, #tpu.memory_space<vmem_shared>> -> memref<40x128xf32, #tpu.memory_space<vmem_shared>>
      %dma_start3A_156 = arith.constant 0 : i32
      %dma_start3A_157 = tpu.memref_slice %arg13[%add3A_19, %dma_start3A_156] : memref<10240x128xf32, #tpu.memory_space<vmem_shared>> -> memref<40x128xf32, #tpu.memory_space<vmem_shared>>
      tpu.enqueue_dma source(%arg8 : memref<40x128xf32, #tpu.memory_space<vmem>>) target(%dma_start3A_157 : memref<40x128xf32, #tpu.memory_space<vmem_shared>>) target_semaphore(%run_scoped3A : memref<!tpu.dma_semaphore, #tpu.memory_space<semaphore_mem>>)
      %dma_wait3A_158 = arith.constant 0 : i32
      %dma_wait3A_159 = tpu.memref_slice %arg13[%add3A_19, %dma_wait3A_158] : memref<10240x128xf32, #tpu.memory_space<vmem_shared>> -> memref<40x128xf32, #tpu.memory_space<vmem_shared>>
      %dma_wait3A_160 = arith.constant 0 : i32
      %dma_wait3A_161 = tpu.memref_slice %arg13[%add3A_19, %dma_wait3A_160] : memref<10240x128xf32, #tpu.memory_space<vmem_shared>> -> memref<40x128xf32, #tpu.memory_space<vmem_shared>>
      tpu.wait_dma2 semaphore(%run_scoped3A : memref<!tpu.dma_semaphore, #tpu.memory_space<semaphore_mem>>) src(%arg8 : memref<40x128xf32, #tpu.memory_space<vmem>>) dst(%dma_wait3A_161 : memref<40x128xf32, #tpu.memory_space<vmem_shared>>)
      tpu.yield
    }) : () -> ()
    %mul3A_20 = arith.constant 640 : i32
    %mul3A_21 = arith.muli %arg1, %mul3A_20 : i32
    %add3A_22 = arith.constant 40 : i32
    %add3A_23 = arith.addi %mul3A_21, %add3A_22 : i32
    "tpu.region"() ({
      %run_scoped3A = tpu.sem_alloc : memref<!tpu.dma_semaphore, #tpu.memory_space<semaphore_mem>>
      %dma_start3A_154 = arith.constant 0 : i32
      %dma_start3A_155 = tpu.memref_slice %arg13[%add3A_23, %dma_start3A_154] : memref<10240x128xf32, #tpu.memory_space<vmem_shared>> -> memref<40x128xf32, #tpu.memory_space<vmem_shared>>
      %dma_start3A_156 = arith.constant 0 : i32
      %dma_start3A_157 = tpu.memref_slice %arg13[%add3A_23, %dma_start3A_156] : memref<10240x128xf32, #tpu.memory_space<vmem_shared>> -> memref<40x128xf32, #tpu.memory_space<vmem_shared>>
      tpu.enqueue_dma source(%arg8 : memref<40x128xf32, #tpu.memory_space<vmem>>) target(%dma_start3A_157 : memref<40x128xf32, #tpu.memory_space<vmem_shared>>) target_semaphore(%run_scoped3A : memref<!tpu.dma_semaphore, #tpu.memory_space<semaphore_mem>>)
      %dma_wait3A_158 = arith.constant 0 : i32
      %dma_wait3A_159 = tpu.memref_slice %arg13[%add3A_23, %dma_wait3A_158] : memref<10240x128xf32, #tpu.memory_space<vmem_shared>> -> memref<40x128xf32, #tpu.memory_space<vmem_shared>>
      %dma_wait3A_160 = arith.constant 0 : i32
      %dma_wait3A_161 = tpu.memref_slice %arg13[%add3A_23, %dma_wait3A_160] : memref<10240x128xf32, #tpu.memory_space<vmem_shared>> -> memref<40x128xf32, #tpu.memory_space<vmem_shared>>
      tpu.wait_dma2 semaphore(%run_scoped3A : memref<!tpu.dma_semaphore, #tpu.memory_space<semaphore_mem>>) src(%arg8 : memref<40x128xf32, #tpu.memory_space<vmem>>) dst(%dma_wait3A_161 : memref<40x128xf32, #tpu.memory_space<vmem_shared>>)
      tpu.yield
    }) : () -> ()
    %mul3A_24 = arith.constant 640 : i32
    %mul3A_25 = arith.muli %arg1, %mul3A_24 : i32
    %add3A_26 = arith.constant 80 : i32
    %add3A_27 = arith.addi %mul3A_25, %add3A_26 : i32
    "tpu.region"() ({
      %run_scoped3A = tpu.sem_alloc : memref<!tpu.dma_semaphore, #tpu.memory_space<semaphore_mem>>
      %dma_start3A_154 = arith.constant 0 : i32
      %dma_start3A_155 = tpu.memref_slice %arg13[%add3A_27, %dma_start3A_154] : memref<10240x128xf32, #tpu.memory_space<vmem_shared>> -> memref<40x128xf32, #tpu.memory_space<vmem_shared>>
      %dma_start3A_156 = arith.constant 0 : i32
      %dma_start3A_157 = tpu.memref_slice %arg13[%add3A_27, %dma_start3A_156] : memref<10240x128xf32, #tpu.memory_space<vmem_shared>> -> memref<40x128xf32, #tpu.memory_space<vmem_shared>>
      tpu.enqueue_dma source(%arg8 : memref<40x128xf32, #tpu.memory_space<vmem>>) target(%dma_start3A_157 : memref<40x128xf32, #tpu.memory_space<vmem_shared>>) target_semaphore(%run_scoped3A : memref<!tpu.dma_semaphore, #tpu.memory_space<semaphore_mem>>)
      %dma_wait3A_158 = arith.constant 0 : i32
      %dma_wait3A_159 = tpu.memref_slice %arg13[%add3A_27, %dma_wait3A_158] : memref<10240x128xf32, #tpu.memory_space<vmem_shared>> -> memref<40x128xf32, #tpu.memory_space<vmem_shared>>
      %dma_wait3A_160 = arith.constant 0 : i32
      %dma_wait3A_161 = tpu.memref_slice %arg13[%add3A_27, %dma_wait3A_160] : memref<10240x128xf32, #tpu.memory_space<vmem_shared>> -> memref<40x128xf32, #tpu.memory_space<vmem_shared>>
      tpu.wait_dma2 semaphore(%run_scoped3A : memref<!tpu.dma_semaphore, #tpu.memory_space<semaphore_mem>>) src(%arg8 : memref<40x128xf32, #tpu.memory_space<vmem>>) dst(%dma_wait3A_161 : memref<40x128xf32, #tpu.memory_space<vmem_shared>>)
      tpu.yield
    }) : () -> ()
    %mul3A_28 = arith.constant 640 : i32
    %mul3A_29 = arith.muli %arg1, %mul3A_28 : i32
    %add3A_30 = arith.constant 120 : i32
    %add3A_31 = arith.addi %mul3A_29, %add3A_30 : i32
    "tpu.region"() ({
      %run_scoped3A = tpu.sem_alloc : memref<!tpu.dma_semaphore, #tpu.memory_space<semaphore_mem>>
      %dma_start3A_154 = arith.constant 0 : i32
      %dma_start3A_155 = tpu.memref_slice %arg13[%add3A_31, %dma_start3A_154] : memref<10240x128xf32, #tpu.memory_space<vmem_shared>> -> memref<40x128xf32, #tpu.memory_space<vmem_shared>>
      %dma_start3A_156 = arith.constant 0 : i32
      %dma_start3A_157 = tpu.memref_slice %arg13[%add3A_31, %dma_start3A_156] : memref<10240x128xf32, #tpu.memory_space<vmem_shared>> -> memref<40x128xf32, #tpu.memory_space<vmem_shared>>
      tpu.enqueue_dma source(%arg8 : memref<40x128xf32, #tpu.memory_space<vmem>>) target(%dma_start3A_157 : memref<40x128xf32, #tpu.memory_space<vmem_shared>>) target_semaphore(%run_scoped3A : memref<!tpu.dma_semaphore, #tpu.memory_space<semaphore_mem>>)
      %dma_wait3A_158 = arith.constant 0 : i32
      %dma_wait3A_159 = tpu.memref_slice %arg13[%add3A_31, %dma_wait3A_158] : memref<10240x128xf32, #tpu.memory_space<vmem_shared>> -> memref<40x128xf32, #tpu.memory_space<vmem_shared>>
      %dma_wait3A_160 = arith.constant 0 : i32
      %dma_wait3A_161 = tpu.memref_slice %arg13[%add3A_31, %dma_wait3A_160] : memref<10240x128xf32, #tpu.memory_space<vmem_shared>> -> memref<40x128xf32, #tpu.memory_space<vmem_shared>>
      tpu.wait_dma2 semaphore(%run_scoped3A : memref<!tpu.dma_semaphore, #tpu.memory_space<semaphore_mem>>) src(%arg8 : memref<40x128xf32, #tpu.memory_space<vmem>>) dst(%dma_wait3A_161 : memref<40x128xf32, #tpu.memory_space<vmem_shared>>)
      tpu.yield
    }) : () -> ()
    %mul3A_32 = arith.constant 640 : i32
    %mul3A_33 = arith.muli %arg1, %mul3A_32 : i32
    %add3A_34 = arith.constant 160 : i32
    %add3A_35 = arith.addi %mul3A_33, %add3A_34 : i32
    "tpu.region"() ({
      %run_scoped3A = tpu.sem_alloc : memref<!tpu.dma_semaphore, #tpu.memory_space<semaphore_mem>>
      %dma_start3A_154 = arith.constant 0 : i32
      %dma_start3A_155 = tpu.memref_slice %arg13[%add3A_35, %dma_start3A_154] : memref<10240x128xf32, #tpu.memory_space<vmem_shared>> -> memref<40x128xf32, #tpu.memory_space<vmem_shared>>
      %dma_start3A_156 = arith.constant 0 : i32
      %dma_start3A_157 = tpu.memref_slice %arg13[%add3A_35, %dma_start3A_156] : memref<10240x128xf32, #tpu.memory_space<vmem_shared>> -> memref<40x128xf32, #tpu.memory_space<vmem_shared>>
      tpu.enqueue_dma source(%arg8 : memref<40x128xf32, #tpu.memory_space<vmem>>) target(%dma_start3A_157 : memref<40x128xf32, #tpu.memory_space<vmem_shared>>) target_semaphore(%run_scoped3A : memref<!tpu.dma_semaphore, #tpu.memory_space<semaphore_mem>>)
      %dma_wait3A_158 = arith.constant 0 : i32
      %dma_wait3A_159 = tpu.memref_slice %arg13[%add3A_35, %dma_wait3A_158] : memref<10240x128xf32, #tpu.memory_space<vmem_shared>> -> memref<40x128xf32, #tpu.memory_space<vmem_shared>>
      %dma_wait3A_160 = arith.constant 0 : i32
      %dma_wait3A_161 = tpu.memref_slice %arg13[%add3A_35, %dma_wait3A_160] : memref<10240x128xf32, #tpu.memory_space<vmem_shared>> -> memref<40x128xf32, #tpu.memory_space<vmem_shared>>
      tpu.wait_dma2 semaphore(%run_scoped3A : memref<!tpu.dma_semaphore, #tpu.memory_space<semaphore_mem>>) src(%arg8 : memref<40x128xf32, #tpu.memory_space<vmem>>) dst(%dma_wait3A_161 : memref<40x128xf32, #tpu.memory_space<vmem_shared>>)
      tpu.yield
    }) : () -> ()
    %mul3A_36 = arith.constant 640 : i32
    %mul3A_37 = arith.muli %arg1, %mul3A_36 : i32
    %add3A_38 = arith.constant 200 : i32
    %add3A_39 = arith.addi %mul3A_37, %add3A_38 : i32
    "tpu.region"() ({
      %run_scoped3A = tpu.sem_alloc : memref<!tpu.dma_semaphore, #tpu.memory_space<semaphore_mem>>
      %dma_start3A_154 = arith.constant 0 : i32
      %dma_start3A_155 = tpu.memref_slice %arg13[%add3A_39, %dma_start3A_154] : memref<10240x128xf32, #tpu.memory_space<vmem_shared>> -> memref<40x128xf32, #tpu.memory_space<vmem_shared>>
      %dma_start3A_156 = arith.constant 0 : i32
      %dma_start3A_157 = tpu.memref_slice %arg13[%add3A_39, %dma_start3A_156] : memref<10240x128xf32, #tpu.memory_space<vmem_shared>> -> memref<40x128xf32, #tpu.memory_space<vmem_shared>>
      tpu.enqueue_dma source(%arg8 : memref<40x128xf32, #tpu.memory_space<vmem>>) target(%dma_start3A_157 : memref<40x128xf32, #tpu.memory_space<vmem_shared>>) target_semaphore(%run_scoped3A : memref<!tpu.dma_semaphore, #tpu.memory_space<semaphore_mem>>)
      %dma_wait3A_158 = arith.constant 0 : i32
      %dma_wait3A_159 = tpu.memref_slice %arg13[%add3A_39, %dma_wait3A_158] : memref<10240x128xf32, #tpu.memory_space<vmem_shared>> -> memref<40x128xf32, #tpu.memory_space<vmem_shared>>
      %dma_wait3A_160 = arith.constant 0 : i32
      %dma_wait3A_161 = tpu.memref_slice %arg13[%add3A_39, %dma_wait3A_160] : memref<10240x128xf32, #tpu.memory_space<vmem_shared>> -> memref<40x128xf32, #tpu.memory_space<vmem_shared>>
      tpu.wait_dma2 semaphore(%run_scoped3A : memref<!tpu.dma_semaphore, #tpu.memory_space<semaphore_mem>>) src(%arg8 : memref<40x128xf32, #tpu.memory_space<vmem>>) dst(%dma_wait3A_161 : memref<40x128xf32, #tpu.memory_space<vmem_shared>>)
      tpu.yield
    }) : () -> ()
    %mul3A_40 = arith.constant 640 : i32
    %mul3A_41 = arith.muli %arg1, %mul3A_40 : i32
    %add3A_42 = arith.constant 240 : i32
    %add3A_43 = arith.addi %mul3A_41, %add3A_42 : i32
    "tpu.region"() ({
      %run_scoped3A = tpu.sem_alloc : memref<!tpu.dma_semaphore, #tpu.memory_space<semaphore_mem>>
      %dma_start3A_154 = arith.constant 0 : i32
      %dma_start3A_155 = tpu.memref_slice %arg13[%add3A_43, %dma_start3A_154] : memref<10240x128xf32, #tpu.memory_space<vmem_shared>> -> memref<40x128xf32, #tpu.memory_space<vmem_shared>>
      %dma_start3A_156 = arith.constant 0 : i32
      %dma_start3A_157 = tpu.memref_slice %arg13[%add3A_43, %dma_start3A_156] : memref<10240x128xf32, #tpu.memory_space<vmem_shared>> -> memref<40x128xf32, #tpu.memory_space<vmem_shared>>
      tpu.enqueue_dma source(%arg8 : memref<40x128xf32, #tpu.memory_space<vmem>>) target(%dma_start3A_157 : memref<40x128xf32, #tpu.memory_space<vmem_shared>>) target_semaphore(%run_scoped3A : memref<!tpu.dma_semaphore, #tpu.memory_space<semaphore_mem>>)
      %dma_wait3A_158 = arith.constant 0 : i32
      %dma_wait3A_159 = tpu.memref_slice %arg13[%add3A_43, %dma_wait3A_158] : memref<10240x128xf32, #tpu.memory_space<vmem_shared>> -> memref<40x128xf32, #tpu.memory_space<vmem_shared>>
      %dma_wait3A_160 = arith.constant 0 : i32
      %dma_wait3A_161 = tpu.memref_slice %arg13[%add3A_43, %dma_wait3A_160] : memref<10240x128xf32, #tpu.memory_space<vmem_shared>> -> memref<40x128xf32, #tpu.memory_space<vmem_shared>>
      tpu.wait_dma2 semaphore(%run_scoped3A : memref<!tpu.dma_semaphore, #tpu.memory_space<semaphore_mem>>) src(%arg8 : memref<40x128xf32, #tpu.memory_space<vmem>>) dst(%dma_wait3A_161 : memref<40x128xf32, #tpu.memory_space<vmem_shared>>)
      tpu.yield
    }) : () -> ()
    %mul3A_44 = arith.constant 640 : i32
    %mul3A_45 = arith.muli %arg1, %mul3A_44 : i32
    %add3A_46 = arith.constant 280 : i32
    %add3A_47 = arith.addi %mul3A_45, %add3A_46 : i32
    "tpu.region"() ({
      %run_scoped3A = tpu.sem_alloc : memref<!tpu.dma_semaphore, #tpu.memory_space<semaphore_mem>>
      %dma_start3A_154 = arith.constant 0 : i32
      %dma_start3A_155 = tpu.memref_slice %arg13[%add3A_47, %dma_start3A_154] : memref<10240x128xf32, #tpu.memory_space<vmem_shared>> -> memref<40x128xf32, #tpu.memory_space<vmem_shared>>
      %dma_start3A_156 = arith.constant 0 : i32
      %dma_start3A_157 = tpu.memref_slice %arg13[%add3A_47, %dma_start3A_156] : memref<10240x128xf32, #tpu.memory_space<vmem_shared>> -> memref<40x128xf32, #tpu.memory_space<vmem_shared>>
      tpu.enqueue_dma source(%arg8 : memref<40x128xf32, #tpu.memory_space<vmem>>) target(%dma_start3A_157 : memref<40x128xf32, #tpu.memory_space<vmem_shared>>) target_semaphore(%run_scoped3A : memref<!tpu.dma_semaphore, #tpu.memory_space<semaphore_mem>>)
      %dma_wait3A_158 = arith.constant 0 : i32
      %dma_wait3A_159 = tpu.memref_slice %arg13[%add3A_47, %dma_wait3A_158] : memref<10240x128xf32, #tpu.memory_space<vmem_shared>> -> memref<40x128xf32, #tpu.memory_space<vmem_shared>>
      %dma_wait3A_160 = arith.constant 0 : i32
      %dma_wait3A_161 = tpu.memref_slice %arg13[%add3A_47, %dma_wait3A_160] : memref<10240x128xf32, #tpu.memory_space<vmem_shared>> -> memref<40x128xf32, #tpu.memory_space<vmem_shared>>
      tpu.wait_dma2 semaphore(%run_scoped3A : memref<!tpu.dma_semaphore, #tpu.memory_space<semaphore_mem>>) src(%arg8 : memref<40x128xf32, #tpu.memory_space<vmem>>) dst(%dma_wait3A_161 : memref<40x128xf32, #tpu.memory_space<vmem_shared>>)
      tpu.yield
    }) : () -> ()
    %mul3A_48 = arith.constant 640 : i32
    %mul3A_49 = arith.muli %arg1, %mul3A_48 : i32
    %add3A_50 = arith.constant 320 : i32
    %add3A_51 = arith.addi %mul3A_49, %add3A_50 : i32
    "tpu.region"() ({
      %run_scoped3A = tpu.sem_alloc : memref<!tpu.dma_semaphore, #tpu.memory_space<semaphore_mem>>
      %dma_start3A_154 = arith.constant 0 : i32
      %dma_start3A_155 = tpu.memref_slice %arg13[%add3A_51, %dma_start3A_154] : memref<10240x128xf32, #tpu.memory_space<vmem_shared>> -> memref<40x128xf32, #tpu.memory_space<vmem_shared>>
      %dma_start3A_156 = arith.constant 0 : i32
      %dma_start3A_157 = tpu.memref_slice %arg13[%add3A_51, %dma_start3A_156] : memref<10240x128xf32, #tpu.memory_space<vmem_shared>> -> memref<40x128xf32, #tpu.memory_space<vmem_shared>>
      tpu.enqueue_dma source(%arg8 : memref<40x128xf32, #tpu.memory_space<vmem>>) target(%dma_start3A_157 : memref<40x128xf32, #tpu.memory_space<vmem_shared>>) target_semaphore(%run_scoped3A : memref<!tpu.dma_semaphore, #tpu.memory_space<semaphore_mem>>)
      %dma_wait3A_158 = arith.constant 0 : i32
      %dma_wait3A_159 = tpu.memref_slice %arg13[%add3A_51, %dma_wait3A_158] : memref<10240x128xf32, #tpu.memory_space<vmem_shared>> -> memref<40x128xf32, #tpu.memory_space<vmem_shared>>
      %dma_wait3A_160 = arith.constant 0 : i32
      %dma_wait3A_161 = tpu.memref_slice %arg13[%add3A_51, %dma_wait3A_160] : memref<10240x128xf32, #tpu.memory_space<vmem_shared>> -> memref<40x128xf32, #tpu.memory_space<vmem_shared>>
      tpu.wait_dma2 semaphore(%run_scoped3A : memref<!tpu.dma_semaphore, #tpu.memory_space<semaphore_mem>>) src(%arg8 : memref<40x128xf32, #tpu.memory_space<vmem>>) dst(%dma_wait3A_161 : memref<40x128xf32, #tpu.memory_space<vmem_shared>>)
      tpu.yield
    }) : () -> ()
    %mul3A_52 = arith.constant 640 : i32
    %mul3A_53 = arith.muli %arg1, %mul3A_52 : i32
    %add3A_54 = arith.constant 360 : i32
    %add3A_55 = arith.addi %mul3A_53, %add3A_54 : i32
    "tpu.region"() ({
      %run_scoped3A = tpu.sem_alloc : memref<!tpu.dma_semaphore, #tpu.memory_space<semaphore_mem>>
      %dma_start3A_154 = arith.constant 0 : i32
      %dma_start3A_155 = tpu.memref_slice %arg13[%add3A_55, %dma_start3A_154] : memref<10240x128xf32, #tpu.memory_space<vmem_shared>> -> memref<40x128xf32, #tpu.memory_space<vmem_shared>>
      %dma_start3A_156 = arith.constant 0 : i32
      %dma_start3A_157 = tpu.memref_slice %arg13[%add3A_55, %dma_start3A_156] : memref<10240x128xf32, #tpu.memory_space<vmem_shared>> -> memref<40x128xf32, #tpu.memory_space<vmem_shared>>
      tpu.enqueue_dma source(%arg8 : memref<40x128xf32, #tpu.memory_space<vmem>>) target(%dma_start3A_157 : memref<40x128xf32, #tpu.memory_space<vmem_shared>>) target_semaphore(%run_scoped3A : memref<!tpu.dma_semaphore, #tpu.memory_space<semaphore_mem>>)
      %dma_wait3A_158 = arith.constant 0 : i32
      %dma_wait3A_159 = tpu.memref_slice %arg13[%add3A_55, %dma_wait3A_158] : memref<10240x128xf32, #tpu.memory_space<vmem_shared>> -> memref<40x128xf32, #tpu.memory_space<vmem_shared>>
      %dma_wait3A_160 = arith.constant 0 : i32
      %dma_wait3A_161 = tpu.memref_slice %arg13[%add3A_55, %dma_wait3A_160] : memref<10240x128xf32, #tpu.memory_space<vmem_shared>> -> memref<40x128xf32, #tpu.memory_space<vmem_shared>>
      tpu.wait_dma2 semaphore(%run_scoped3A : memref<!tpu.dma_semaphore, #tpu.memory_space<semaphore_mem>>) src(%arg8 : memref<40x128xf32, #tpu.memory_space<vmem>>) dst(%dma_wait3A_161 : memref<40x128xf32, #tpu.memory_space<vmem_shared>>)
      tpu.yield
    }) : () -> ()
    %mul3A_56 = arith.constant 640 : i32
    %mul3A_57 = arith.muli %arg1, %mul3A_56 : i32
    %add3A_58 = arith.constant 400 : i32
    %add3A_59 = arith.addi %mul3A_57, %add3A_58 : i32
    "tpu.region"() ({
      %run_scoped3A = tpu.sem_alloc : memref<!tpu.dma_semaphore, #tpu.memory_space<semaphore_mem>>
      %dma_start3A_154 = arith.constant 0 : i32
      %dma_start3A_155 = tpu.memref_slice %arg13[%add3A_59, %dma_start3A_154] : memref<10240x128xf32, #tpu.memory_space<vmem_shared>> -> memref<40x128xf32, #tpu.memory_space<vmem_shared>>
      %dma_start3A_156 = arith.constant 0 : i32
      %dma_start3A_157 = tpu.memref_slice %arg13[%add3A_59, %dma_start3A_156] : memref<10240x128xf32, #tpu.memory_space<vmem_shared>> -> memref<40x128xf32, #tpu.memory_space<vmem_shared>>
      tpu.enqueue_dma source(%arg8 : memref<40x128xf32, #tpu.memory_space<vmem>>) target(%dma_start3A_157 : memref<40x128xf32, #tpu.memory_space<vmem_shared>>) target_semaphore(%run_scoped3A : memref<!tpu.dma_semaphore, #tpu.memory_space<semaphore_mem>>)
      %dma_wait3A_158 = arith.constant 0 : i32
      %dma_wait3A_159 = tpu.memref_slice %arg13[%add3A_59, %dma_wait3A_158] : memref<10240x128xf32, #tpu.memory_space<vmem_shared>> -> memref<40x128xf32, #tpu.memory_space<vmem_shared>>
      %dma_wait3A_160 = arith.constant 0 : i32
      %dma_wait3A_161 = tpu.memref_slice %arg13[%add3A_59, %dma_wait3A_160] : memref<10240x128xf32, #tpu.memory_space<vmem_shared>> -> memref<40x128xf32, #tpu.memory_space<vmem_shared>>
      tpu.wait_dma2 semaphore(%run_scoped3A : memref<!tpu.dma_semaphore, #tpu.memory_space<semaphore_mem>>) src(%arg8 : memref<40x128xf32, #tpu.memory_space<vmem>>) dst(%dma_wait3A_161 : memref<40x128xf32, #tpu.memory_space<vmem_shared>>)
      tpu.yield
    }) : () -> ()
    %mul3A_60 = arith.constant 640 : i32
    %mul3A_61 = arith.muli %arg1, %mul3A_60 : i32
    %add3A_62 = arith.constant 440 : i32
    %add3A_63 = arith.addi %mul3A_61, %add3A_62 : i32
    "tpu.region"() ({
      %run_scoped3A = tpu.sem_alloc : memref<!tpu.dma_semaphore, #tpu.memory_space<semaphore_mem>>
      %dma_start3A_154 = arith.constant 0 : i32
      %dma_start3A_155 = tpu.memref_slice %arg13[%add3A_63, %dma_start3A_154] : memref<10240x128xf32, #tpu.memory_space<vmem_shared>> -> memref<40x128xf32, #tpu.memory_space<vmem_shared>>
      %dma_start3A_156 = arith.constant 0 : i32
      %dma_start3A_157 = tpu.memref_slice %arg13[%add3A_63, %dma_start3A_156] : memref<10240x128xf32, #tpu.memory_space<vmem_shared>> -> memref<40x128xf32, #tpu.memory_space<vmem_shared>>
      tpu.enqueue_dma source(%arg8 : memref<40x128xf32, #tpu.memory_space<vmem>>) target(%dma_start3A_157 : memref<40x128xf32, #tpu.memory_space<vmem_shared>>) target_semaphore(%run_scoped3A : memref<!tpu.dma_semaphore, #tpu.memory_space<semaphore_mem>>)
      %dma_wait3A_158 = arith.constant 0 : i32
      %dma_wait3A_159 = tpu.memref_slice %arg13[%add3A_63, %dma_wait3A_158] : memref<10240x128xf32, #tpu.memory_space<vmem_shared>> -> memref<40x128xf32, #tpu.memory_space<vmem_shared>>
      %dma_wait3A_160 = arith.constant 0 : i32
      %dma_wait3A_161 = tpu.memref_slice %arg13[%add3A_63, %dma_wait3A_160] : memref<10240x128xf32, #tpu.memory_space<vmem_shared>> -> memref<40x128xf32, #tpu.memory_space<vmem_shared>>
      tpu.wait_dma2 semaphore(%run_scoped3A : memref<!tpu.dma_semaphore, #tpu.memory_space<semaphore_mem>>) src(%arg8 : memref<40x128xf32, #tpu.memory_space<vmem>>) dst(%dma_wait3A_161 : memref<40x128xf32, #tpu.memory_space<vmem_shared>>)
      tpu.yield
    }) : () -> ()
    %mul3A_64 = arith.constant 640 : i32
    %mul3A_65 = arith.muli %arg1, %mul3A_64 : i32
    %add3A_66 = arith.constant 480 : i32
    %add3A_67 = arith.addi %mul3A_65, %add3A_66 : i32
    "tpu.region"() ({
      %run_scoped3A = tpu.sem_alloc : memref<!tpu.dma_semaphore, #tpu.memory_space<semaphore_mem>>
      %dma_start3A_154 = arith.constant 0 : i32
      %dma_start3A_155 = tpu.memref_slice %arg13[%add3A_67, %dma_start3A_154] : memref<10240x128xf32, #tpu.memory_space<vmem_shared>> -> memref<40x128xf32, #tpu.memory_space<vmem_shared>>
      %dma_start3A_156 = arith.constant 0 : i32
      %dma_start3A_157 = tpu.memref_slice %arg13[%add3A_67, %dma_start3A_156] : memref<10240x128xf32, #tpu.memory_space<vmem_shared>> -> memref<40x128xf32, #tpu.memory_space<vmem_shared>>
      tpu.enqueue_dma source(%arg8 : memref<40x128xf32, #tpu.memory_space<vmem>>) target(%dma_start3A_157 : memref<40x128xf32, #tpu.memory_space<vmem_shared>>) target_semaphore(%run_scoped3A : memref<!tpu.dma_semaphore, #tpu.memory_space<semaphore_mem>>)
      %dma_wait3A_158 = arith.constant 0 : i32
      %dma_wait3A_159 = tpu.memref_slice %arg13[%add3A_67, %dma_wait3A_158] : memref<10240x128xf32, #tpu.memory_space<vmem_shared>> -> memref<40x128xf32, #tpu.memory_space<vmem_shared>>
      %dma_wait3A_160 = arith.constant 0 : i32
      %dma_wait3A_161 = tpu.memref_slice %arg13[%add3A_67, %dma_wait3A_160] : memref<10240x128xf32, #tpu.memory_space<vmem_shared>> -> memref<40x128xf32, #tpu.memory_space<vmem_shared>>
      tpu.wait_dma2 semaphore(%run_scoped3A : memref<!tpu.dma_semaphore, #tpu.memory_space<semaphore_mem>>) src(%arg8 : memref<40x128xf32, #tpu.memory_space<vmem>>) dst(%dma_wait3A_161 : memref<40x128xf32, #tpu.memory_space<vmem_shared>>)
      tpu.yield
    }) : () -> ()
    %mul3A_68 = arith.constant 640 : i32
    %mul3A_69 = arith.muli %arg1, %mul3A_68 : i32
    %add3A_70 = arith.constant 520 : i32
    %add3A_71 = arith.addi %mul3A_69, %add3A_70 : i32
    "tpu.region"() ({
      %run_scoped3A = tpu.sem_alloc : memref<!tpu.dma_semaphore, #tpu.memory_space<semaphore_mem>>
      %dma_start3A_154 = arith.constant 0 : i32
      %dma_start3A_155 = tpu.memref_slice %arg13[%add3A_71, %dma_start3A_154] : memref<10240x128xf32, #tpu.memory_space<vmem_shared>> -> memref<40x128xf32, #tpu.memory_space<vmem_shared>>
      %dma_start3A_156 = arith.constant 0 : i32
      %dma_start3A_157 = tpu.memref_slice %arg13[%add3A_71, %dma_start3A_156] : memref<10240x128xf32, #tpu.memory_space<vmem_shared>> -> memref<40x128xf32, #tpu.memory_space<vmem_shared>>
      tpu.enqueue_dma source(%arg8 : memref<40x128xf32, #tpu.memory_space<vmem>>) target(%dma_start3A_157 : memref<40x128xf32, #tpu.memory_space<vmem_shared>>) target_semaphore(%run_scoped3A : memref<!tpu.dma_semaphore, #tpu.memory_space<semaphore_mem>>)
      %dma_wait3A_158 = arith.constant 0 : i32
      %dma_wait3A_159 = tpu.memref_slice %arg13[%add3A_71, %dma_wait3A_158] : memref<10240x128xf32, #tpu.memory_space<vmem_shared>> -> memref<40x128xf32, #tpu.memory_space<vmem_shared>>
      %dma_wait3A_160 = arith.constant 0 : i32
      %dma_wait3A_161 = tpu.memref_slice %arg13[%add3A_71, %dma_wait3A_160] : memref<10240x128xf32, #tpu.memory_space<vmem_shared>> -> memref<40x128xf32, #tpu.memory_space<vmem_shared>>
      tpu.wait_dma2 semaphore(%run_scoped3A : memref<!tpu.dma_semaphore, #tpu.memory_space<semaphore_mem>>) src(%arg8 : memref<40x128xf32, #tpu.memory_space<vmem>>) dst(%dma_wait3A_161 : memref<40x128xf32, #tpu.memory_space<vmem_shared>>)
      tpu.yield
    }) : () -> ()
    %mul3A_72 = arith.constant 640 : i32
    %mul3A_73 = arith.muli %arg1, %mul3A_72 : i32
    %add3A_74 = arith.constant 560 : i32
    %add3A_75 = arith.addi %mul3A_73, %add3A_74 : i32
    "tpu.region"() ({
      %run_scoped3A = tpu.sem_alloc : memref<!tpu.dma_semaphore, #tpu.memory_space<semaphore_mem>>
      %dma_start3A_154 = arith.constant 0 : i32
      %dma_start3A_155 = tpu.memref_slice %arg13[%add3A_75, %dma_start3A_154] : memref<10240x128xf32, #tpu.memory_space<vmem_shared>> -> memref<40x128xf32, #tpu.memory_space<vmem_shared>>
      %dma_start3A_156 = arith.constant 0 : i32
      %dma_start3A_157 = tpu.memref_slice %arg13[%add3A_75, %dma_start3A_156] : memref<10240x128xf32, #tpu.memory_space<vmem_shared>> -> memref<40x128xf32, #tpu.memory_space<vmem_shared>>
      tpu.enqueue_dma source(%arg8 : memref<40x128xf32, #tpu.memory_space<vmem>>) target(%dma_start3A_157 : memref<40x128xf32, #tpu.memory_space<vmem_shared>>) target_semaphore(%run_scoped3A : memref<!tpu.dma_semaphore, #tpu.memory_space<semaphore_mem>>)
      %dma_wait3A_158 = arith.constant 0 : i32
      %dma_wait3A_159 = tpu.memref_slice %arg13[%add3A_75, %dma_wait3A_158] : memref<10240x128xf32, #tpu.memory_space<vmem_shared>> -> memref<40x128xf32, #tpu.memory_space<vmem_shared>>
      %dma_wait3A_160 = arith.constant 0 : i32
      %dma_wait3A_161 = tpu.memref_slice %arg13[%add3A_75, %dma_wait3A_160] : memref<10240x128xf32, #tpu.memory_space<vmem_shared>> -> memref<40x128xf32, #tpu.memory_space<vmem_shared>>
      tpu.wait_dma2 semaphore(%run_scoped3A : memref<!tpu.dma_semaphore, #tpu.memory_space<semaphore_mem>>) src(%arg8 : memref<40x128xf32, #tpu.memory_space<vmem>>) dst(%dma_wait3A_161 : memref<40x128xf32, #tpu.memory_space<vmem_shared>>)
      tpu.yield
    }) : () -> ()
    %mul3A_76 = arith.constant 640 : i32
    %mul3A_77 = arith.muli %arg1, %mul3A_76 : i32
    %add3A_78 = arith.constant 600 : i32
    %add3A_79 = arith.addi %mul3A_77, %add3A_78 : i32
    "tpu.region"() ({
      %run_scoped3A = tpu.sem_alloc : memref<!tpu.dma_semaphore, #tpu.memory_space<semaphore_mem>>
      %dma_start3A_154 = arith.constant 0 : i32
      %dma_start3A_155 = tpu.memref_slice %arg13[%add3A_79, %dma_start3A_154] : memref<10240x128xf32, #tpu.memory_space<vmem_shared>> -> memref<40x128xf32, #tpu.memory_space<vmem_shared>>
      %dma_start3A_156 = arith.constant 0 : i32
      %dma_start3A_157 = tpu.memref_slice %arg13[%add3A_79, %dma_start3A_156] : memref<10240x128xf32, #tpu.memory_space<vmem_shared>> -> memref<40x128xf32, #tpu.memory_space<vmem_shared>>
      tpu.enqueue_dma source(%arg8 : memref<40x128xf32, #tpu.memory_space<vmem>>) target(%dma_start3A_157 : memref<40x128xf32, #tpu.memory_space<vmem_shared>>) target_semaphore(%run_scoped3A : memref<!tpu.dma_semaphore, #tpu.memory_space<semaphore_mem>>)
      %dma_wait3A_158 = arith.constant 0 : i32
      %dma_wait3A_159 = tpu.memref_slice %arg13[%add3A_79, %dma_wait3A_158] : memref<10240x128xf32, #tpu.memory_space<vmem_shared>> -> memref<40x128xf32, #tpu.memory_space<vmem_shared>>
      %dma_wait3A_160 = arith.constant 0 : i32
      %dma_wait3A_161 = tpu.memref_slice %arg13[%add3A_79, %dma_wait3A_160] : memref<10240x128xf32, #tpu.memory_space<vmem_shared>> -> memref<40x128xf32, #tpu.memory_space<vmem_shared>>
      tpu.wait_dma2 semaphore(%run_scoped3A : memref<!tpu.dma_semaphore, #tpu.memory_space<semaphore_mem>>) src(%arg8 : memref<40x128xf32, #tpu.memory_space<vmem>>) dst(%dma_wait3A_161 : memref<40x128xf32, #tpu.memory_space<vmem_shared>>)
      tpu.yield
    }) : () -> ()
    %dma_wait3A = arith.constant 0 : i32
    %dma_wait3A_80 = tpu.memref_slice %arg3[%mul3A_2, %dma_wait3A] : memref<8000x40xi32, #tpu.memory_space<hbm>> -> memref<250x40xi32, #tpu.memory_space<hbm>>
    %dma_wait3A_81 = arith.constant 0 : i32
    %dma_wait3A_82 = tpu.memref_slice %arg3[%mul3A_2, %dma_wait3A_81] : memref<8000x40xi32, #tpu.memory_space<hbm>> -> memref<250x40xi32, #tpu.memory_space<hbm>>
    tpu.wait_dma2 semaphore(%arg14 : memref<!tpu.dma_semaphore, #tpu.memory_space<semaphore_mem>>) src(%dma_wait3A_82 : memref<250x40xi32, #tpu.memory_space<hbm>>) dst(%arg6 : memref<250x40xi32, #tpu.memory_space<vmem>>)
    %dma_wait3A_83 = arith.constant 0 : i32
    %dma_wait3A_84 = tpu.memref_slice %arg4[%mul3A_2, %dma_wait3A_83] : memref<8000x40xi32, #tpu.memory_space<hbm>> -> memref<250x40xi32, #tpu.memory_space<hbm>>
    %dma_wait3A_85 = arith.constant 0 : i32
    %dma_wait3A_86 = tpu.memref_slice %arg4[%mul3A_2, %dma_wait3A_85] : memref<8000x40xi32, #tpu.memory_space<hbm>> -> memref<250x40xi32, #tpu.memory_space<hbm>>
    tpu.wait_dma2 semaphore(%arg15 : memref<!tpu.dma_semaphore, #tpu.memory_space<semaphore_mem>>) src(%dma_wait3A_86 : memref<250x40xi32, #tpu.memory_space<hbm>>) dst(%arg7 : memref<250x40xi32, #tpu.memory_space<vmem>>)
    %barrier3A = arith.constant 0 : index
    tpu.barrier barrier_id(%barrier3A)
    %dma_start3A_87 = arith.constant 0 : i32
    %dma_start3A_88 = arith.constant 0 : i32
    %dma_start3A_89 = tpu.memref_slice %arg6[%dma_start3A_87, %dma_start3A_88] : memref<250x40xi32, #tpu.memory_space<vmem>> -> memref<1x40xi32, #tpu.memory_space<vmem>>
    %dma_start3A_90 = tpu.memref_squeeze %dma_start3A_89 : memref<1x40xi32, #tpu.memory_space<vmem>> -> memref<40xi32, #tpu.memory_space<vmem>>
    %dma_start3A_91 = arith.constant 0 : i32
    %dma_start3A_92 = arith.constant 0 : i32
    %dma_start3A_93 = tpu.memref_slice %arg2[%dma_start3A_91, %dma_start3A_92] : memref<10000x128xf32, #tpu.memory_space<hbm>> -> memref<10000x128xf32, #tpu.memory_space<hbm>>
    tpu.enqueue_indirect_dma source(%dma_start3A_93 : memref<10000x128xf32, #tpu.memory_space<hbm>>) target(%arg8 : memref<40x128xf32, #tpu.memory_space<vmem>>) offsets(%dma_start3A_90 : memref<40xi32, #tpu.memory_space<vmem>>) semaphore(%arg14 : memref<!tpu.dma_semaphore, #tpu.memory_space<semaphore_mem>>)
    %dma_start3A_94 = arith.constant 1 : i32
    %dma_start3A_95 = arith.constant 0 : i32
    %dma_start3A_96 = tpu.memref_slice %arg6[%dma_start3A_94, %dma_start3A_95] : memref<250x40xi32, #tpu.memory_space<vmem>> -> memref<1x40xi32, #tpu.memory_space<vmem>>
    %dma_start3A_97 = tpu.memref_squeeze %dma_start3A_96 : memref<1x40xi32, #tpu.memory_space<vmem>> -> memref<40xi32, #tpu.memory_space<vmem>>
    %dma_start3A_98 = arith.constant 0 : i32
    %dma_start3A_99 = arith.constant 0 : i32
    %dma_start3A_100 = tpu.memref_slice %arg2[%dma_start3A_98, %dma_start3A_99] : memref<10000x128xf32, #tpu.memory_space<hbm>> -> memref<10000x128xf32, #tpu.memory_space<hbm>>
    tpu.enqueue_indirect_dma source(%dma_start3A_100 : memref<10000x128xf32, #tpu.memory_space<hbm>>) target(%arg9 : memref<40x128xf32, #tpu.memory_space<vmem>>) offsets(%dma_start3A_97 : memref<40xi32, #tpu.memory_space<vmem>>) semaphore(%arg15 : memref<!tpu.dma_semaphore, #tpu.memory_space<semaphore_mem>>)
    %dma_start3A_101 = arith.constant 2 : i32
    %dma_start3A_102 = arith.constant 0 : i32
    %dma_start3A_103 = tpu.memref_slice %arg6[%dma_start3A_101, %dma_start3A_102] : memref<250x40xi32, #tpu.memory_space<vmem>> -> memref<1x40xi32, #tpu.memory_space<vmem>>
    %dma_start3A_104 = tpu.memref_squeeze %dma_start3A_103 : memref<1x40xi32, #tpu.memory_space<vmem>> -> memref<40xi32, #tpu.memory_space<vmem>>
    %dma_start3A_105 = arith.constant 0 : i32
    %dma_start3A_106 = arith.constant 0 : i32
    %dma_start3A_107 = tpu.memref_slice %arg2[%dma_start3A_105, %dma_start3A_106] : memref<10000x128xf32, #tpu.memory_space<hbm>> -> memref<10000x128xf32, #tpu.memory_space<hbm>>
    tpu.enqueue_indirect_dma source(%dma_start3A_107 : memref<10000x128xf32, #tpu.memory_space<hbm>>) target(%arg10 : memref<40x128xf32, #tpu.memory_space<vmem>>) offsets(%dma_start3A_104 : memref<40xi32, #tpu.memory_space<vmem>>) semaphore(%arg16 : memref<!tpu.dma_semaphore, #tpu.memory_space<semaphore_mem>>)
    %dma_start3A_108 = arith.constant 3 : i32
    %dma_start3A_109 = arith.constant 0 : i32
    %dma_start3A_110 = tpu.memref_slice %arg6[%dma_start3A_108, %dma_start3A_109] : memref<250x40xi32, #tpu.memory_space<vmem>> -> memref<1x40xi32, #tpu.memory_space<vmem>>
    %dma_start3A_111 = tpu.memref_squeeze %dma_start3A_110 : memref<1x40xi32, #tpu.memory_space<vmem>> -> memref<40xi32, #tpu.memory_space<vmem>>
    %dma_start3A_112 = arith.constant 0 : i32
    %dma_start3A_113 = arith.constant 0 : i32
    %dma_start3A_114 = tpu.memref_slice %arg2[%dma_start3A_112, %dma_start3A_113] : memref<10000x128xf32, #tpu.memory_space<hbm>> -> memref<10000x128xf32, #tpu.memory_space<hbm>>
    tpu.enqueue_indirect_dma source(%dma_start3A_114 : memref<10000x128xf32, #tpu.memory_space<hbm>>) target(%arg11 : memref<40x128xf32, #tpu.memory_space<vmem>>) offsets(%dma_start3A_111 : memref<40xi32, #tpu.memory_space<vmem>>) semaphore(%arg17 : memref<!tpu.dma_semaphore, #tpu.memory_space<semaphore_mem>>)
    %scan3A_115 = arith.constant 0 : i32
    %scan3A_116 = arith.constant 0 : i32
    %scan3A_117 = arith.constant 50 : i32
    %scan3A_118 = arith.addi %scan3A_116, %scan3A_117 : i32
    %scan3A_119 = arith.constant 1 : i32
    scf.for %scan3A_154 = %scan3A_116 to %scan3A_118 step %scan3A_119  : i32 {
      %mul3A_155 = arith.constant 5 : i32
      %mul3A_156 = arith.muli %mul3A_155, %scan3A_154 : i32
      %add3A_157 = arith.constant 0 : i32
      %add3A_158 = arith.addi %mul3A_156, %add3A_157 : i32
      %add3A_159 = arith.constant 4 : i32
      %add3A_160 = arith.addi %add3A_158, %add3A_159 : i32
      %ge3A = arith.constant 250 : i32
      %ge3A_161 = arith.cmpi sge, %add3A_160, %ge3A : i32
      %sub3A = arith.constant 250 : i32
      %sub3A_162 = arith.subi %add3A_160, %sub3A : i32
      %select_n3A = arith.select %ge3A_161, %sub3A_162, %add3A_160 : i32
      %dma_wait3A_163 = arith.constant 0 : i32
      %dma_wait3A_164 = tpu.memref_slice %arg6[%add3A_158, %dma_wait3A_163] : memref<250x40xi32, #tpu.memory_space<vmem>> -> memref<1x40xi32, #tpu.memory_space<vmem>>
      %dma_wait3A_165 = tpu.memref_squeeze %dma_wait3A_164 : memref<1x40xi32, #tpu.memory_space<vmem>> -> memref<40xi32, #tpu.memory_space<vmem>>
      %dma_wait3A_166 = arith.constant 0 : i32
      %dma_wait3A_167 = arith.constant 0 : i32
      %dma_wait3A_168 = tpu.memref_slice %arg2[%dma_wait3A_166, %dma_wait3A_167] : memref<10000x128xf32, #tpu.memory_space<hbm>> -> memref<10000x128xf32, #tpu.memory_space<hbm>>
      tpu.wait_indirect_dma semaphore(%arg14 : memref<!tpu.dma_semaphore, #tpu.memory_space<semaphore_mem>>) src(%dma_wait3A_168 : memref<10000x128xf32, #tpu.memory_space<hbm>>) dst(%arg8 : memref<40x128xf32, #tpu.memory_space<vmem>>)
      %dma_start3A_169 = arith.constant 0 : i32
      %dma_start3A_170 = tpu.memref_slice %arg6[%select_n3A, %dma_start3A_169] : memref<250x40xi32, #tpu.memory_space<vmem>> -> memref<1x40xi32, #tpu.memory_space<vmem>>
      %dma_start3A_171 = tpu.memref_squeeze %dma_start3A_170 : memref<1x40xi32, #tpu.memory_space<vmem>> -> memref<40xi32, #tpu.memory_space<vmem>>
      %dma_start3A_172 = arith.constant 0 : i32
      %dma_start3A_173 = arith.constant 0 : i32
      %dma_start3A_174 = tpu.memref_slice %arg2[%dma_start3A_172, %dma_start3A_173] : memref<10000x128xf32, #tpu.memory_space<hbm>> -> memref<10000x128xf32, #tpu.memory_space<hbm>>
      tpu.enqueue_indirect_dma source(%dma_start3A_174 : memref<10000x128xf32, #tpu.memory_space<hbm>>) target(%arg12 : memref<40x128xf32, #tpu.memory_space<vmem>>) offsets(%dma_start3A_171 : memref<40xi32, #tpu.memory_space<vmem>>) semaphore(%arg18 : memref<!tpu.dma_semaphore, #tpu.memory_space<semaphore_mem>>)
      "tpu.region"() ({
        %run_scoped3A = tpu.sem_alloc : memref<!tpu.dma_semaphore, #tpu.memory_space<semaphore_mem>>
        %dma_start3A_259 = arith.constant 0 : i32
        %dma_start3A_260 = tpu.memref_slice %arg7[%add3A_158, %dma_start3A_259] : memref<250x40xi32, #tpu.memory_space<vmem>> -> memref<1x40xi32, #tpu.memory_space<vmem>>
        %dma_start3A_261 = tpu.memref_squeeze %dma_start3A_260 : memref<1x40xi32, #tpu.memory_space<vmem>> -> memref<40xi32, #tpu.memory_space<vmem>>
        %dma_start3A_262 = arith.constant 0 : i32
        %dma_start3A_263 = arith.constant 0 : i32
        %dma_start3A_264 = tpu.memref_slice %arg13[%dma_start3A_262, %dma_start3A_263] : memref<10240x128xf32, #tpu.memory_space<vmem_shared>> -> memref<10240x128xf32, #tpu.memory_space<vmem_shared>>
        tpu.enqueue_indirect_dma source(%arg8 : memref<40x128xf32, #tpu.memory_space<vmem>>) target(%dma_start3A_264 : memref<10240x128xf32, #tpu.memory_space<vmem_shared>>) offsets(%dma_start3A_261 : memref<40xi32, #tpu.memory_space<vmem>>) semaphore(%run_scoped3A : memref<!tpu.dma_semaphore, #tpu.memory_space<semaphore_mem>>) {add = true}
        %dma_wait3A_265 = arith.constant 0 : i32
        %dma_wait3A_266 = tpu.memref_slice %arg7[%add3A_158, %dma_wait3A_265] : memref<250x40xi32, #tpu.memory_space<vmem>> -> memref<1x40xi32, #tpu.memory_space<vmem>>
        %dma_wait3A_267 = tpu.memref_squeeze %dma_wait3A_266 : memref<1x40xi32, #tpu.memory_space<vmem>> -> memref<40xi32, #tpu.memory_space<vmem>>
        %dma_wait3A_268 = arith.constant 0 : i32
        %dma_wait3A_269 = arith.constant 0 : i32
        %dma_wait3A_270 = tpu.memref_slice %arg13[%dma_wait3A_268, %dma_wait3A_269] : memref<10240x128xf32, #tpu.memory_space<vmem_shared>> -> memref<10240x128xf32, #tpu.memory_space<vmem_shared>>
        tpu.wait_indirect_dma semaphore(%run_scoped3A : memref<!tpu.dma_semaphore, #tpu.memory_space<semaphore_mem>>) src(%arg8 : memref<40x128xf32, #tpu.memory_space<vmem>>) dst(%dma_wait3A_270 : memref<10240x128xf32, #tpu.memory_space<vmem_shared>>)
        tpu.yield
      }) : () -> ()
      %add3A_175 = arith.constant 1 : i32
      %add3A_176 = arith.addi %mul3A_156, %add3A_175 : i32
      %add3A_177 = arith.constant 4 : i32
      %add3A_178 = arith.addi %add3A_176, %add3A_177 : i32
      %ge3A_179 = arith.constant 250 : i32
      %ge3A_180 = arith.cmpi sge, %add3A_178, %ge3A_179 : i32
      %sub3A_181 = arith.constant 250 : i32
      %sub3A_182 = arith.subi %add3A_178, %sub3A_181 : i32
      %select_n3A_183 = arith.select %ge3A_180, %sub3A_182, %add3A_178 : i32
      %dma_wait3A_184 = arith.constant 0 : i32
      %dma_wait3A_185 = tpu.memref_slice %arg6[%add3A_176, %dma_wait3A_184] : memref<250x40xi32, #tpu.memory_space<vmem>> -> memref<1x40xi32, #tpu.memory_space<vmem>>
      %dma_wait3A_186 = tpu.memref_squeeze %dma_wait3A_185 : memref<1x40xi32, #tpu.memory_space<vmem>> -> memref<40xi32, #tpu.memory_space<vmem>>
      %dma_wait3A_187 = arith.constant 0 : i32
      %dma_wait3A_188 = arith.constant 0 : i32
      %dma_wait3A_189 = tpu.memref_slice %arg2[%dma_wait3A_187, %dma_wait3A_188] : memref<10000x128xf32, #tpu.memory_space<hbm>> -> memref<10000x128xf32, #tpu.memory_space<hbm>>
      tpu.wait_indirect_dma semaphore(%arg15 : memref<!tpu.dma_semaphore, #tpu.memory_space<semaphore_mem>>) src(%dma_wait3A_189 : memref<10000x128xf32, #tpu.memory_space<hbm>>) dst(%arg9 : memref<40x128xf32, #tpu.memory_space<vmem>>)
      %dma_start3A_190 = arith.constant 0 : i32
      %dma_start3A_191 = tpu.memref_slice %arg6[%select_n3A_183, %dma_start3A_190] : memref<250x40xi32, #tpu.memory_space<vmem>> -> memref<1x40xi32, #tpu.memory_space<vmem>>
      %dma_start3A_192 = tpu.memref_squeeze %dma_start3A_191 : memref<1x40xi32, #tpu.memory_space<vmem>> -> memref<40xi32, #tpu.memory_space<vmem>>
      %dma_start3A_193 = arith.constant 0 : i32
      %dma_start3A_194 = arith.constant 0 : i32
      %dma_start3A_195 = tpu.memref_slice %arg2[%dma_start3A_193, %dma_start3A_194] : memref<10000x128xf32, #tpu.memory_space<hbm>> -> memref<10000x128xf32, #tpu.memory_space<hbm>>
      tpu.enqueue_indirect_dma source(%dma_start3A_195 : memref<10000x128xf32, #tpu.memory_space<hbm>>) target(%arg8 : memref<40x128xf32, #tpu.memory_space<vmem>>) offsets(%dma_start3A_192 : memref<40xi32, #tpu.memory_space<vmem>>) semaphore(%arg14 : memref<!tpu.dma_semaphore, #tpu.memory_space<semaphore_mem>>)
      "tpu.region"() ({
        %run_scoped3A = tpu.sem_alloc : memref<!tpu.dma_semaphore, #tpu.memory_space<semaphore_mem>>
        %dma_start3A_259 = arith.constant 0 : i32
        %dma_start3A_260 = tpu.memref_slice %arg7[%add3A_176, %dma_start3A_259] : memref<250x40xi32, #tpu.memory_space<vmem>> -> memref<1x40xi32, #tpu.memory_space<vmem>>
        %dma_start3A_261 = tpu.memref_squeeze %dma_start3A_260 : memref<1x40xi32, #tpu.memory_space<vmem>> -> memref<40xi32, #tpu.memory_space<vmem>>
        %dma_start3A_262 = arith.constant 0 : i32
        %dma_start3A_263 = arith.constant 0 : i32
        %dma_start3A_264 = tpu.memref_slice %arg13[%dma_start3A_262, %dma_start3A_263] : memref<10240x128xf32, #tpu.memory_space<vmem_shared>> -> memref<10240x128xf32, #tpu.memory_space<vmem_shared>>
        tpu.enqueue_indirect_dma source(%arg9 : memref<40x128xf32, #tpu.memory_space<vmem>>) target(%dma_start3A_264 : memref<10240x128xf32, #tpu.memory_space<vmem_shared>>) offsets(%dma_start3A_261 : memref<40xi32, #tpu.memory_space<vmem>>) semaphore(%run_scoped3A : memref<!tpu.dma_semaphore, #tpu.memory_space<semaphore_mem>>) {add = true}
        %dma_wait3A_265 = arith.constant 0 : i32
        %dma_wait3A_266 = tpu.memref_slice %arg7[%add3A_176, %dma_wait3A_265] : memref<250x40xi32, #tpu.memory_space<vmem>> -> memref<1x40xi32, #tpu.memory_space<vmem>>
        %dma_wait3A_267 = tpu.memref_squeeze %dma_wait3A_266 : memref<1x40xi32, #tpu.memory_space<vmem>> -> memref<40xi32, #tpu.memory_space<vmem>>
        %dma_wait3A_268 = arith.constant 0 : i32
        %dma_wait3A_269 = arith.constant 0 : i32
        %dma_wait3A_270 = tpu.memref_slice %arg13[%dma_wait3A_268, %dma_wait3A_269] : memref<10240x128xf32, #tpu.memory_space<vmem_shared>> -> memref<10240x128xf32, #tpu.memory_space<vmem_shared>>
        tpu.wait_indirect_dma semaphore(%run_scoped3A : memref<!tpu.dma_semaphore, #tpu.memory_space<semaphore_mem>>) src(%arg9 : memref<40x128xf32, #tpu.memory_space<vmem>>) dst(%dma_wait3A_270 : memref<10240x128xf32, #tpu.memory_space<vmem_shared>>)
        tpu.yield
      }) : () -> ()
      %add3A_196 = arith.constant 2 : i32
      %add3A_197 = arith.addi %mul3A_156, %add3A_196 : i32
      %add3A_198 = arith.constant 4 : i32
      %add3A_199 = arith.addi %add3A_197, %add3A_198 : i32
      %ge3A_200 = arith.constant 250 : i32
      %ge3A_201 = arith.cmpi sge, %add3A_199, %ge3A_200 : i32
      %sub3A_202 = arith.constant 250 : i32
      %sub3A_203 = arith.subi %add3A_199, %sub3A_202 : i32
      %select_n3A_204 = arith.select %ge3A_201, %sub3A_203, %add3A_199 : i32
      %dma_wait3A_205 = arith.constant 0 : i32
      %dma_wait3A_206 = tpu.memref_slice %arg6[%add3A_197, %dma_wait3A_205] : memref<250x40xi32, #tpu.memory_space<vmem>> -> memref<1x40xi32, #tpu.memory_space<vmem>>
      %dma_wait3A_207 = tpu.memref_squeeze %dma_wait3A_206 : memref<1x40xi32, #tpu.memory_space<vmem>> -> memref<40xi32, #tpu.memory_space<vmem>>
      %dma_wait3A_208 = arith.constant 0 : i32
      %dma_wait3A_209 = arith.constant 0 : i32
      %dma_wait3A_210 = tpu.memref_slice %arg2[%dma_wait3A_208, %dma_wait3A_209] : memref<10000x128xf32, #tpu.memory_space<hbm>> -> memref<10000x128xf32, #tpu.memory_space<hbm>>
      tpu.wait_indirect_dma semaphore(%arg16 : memref<!tpu.dma_semaphore, #tpu.memory_space<semaphore_mem>>) src(%dma_wait3A_210 : memref<10000x128xf32, #tpu.memory_space<hbm>>) dst(%arg10 : memref<40x128xf32, #tpu.memory_space<vmem>>)
      %dma_start3A_211 = arith.constant 0 : i32
      %dma_start3A_212 = tpu.memref_slice %arg6[%select_n3A_204, %dma_start3A_211] : memref<250x40xi32, #tpu.memory_space<vmem>> -> memref<1x40xi32, #tpu.memory_space<vmem>>
      %dma_start3A_213 = tpu.memref_squeeze %dma_start3A_212 : memref<1x40xi32, #tpu.memory_space<vmem>> -> memref<40xi32, #tpu.memory_space<vmem>>
      %dma_start3A_214 = arith.constant 0 : i32
      %dma_start3A_215 = arith.constant 0 : i32
      %dma_start3A_216 = tpu.memref_slice %arg2[%dma_start3A_214, %dma_start3A_215] : memref<10000x128xf32, #tpu.memory_space<hbm>> -> memref<10000x128xf32, #tpu.memory_space<hbm>>
      tpu.enqueue_indirect_dma source(%dma_start3A_216 : memref<10000x128xf32, #tpu.memory_space<hbm>>) target(%arg9 : memref<40x128xf32, #tpu.memory_space<vmem>>) offsets(%dma_start3A_213 : memref<40xi32, #tpu.memory_space<vmem>>) semaphore(%arg15 : memref<!tpu.dma_semaphore, #tpu.memory_space<semaphore_mem>>)
      "tpu.region"() ({
        %run_scoped3A = tpu.sem_alloc : memref<!tpu.dma_semaphore, #tpu.memory_space<semaphore_mem>>
        %dma_start3A_259 = arith.constant 0 : i32
        %dma_start3A_260 = tpu.memref_slice %arg7[%add3A_197, %dma_start3A_259] : memref<250x40xi32, #tpu.memory_space<vmem>> -> memref<1x40xi32, #tpu.memory_space<vmem>>
        %dma_start3A_261 = tpu.memref_squeeze %dma_start3A_260 : memref<1x40xi32, #tpu.memory_space<vmem>> -> memref<40xi32, #tpu.memory_space<vmem>>
        %dma_start3A_262 = arith.constant 0 : i32
        %dma_start3A_263 = arith.constant 0 : i32
        %dma_start3A_264 = tpu.memref_slice %arg13[%dma_start3A_262, %dma_start3A_263] : memref<10240x128xf32, #tpu.memory_space<vmem_shared>> -> memref<10240x128xf32, #tpu.memory_space<vmem_shared>>
        tpu.enqueue_indirect_dma source(%arg10 : memref<40x128xf32, #tpu.memory_space<vmem>>) target(%dma_start3A_264 : memref<10240x128xf32, #tpu.memory_space<vmem_shared>>) offsets(%dma_start3A_261 : memref<40xi32, #tpu.memory_space<vmem>>) semaphore(%run_scoped3A : memref<!tpu.dma_semaphore, #tpu.memory_space<semaphore_mem>>) {add = true}
        %dma_wait3A_265 = arith.constant 0 : i32
        %dma_wait3A_266 = tpu.memref_slice %arg7[%add3A_197, %dma_wait3A_265] : memref<250x40xi32, #tpu.memory_space<vmem>> -> memref<1x40xi32, #tpu.memory_space<vmem>>
        %dma_wait3A_267 = tpu.memref_squeeze %dma_wait3A_266 : memref<1x40xi32, #tpu.memory_space<vmem>> -> memref<40xi32, #tpu.memory_space<vmem>>
        %dma_wait3A_268 = arith.constant 0 : i32
        %dma_wait3A_269 = arith.constant 0 : i32
        %dma_wait3A_270 = tpu.memref_slice %arg13[%dma_wait3A_268, %dma_wait3A_269] : memref<10240x128xf32, #tpu.memory_space<vmem_shared>> -> memref<10240x128xf32, #tpu.memory_space<vmem_shared>>
        tpu.wait_indirect_dma semaphore(%run_scoped3A : memref<!tpu.dma_semaphore, #tpu.memory_space<semaphore_mem>>) src(%arg10 : memref<40x128xf32, #tpu.memory_space<vmem>>) dst(%dma_wait3A_270 : memref<10240x128xf32, #tpu.memory_space<vmem_shared>>)
        tpu.yield
      }) : () -> ()
      %add3A_217 = arith.constant 3 : i32
      %add3A_218 = arith.addi %mul3A_156, %add3A_217 : i32
      %add3A_219 = arith.constant 4 : i32
      %add3A_220 = arith.addi %add3A_218, %add3A_219 : i32
      %ge3A_221 = arith.constant 250 : i32
      %ge3A_222 = arith.cmpi sge, %add3A_220, %ge3A_221 : i32
      %sub3A_223 = arith.constant 250 : i32
      %sub3A_224 = arith.subi %add3A_220, %sub3A_223 : i32
      %select_n3A_225 = arith.select %ge3A_222, %sub3A_224, %add3A_220 : i32
      %dma_wait3A_226 = arith.constant 0 : i32
      %dma_wait3A_227 = tpu.memref_slice %arg6[%add3A_218, %dma_wait3A_226] : memref<250x40xi32, #tpu.memory_space<vmem>> -> memref<1x40xi32, #tpu.memory_space<vmem>>
      %dma_wait3A_228 = tpu.memref_squeeze %dma_wait3A_227 : memref<1x40xi32, #tpu.memory_space<vmem>> -> memref<40xi32, #tpu.memory_space<vmem>>
      %dma_wait3A_229 = arith.constant 0 : i32
      %dma_wait3A_230 = arith.constant 0 : i32
      %dma_wait3A_231 = tpu.memref_slice %arg2[%dma_wait3A_229, %dma_wait3A_230] : memref<10000x128xf32, #tpu.memory_space<hbm>> -> memref<10000x128xf32, #tpu.memory_space<hbm>>
      tpu.wait_indirect_dma semaphore(%arg17 : memref<!tpu.dma_semaphore, #tpu.memory_space<semaphore_mem>>) src(%dma_wait3A_231 : memref<10000x128xf32, #tpu.memory_space<hbm>>) dst(%arg11 : memref<40x128xf32, #tpu.memory_space<vmem>>)
      %dma_start3A_232 = arith.constant 0 : i32
      %dma_start3A_233 = tpu.memref_slice %arg6[%select_n3A_225, %dma_start3A_232] : memref<250x40xi32, #tpu.memory_space<vmem>> -> memref<1x40xi32, #tpu.memory_space<vmem>>
      %dma_start3A_234 = tpu.memref_squeeze %dma_start3A_233 : memref<1x40xi32, #tpu.memory_space<vmem>> -> memref<40xi32, #tpu.memory_space<vmem>>
      %dma_start3A_235 = arith.constant 0 : i32
      %dma_start3A_236 = arith.constant 0 : i32
      %dma_start3A_237 = tpu.memref_slice %arg2[%dma_start3A_235, %dma_start3A_236] : memref<10000x128xf32, #tpu.memory_space<hbm>> -> memref<10000x128xf32, #tpu.memory_space<hbm>>
      tpu.enqueue_indirect_dma source(%dma_start3A_237 : memref<10000x128xf32, #tpu.memory_space<hbm>>) target(%arg10 : memref<40x128xf32, #tpu.memory_space<vmem>>) offsets(%dma_start3A_234 : memref<40xi32, #tpu.memory_space<vmem>>) semaphore(%arg16 : memref<!tpu.dma_semaphore, #tpu.memory_space<semaphore_mem>>)
      "tpu.region"() ({
        %run_scoped3A = tpu.sem_alloc : memref<!tpu.dma_semaphore, #tpu.memory_space<semaphore_mem>>
        %dma_start3A_259 = arith.constant 0 : i32
        %dma_start3A_260 = tpu.memref_slice %arg7[%add3A_218, %dma_start3A_259] : memref<250x40xi32, #tpu.memory_space<vmem>> -> memref<1x40xi32, #tpu.memory_space<vmem>>
        %dma_start3A_261 = tpu.memref_squeeze %dma_start3A_260 : memref<1x40xi32, #tpu.memory_space<vmem>> -> memref<40xi32, #tpu.memory_space<vmem>>
        %dma_start3A_262 = arith.constant 0 : i32
        %dma_start3A_263 = arith.constant 0 : i32
        %dma_start3A_264 = tpu.memref_slice %arg13[%dma_start3A_262, %dma_start3A_263] : memref<10240x128xf32, #tpu.memory_space<vmem_shared>> -> memref<10240x128xf32, #tpu.memory_space<vmem_shared>>
        tpu.enqueue_indirect_dma source(%arg11 : memref<40x128xf32, #tpu.memory_space<vmem>>) target(%dma_start3A_264 : memref<10240x128xf32, #tpu.memory_space<vmem_shared>>) offsets(%dma_start3A_261 : memref<40xi32, #tpu.memory_space<vmem>>) semaphore(%run_scoped3A : memref<!tpu.dma_semaphore, #tpu.memory_space<semaphore_mem>>) {add = true}
        %dma_wait3A_265 = arith.constant 0 : i32
        %dma_wait3A_266 = tpu.memref_slice %arg7[%add3A_218, %dma_wait3A_265] : memref<250x40xi32, #tpu.memory_space<vmem>> -> memref<1x40xi32, #tpu.memory_space<vmem>>
        %dma_wait3A_267 = tpu.memref_squeeze %dma_wait3A_266 : memref<1x40xi32, #tpu.memory_space<vmem>> -> memref<40xi32, #tpu.memory_space<vmem>>
        %dma_wait3A_268 = arith.constant 0 : i32
        %dma_wait3A_269 = arith.constant 0 : i32
        %dma_wait3A_270 = tpu.memref_slice %arg13[%dma_wait3A_268, %dma_wait3A_269] : memref<10240x128xf32, #tpu.memory_space<vmem_shared>> -> memref<10240x128xf32, #tpu.memory_space<vmem_shared>>
        tpu.wait_indirect_dma semaphore(%run_scoped3A : memref<!tpu.dma_semaphore, #tpu.memory_space<semaphore_mem>>) src(%arg11 : memref<40x128xf32, #tpu.memory_space<vmem>>) dst(%dma_wait3A_270 : memref<10240x128xf32, #tpu.memory_space<vmem_shared>>)
        tpu.yield
      }) : () -> ()
      %add3A_238 = arith.constant 4 : i32
      %add3A_239 = arith.addi %mul3A_156, %add3A_238 : i32
      %add3A_240 = arith.constant 4 : i32
      %add3A_241 = arith.addi %add3A_239, %add3A_240 : i32
      %ge3A_242 = arith.constant 250 : i32
      %ge3A_243 = arith.cmpi sge, %add3A_241, %ge3A_242 : i32
      %sub3A_244 = arith.constant 250 : i32
      %sub3A_245 = arith.subi %add3A_241, %sub3A_244 : i32
      %select_n3A_246 = arith.select %ge3A_243, %sub3A_245, %add3A_241 : i32
      %dma_wait3A_247 = arith.constant 0 : i32
      %dma_wait3A_248 = tpu.memref_slice %arg6[%add3A_239, %dma_wait3A_247] : memref<250x40xi32, #tpu.memory_space<vmem>> -> memref<1x40xi32, #tpu.memory_space<vmem>>
      %dma_wait3A_249 = tpu.memref_squeeze %dma_wait3A_248 : memref<1x40xi32, #tpu.memory_space<vmem>> -> memref<40xi32, #tpu.memory_space<vmem>>
      %dma_wait3A_250 = arith.constant 0 : i32
      %dma_wait3A_251 = arith.constant 0 : i32
      %dma_wait3A_252 = tpu.memref_slice %arg2[%dma_wait3A_250, %dma_wait3A_251] : memref<10000x128xf32, #tpu.memory_space<hbm>> -> memref<10000x128xf32, #tpu.memory_space<hbm>>
      tpu.wait_indirect_dma semaphore(%arg18 : memref<!tpu.dma_semaphore, #tpu.memory_space<semaphore_mem>>) src(%dma_wait3A_252 : memref<10000x128xf32, #tpu.memory_space<hbm>>) dst(%arg12 : memref<40x128xf32, #tpu.memory_space<vmem>>)
      %dma_start3A_253 = arith.constant 0 : i32
      %dma_start3A_254 = tpu.memref_slice %arg6[%select_n3A_246, %dma_start3A_253] : memref<250x40xi32, #tpu.memory_space<vmem>> -> memref<1x40xi32, #tpu.memory_space<vmem>>
      %dma_start3A_255 = tpu.memref_squeeze %dma_start3A_254 : memref<1x40xi32, #tpu.memory_space<vmem>> -> memref<40xi32, #tpu.memory_space<vmem>>
      %dma_start3A_256 = arith.constant 0 : i32
      %dma_start3A_257 = arith.constant 0 : i32
      %dma_start3A_258 = tpu.memref_slice %arg2[%dma_start3A_256, %dma_start3A_257] : memref<10000x128xf32, #tpu.memory_space<hbm>> -> memref<10000x128xf32, #tpu.memory_space<hbm>>
      tpu.enqueue_indirect_dma source(%dma_start3A_258 : memref<10000x128xf32, #tpu.memory_space<hbm>>) target(%arg11 : memref<40x128xf32, #tpu.memory_space<vmem>>) offsets(%dma_start3A_255 : memref<40xi32, #tpu.memory_space<vmem>>) semaphore(%arg17 : memref<!tpu.dma_semaphore, #tpu.memory_space<semaphore_mem>>)
      "tpu.region"() ({
        %run_scoped3A = tpu.sem_alloc : memref<!tpu.dma_semaphore, #tpu.memory_space<semaphore_mem>>
        %dma_start3A_259 = arith.constant 0 : i32
        %dma_start3A_260 = tpu.memref_slice %arg7[%add3A_239, %dma_start3A_259] : memref<250x40xi32, #tpu.memory_space<vmem>> -> memref<1x40xi32, #tpu.memory_space<vmem>>
        %dma_start3A_261 = tpu.memref_squeeze %dma_start3A_260 : memref<1x40xi32, #tpu.memory_space<vmem>> -> memref<40xi32, #tpu.memory_space<vmem>>
        %dma_start3A_262 = arith.constant 0 : i32
        %dma_start3A_263 = arith.constant 0 : i32
        %dma_start3A_264 = tpu.memref_slice %arg13[%dma_start3A_262, %dma_start3A_263] : memref<10240x128xf32, #tpu.memory_space<vmem_shared>> -> memref<10240x128xf32, #tpu.memory_space<vmem_shared>>
        tpu.enqueue_indirect_dma source(%arg12 : memref<40x128xf32, #tpu.memory_space<vmem>>) target(%dma_start3A_264 : memref<10240x128xf32, #tpu.memory_space<vmem_shared>>) offsets(%dma_start3A_261 : memref<40xi32, #tpu.memory_space<vmem>>) semaphore(%run_scoped3A : memref<!tpu.dma_semaphore, #tpu.memory_space<semaphore_mem>>) {add = true}
        %dma_wait3A_265 = arith.constant 0 : i32
        %dma_wait3A_266 = tpu.memref_slice %arg7[%add3A_239, %dma_wait3A_265] : memref<250x40xi32, #tpu.memory_space<vmem>> -> memref<1x40xi32, #tpu.memory_space<vmem>>
        %dma_wait3A_267 = tpu.memref_squeeze %dma_wait3A_266 : memref<1x40xi32, #tpu.memory_space<vmem>> -> memref<40xi32, #tpu.memory_space<vmem>>
        %dma_wait3A_268 = arith.constant 0 : i32
        %dma_wait3A_269 = arith.constant 0 : i32
        %dma_wait3A_270 = tpu.memref_slice %arg13[%dma_wait3A_268, %dma_wait3A_269] : memref<10240x128xf32, #tpu.memory_space<vmem_shared>> -> memref<10240x128xf32, #tpu.memory_space<vmem_shared>>
        tpu.wait_indirect_dma semaphore(%run_scoped3A : memref<!tpu.dma_semaphore, #tpu.memory_space<semaphore_mem>>) src(%arg12 : memref<40x128xf32, #tpu.memory_space<vmem>>) dst(%dma_wait3A_270 : memref<10240x128xf32, #tpu.memory_space<vmem_shared>>)
        tpu.yield
      }) : () -> ()
    }
    %scan3A_120 = arith.constant 50 : i32
    %dma_wait3A_121 = arith.constant 0 : i32
    %dma_wait3A_122 = arith.constant 0 : i32
    %dma_wait3A_123 = tpu.memref_slice %arg6[%dma_wait3A_121, %dma_wait3A_122] : memref<250x40xi32, #tpu.memory_space<vmem>> -> memref<1x40xi32, #tpu.memory_space<vmem>>
    %dma_wait3A_124 = tpu.memref_squeeze %dma_wait3A_123 : memref<1x40xi32, #tpu.memory_space<vmem>> -> memref<40xi32, #tpu.memory_space<vmem>>
    %dma_wait3A_125 = arith.constant 0 : i32
    %dma_wait3A_126 = arith.constant 0 : i32
    %dma_wait3A_127 = tpu.memref_slice %arg2[%dma_wait3A_125, %dma_wait3A_126] : memref<10000x128xf32, #tpu.memory_space<hbm>> -> memref<10000x128xf32, #tpu.memory_space<hbm>>
    tpu.wait_indirect_dma semaphore(%arg14 : memref<!tpu.dma_semaphore, #tpu.memory_space<semaphore_mem>>) src(%dma_wait3A_127 : memref<10000x128xf32, #tpu.memory_space<hbm>>) dst(%arg8 : memref<40x128xf32, #tpu.memory_space<vmem>>)
    %dma_wait3A_128 = arith.constant 1 : i32
    %dma_wait3A_129 = arith.constant 0 : i32
    %dma_wait3A_130 = tpu.memref_slice %arg6[%dma_wait3A_128, %dma_wait3A_129] : memref<250x40xi32, #tpu.memory_space<vmem>> -> memref<1x40xi32, #tpu.memory_space<vmem>>
    %dma_wait3A_131 = tpu.memref_squeeze %dma_wait3A_130 : memref<1x40xi32, #tpu.memory_space<vmem>> -> memref<40xi32, #tpu.memory_space<vmem>>
    %dma_wait3A_132 = arith.constant 0 : i32
    %dma_wait3A_133 = arith.constant 0 : i32
    %dma_wait3A_134 = tpu.memref_slice %arg2[%dma_wait3A_132, %dma_wait3A_133] : memref<10000x128xf32, #tpu.memory_space<hbm>> -> memref<10000x128xf32, #tpu.memory_space<hbm>>
    tpu.wait_indirect_dma semaphore(%arg15 : memref<!tpu.dma_semaphore, #tpu.memory_space<semaphore_mem>>) src(%dma_wait3A_134 : memref<10000x128xf32, #tpu.memory_space<hbm>>) dst(%arg9 : memref<40x128xf32, #tpu.memory_space<vmem>>)
    %dma_wait3A_135 = arith.constant 2 : i32
    %dma_wait3A_136 = arith.constant 0 : i32
    %dma_wait3A_137 = tpu.memref_slice %arg6[%dma_wait3A_135, %dma_wait3A_136] : memref<250x40xi32, #tpu.memory_space<vmem>> -> memref<1x40xi32, #tpu.memory_space<vmem>>
    %dma_wait3A_138 = tpu.memref_squeeze %dma_wait3A_137 : memref<1x40xi32, #tpu.memory_space<vmem>> -> memref<40xi32, #tpu.memory_space<vmem>>
    %dma_wait3A_139 = arith.constant 0 : i32
    %dma_wait3A_140 = arith.constant 0 : i32
    %dma_wait3A_141 = tpu.memref_slice %arg2[%dma_wait3A_139, %dma_wait3A_140] : memref<10000x128xf32, #tpu.memory_space<hbm>> -> memref<10000x128xf32, #tpu.memory_space<hbm>>
    tpu.wait_indirect_dma semaphore(%arg16 : memref<!tpu.dma_semaphore, #tpu.memory_space<semaphore_mem>>) src(%dma_wait3A_141 : memref<10000x128xf32, #tpu.memory_space<hbm>>) dst(%arg10 : memref<40x128xf32, #tpu.memory_space<vmem>>)
    %dma_wait3A_142 = arith.constant 3 : i32
    %dma_wait3A_143 = arith.constant 0 : i32
    %dma_wait3A_144 = tpu.memref_slice %arg6[%dma_wait3A_142, %dma_wait3A_143] : memref<250x40xi32, #tpu.memory_space<vmem>> -> memref<1x40xi32, #tpu.memory_space<vmem>>
    %dma_wait3A_145 = tpu.memref_squeeze %dma_wait3A_144 : memref<1x40xi32, #tpu.memory_space<vmem>> -> memref<40xi32, #tpu.memory_space<vmem>>
    %dma_wait3A_146 = arith.constant 0 : i32
    %dma_wait3A_147 = arith.constant 0 : i32
    %dma_wait3A_148 = tpu.memref_slice %arg2[%dma_wait3A_146, %dma_wait3A_147] : memref<10000x128xf32, #tpu.memory_space<hbm>> -> memref<10000x128xf32, #tpu.memory_space<hbm>>
    tpu.wait_indirect_dma semaphore(%arg17 : memref<!tpu.dma_semaphore, #tpu.memory_space<semaphore_mem>>) src(%dma_wait3A_148 : memref<10000x128xf32, #tpu.memory_space<hbm>>) dst(%arg11 : memref<40x128xf32, #tpu.memory_space<vmem>>)
    %barrier3A_149 = arith.constant 0 : index
    tpu.barrier barrier_id(%barrier3A_149)
    %mul3A_150 = arith.constant 640 : i32
    %mul3A_151 = arith.muli %arg1, %mul3A_150 : i32
    %mul3A_152 = arith.constant 640 : i32
    %mul3A_153 = arith.muli %arg1, %mul3A_152 : i32
    "tpu.region"() ({
      %run_scoped3A = tpu.sem_alloc : memref<!tpu.dma_semaphore, #tpu.memory_space<semaphore_mem>>
      %dma_start3A_154 = arith.constant 0 : i32
      %dma_start3A_155 = tpu.memref_slice %arg5[%arg0, %mul3A_153, %dma_start3A_154] : memref<2x10240x128xf32, #tpu.memory_space<hbm>> -> memref<1x640x128xf32, #tpu.memory_space<hbm>>
      %dma_start3A_156 = tpu.memref_squeeze %dma_start3A_155 : memref<1x640x128xf32, #tpu.memory_space<hbm>> -> memref<640x128xf32, #tpu.memory_space<hbm>>
      %dma_start3A_157 = arith.constant 0 : i32
      %dma_start3A_158 = tpu.memref_slice %arg13[%mul3A_151, %dma_start3A_157] : memref<10240x128xf32, #tpu.memory_space<vmem_shared>> -> memref<640x128xf32, #tpu.memory_space<vmem_shared>>
      tpu.enqueue_dma source(%dma_start3A_158 : memref<640x128xf32, #tpu.memory_space<vmem_shared>>) target(%dma_start3A_156 : memref<640x128xf32, #tpu.memory_space<hbm>>) target_semaphore(%run_scoped3A : memref<!tpu.dma_semaphore, #tpu.memory_space<semaphore_mem>>)
      %dma_wait3A_159 = arith.constant 0 : i32
      %dma_wait3A_160 = tpu.memref_slice %arg5[%arg0, %mul3A_153, %dma_wait3A_159] : memref<2x10240x128xf32, #tpu.memory_space<hbm>> -> memref<1x640x128xf32, #tpu.memory_space<hbm>>
      %dma_wait3A_161 = tpu.memref_squeeze %dma_wait3A_160 : memref<1x640x128xf32, #tpu.memory_space<hbm>> -> memref<640x128xf32, #tpu.memory_space<hbm>>
      %dma_wait3A_162 = arith.constant 0 : i32
      %dma_wait3A_163 = tpu.memref_slice %arg13[%mul3A_151, %dma_wait3A_162] : memref<10240x128xf32, #tpu.memory_space<vmem_shared>> -> memref<640x128xf32, #tpu.memory_space<vmem_shared>>
      tpu.wait_dma2 semaphore(%run_scoped3A : memref<!tpu.dma_semaphore, #tpu.memory_space<semaphore_mem>>) src(%dma_wait3A_163 : memref<640x128xf32, #tpu.memory_space<vmem_shared>>) dst(%dma_wait3A_161 : memref<640x128xf32, #tpu.memory_space<hbm>>)
      tpu.yield
    }) : () -> ()
    return
  }
}

#map = affine_map<(d0, d1) -> (0, 0)>
#map1 = affine_map<(d0, d1) -> (0, 0, 0)>
module attributes {stable_mosaic.version = 14 : i64} {
  func.func @k(%arg0: i32, %arg1: i32, %arg2: memref<10000x64xf32, #tpu.memory_space<hbm>>, %arg3: memref<6400x50xi32, #tpu.memory_space<hbm>>, %arg4: memref<6400x50xi32, #tpu.memory_space<hbm>>, %arg5: memref<2x10240x64xf32, #tpu.memory_space<hbm>>, %arg6: memref<200x50xi32, #tpu.memory_space<vmem>>, %arg7: memref<200x50xi32, #tpu.memory_space<vmem>>, %arg8: memref<50x64xf32, #tpu.memory_space<vmem>>, %arg9: memref<50x64xf32, #tpu.memory_space<vmem>>, %arg10: memref<50x64xf32, #tpu.memory_space<vmem>>, %arg11: memref<50x64xf32, #tpu.memory_space<vmem>>, %arg12: memref<50x64xf32, #tpu.memory_space<vmem>>, %arg13: memref<50x64xf32, #tpu.memory_space<vmem>>, %arg14: memref<50x64xf32, #tpu.memory_space<vmem>>, %arg15: memref<50x64xf32, #tpu.memory_space<vmem>>, %arg16: memref<50x64xf32, #tpu.memory_space<vmem>>, %arg17: memref<50x64xf32, #tpu.memory_space<vmem>>, %arg18: memref<10240x64xf32, #tpu.memory_space<vmem_shared>>, %arg19: memref<!tpu.dma_semaphore, #tpu.memory_space<semaphore_mem>>, %arg20: memref<!tpu.dma_semaphore, #tpu.memory_space<semaphore_mem>>, %arg21: memref<!tpu.dma_semaphore, #tpu.memory_space<semaphore_mem>>, %arg22: memref<!tpu.dma_semaphore, #tpu.memory_space<semaphore_mem>>, %arg23: memref<!tpu.dma_semaphore, #tpu.memory_space<semaphore_mem>>, %arg24: memref<!tpu.dma_semaphore, #tpu.memory_space<semaphore_mem>>, %arg25: memref<!tpu.dma_semaphore, #tpu.memory_space<semaphore_mem>>, %arg26: memref<!tpu.dma_semaphore, #tpu.memory_space<semaphore_mem>>, %arg27: memref<!tpu.dma_semaphore, #tpu.memory_space<semaphore_mem>>, %arg28: memref<!tpu.dma_semaphore, #tpu.memory_space<semaphore_mem>>) attributes {dimension_semantics = [#tpu.dimension_semantics<core_parallel>, #tpu.dimension_semantics<subcore_parallel>], iteration_bounds = array<i64: 2, 16>, scalar_prefetch = 0 : i64, scratch_operands = 23 : i64, tpu.core_type = #tpu.core_type<sc_vector_subcore>, window_params = [{transform_indices = #map}, {transform_indices = #map}, {transform_indices = #map}, {transform_indices = #map1}]} {
    %mul3A = arith.constant 2 : i32
    %mul3A_0 = arith.muli %arg1, %mul3A : i32
    %add3A = arith.addi %mul3A_0, %arg0 : i32
    %mul3A_1 = arith.constant 200 : i32
    %mul3A_2 = arith.muli %add3A, %mul3A_1 : i32
    %dma_start3A = arith.constant 0 : i32
    %dma_start3A_3 = tpu.memref_slice %arg3[%mul3A_2, %dma_start3A] : memref<6400x50xi32, #tpu.memory_space<hbm>> -> memref<200x50xi32, #tpu.memory_space<hbm>>
    %dma_start3A_4 = arith.constant 0 : i32
    %dma_start3A_5 = tpu.memref_slice %arg3[%mul3A_2, %dma_start3A_4] : memref<6400x50xi32, #tpu.memory_space<hbm>> -> memref<200x50xi32, #tpu.memory_space<hbm>>
    tpu.enqueue_dma source(%dma_start3A_5 : memref<200x50xi32, #tpu.memory_space<hbm>>) target(%arg6 : memref<200x50xi32, #tpu.memory_space<vmem>>) target_semaphore(%arg19 : memref<!tpu.dma_semaphore, #tpu.memory_space<semaphore_mem>>)
    %dma_start3A_6 = arith.constant 0 : i32
    %dma_start3A_7 = tpu.memref_slice %arg4[%mul3A_2, %dma_start3A_6] : memref<6400x50xi32, #tpu.memory_space<hbm>> -> memref<200x50xi32, #tpu.memory_space<hbm>>
    %dma_start3A_8 = arith.constant 0 : i32
    %dma_start3A_9 = tpu.memref_slice %arg4[%mul3A_2, %dma_start3A_8] : memref<6400x50xi32, #tpu.memory_space<hbm>> -> memref<200x50xi32, #tpu.memory_space<hbm>>
    tpu.enqueue_dma source(%dma_start3A_9 : memref<200x50xi32, #tpu.memory_space<hbm>>) target(%arg7 : memref<200x50xi32, #tpu.memory_space<vmem>>) target_semaphore(%arg20 : memref<!tpu.dma_semaphore, #tpu.memory_space<semaphore_mem>>)
    %broadcast_in_dim3A = arith.constant 0.000000e+00 : f32
    %broadcast_in_dim3A_10 = vector.broadcast %broadcast_in_dim3A : f32 to vector<16xf32>
    %scan3A = arith.constant 0 : i32
    %scan3A_11 = arith.constant 0 : i32
    %scan3A_12 = arith.constant 50 : i32
    %scan3A_13 = arith.addi %scan3A_11, %scan3A_12 : i32
    %scan3A_14 = arith.constant 1 : i32
    scf.for %scan3A_212 = %scan3A_11 to %scan3A_13 step %scan3A_14  : i32 {
      %swap3A = arith.index_cast %scan3A_212 : i32 to index
      %swap3A_213 = arith.constant 0 : index
      %swap3A_214 = tpu.vector_load %arg8[%swap3A, %swap3A_213] {strides = array<i32>} : memref<50x64xf32, #tpu.memory_space<vmem>>, vector<1x16xf32>,
      %swap3A_215 = vector.shape_cast %swap3A_214 : vector<1x16xf32> to vector<16xf32>
      %swap3A_216 = vector.shape_cast %broadcast_in_dim3A_10 : vector<16xf32> to vector<1x16xf32>
      tpu.vector_store %arg8[%swap3A, %swap3A_213], %swap3A_216 {strides = array<i32>} : memref<50x64xf32, #tpu.memory_space<vmem>>, vector<1x16xf32>,
      %swap3A_217 = arith.index_cast %scan3A_212 : i32 to index
      %swap3A_218 = arith.constant 16 : index
      %swap3A_219 = tpu.vector_load %arg8[%swap3A_217, %swap3A_218] {strides = array<i32>} : memref<50x64xf32, #tpu.memory_space<vmem>>, vector<1x16xf32>,
      %swap3A_220 = vector.shape_cast %swap3A_219 : vector<1x16xf32> to vector<16xf32>
      %swap3A_221 = vector.shape_cast %broadcast_in_dim3A_10 : vector<16xf32> to vector<1x16xf32>
      tpu.vector_store %arg8[%swap3A_217, %swap3A_218], %swap3A_221 {strides = array<i32>} : memref<50x64xf32, #tpu.memory_space<vmem>>, vector<1x16xf32>,
      %swap3A_222 = arith.index_cast %scan3A_212 : i32 to index
      %swap3A_223 = arith.constant 32 : index
      %swap3A_224 = tpu.vector_load %arg8[%swap3A_222, %swap3A_223] {strides = array<i32>} : memref<50x64xf32, #tpu.memory_space<vmem>>, vector<1x16xf32>,
      %swap3A_225 = vector.shape_cast %swap3A_224 : vector<1x16xf32> to vector<16xf32>
      %swap3A_226 = vector.shape_cast %broadcast_in_dim3A_10 : vector<16xf32> to vector<1x16xf32>
      tpu.vector_store %arg8[%swap3A_222, %swap3A_223], %swap3A_226 {strides = array<i32>} : memref<50x64xf32, #tpu.memory_space<vmem>>, vector<1x16xf32>,
      %swap3A_227 = arith.index_cast %scan3A_212 : i32 to index
      %swap3A_228 = arith.constant 48 : index
      %swap3A_229 = tpu.vector_load %arg8[%swap3A_227, %swap3A_228] {strides = array<i32>} : memref<50x64xf32, #tpu.memory_space<vmem>>, vector<1x16xf32>,
      %swap3A_230 = vector.shape_cast %swap3A_229 : vector<1x16xf32> to vector<16xf32>
      %swap3A_231 = vector.shape_cast %broadcast_in_dim3A_10 : vector<16xf32> to vector<1x16xf32>
      tpu.vector_store %arg8[%swap3A_227, %swap3A_228], %swap3A_231 {strides = array<i32>} : memref<50x64xf32, #tpu.memory_space<vmem>>, vector<1x16xf32>,
    }
    %scan3A_15 = arith.constant 50 : i32
    %mul3A_16 = arith.constant 640 : i32
    %mul3A_17 = arith.muli %arg1, %mul3A_16 : i32
    %add3A_18 = arith.constant 0 : i32
    %add3A_19 = arith.addi %mul3A_17, %add3A_18 : i32
    "tpu.region"() ({
      %run_scoped3A = tpu.sem_alloc : memref<!tpu.dma_semaphore, #tpu.memory_space<semaphore_mem>>
      %dma_start3A_212 = arith.constant 0 : i32
      %dma_start3A_213 = tpu.memref_slice %arg18[%add3A_19, %dma_start3A_212] : memref<10240x64xf32, #tpu.memory_space<vmem_shared>> -> memref<50x64xf32, #tpu.memory_space<vmem_shared>>
      %dma_start3A_214 = arith.constant 0 : i32
      %dma_start3A_215 = tpu.memref_slice %arg18[%add3A_19, %dma_start3A_214] : memref<10240x64xf32, #tpu.memory_space<vmem_shared>> -> memref<50x64xf32, #tpu.memory_space<vmem_shared>>
      tpu.enqueue_dma source(%arg8 : memref<50x64xf32, #tpu.memory_space<vmem>>) target(%dma_start3A_215 : memref<50x64xf32, #tpu.memory_space<vmem_shared>>) target_semaphore(%run_scoped3A : memref<!tpu.dma_semaphore, #tpu.memory_space<semaphore_mem>>)
      %dma_wait3A_216 = arith.constant 0 : i32
      %dma_wait3A_217 = tpu.memref_slice %arg18[%add3A_19, %dma_wait3A_216] : memref<10240x64xf32, #tpu.memory_space<vmem_shared>> -> memref<50x64xf32, #tpu.memory_space<vmem_shared>>
      %dma_wait3A_218 = arith.constant 0 : i32
      %dma_wait3A_219 = tpu.memref_slice %arg18[%add3A_19, %dma_wait3A_218] : memref<10240x64xf32, #tpu.memory_space<vmem_shared>> -> memref<50x64xf32, #tpu.memory_space<vmem_shared>>
      tpu.wait_dma2 semaphore(%run_scoped3A : memref<!tpu.dma_semaphore, #tpu.memory_space<semaphore_mem>>) src(%arg8 : memref<50x64xf32, #tpu.memory_space<vmem>>) dst(%dma_wait3A_219 : memref<50x64xf32, #tpu.memory_space<vmem_shared>>)
      tpu.yield
    }) : () -> ()
    %mul3A_20 = arith.constant 640 : i32
    %mul3A_21 = arith.muli %arg1, %mul3A_20 : i32
    %add3A_22 = arith.constant 50 : i32
    %add3A_23 = arith.addi %mul3A_21, %add3A_22 : i32
    "tpu.region"() ({
      %run_scoped3A = tpu.sem_alloc : memref<!tpu.dma_semaphore, #tpu.memory_space<semaphore_mem>>
      %dma_start3A_212 = arith.constant 0 : i32
      %dma_start3A_213 = tpu.memref_slice %arg18[%add3A_23, %dma_start3A_212] : memref<10240x64xf32, #tpu.memory_space<vmem_shared>> -> memref<50x64xf32, #tpu.memory_space<vmem_shared>>
      %dma_start3A_214 = arith.constant 0 : i32
      %dma_start3A_215 = tpu.memref_slice %arg18[%add3A_23, %dma_start3A_214] : memref<10240x64xf32, #tpu.memory_space<vmem_shared>> -> memref<50x64xf32, #tpu.memory_space<vmem_shared>>
      tpu.enqueue_dma source(%arg8 : memref<50x64xf32, #tpu.memory_space<vmem>>) target(%dma_start3A_215 : memref<50x64xf32, #tpu.memory_space<vmem_shared>>) target_semaphore(%run_scoped3A : memref<!tpu.dma_semaphore, #tpu.memory_space<semaphore_mem>>)
      %dma_wait3A_216 = arith.constant 0 : i32
      %dma_wait3A_217 = tpu.memref_slice %arg18[%add3A_23, %dma_wait3A_216] : memref<10240x64xf32, #tpu.memory_space<vmem_shared>> -> memref<50x64xf32, #tpu.memory_space<vmem_shared>>
      %dma_wait3A_218 = arith.constant 0 : i32
      %dma_wait3A_219 = tpu.memref_slice %arg18[%add3A_23, %dma_wait3A_218] : memref<10240x64xf32, #tpu.memory_space<vmem_shared>> -> memref<50x64xf32, #tpu.memory_space<vmem_shared>>
      tpu.wait_dma2 semaphore(%run_scoped3A : memref<!tpu.dma_semaphore, #tpu.memory_space<semaphore_mem>>) src(%arg8 : memref<50x64xf32, #tpu.memory_space<vmem>>) dst(%dma_wait3A_219 : memref<50x64xf32, #tpu.memory_space<vmem_shared>>)
      tpu.yield
    }) : () -> ()
    %mul3A_24 = arith.constant 640 : i32
    %mul3A_25 = arith.muli %arg1, %mul3A_24 : i32
    %add3A_26 = arith.constant 100 : i32
    %add3A_27 = arith.addi %mul3A_25, %add3A_26 : i32
    "tpu.region"() ({
      %run_scoped3A = tpu.sem_alloc : memref<!tpu.dma_semaphore, #tpu.memory_space<semaphore_mem>>
      %dma_start3A_212 = arith.constant 0 : i32
      %dma_start3A_213 = tpu.memref_slice %arg18[%add3A_27, %dma_start3A_212] : memref<10240x64xf32, #tpu.memory_space<vmem_shared>> -> memref<50x64xf32, #tpu.memory_space<vmem_shared>>
      %dma_start3A_214 = arith.constant 0 : i32
      %dma_start3A_215 = tpu.memref_slice %arg18[%add3A_27, %dma_start3A_214] : memref<10240x64xf32, #tpu.memory_space<vmem_shared>> -> memref<50x64xf32, #tpu.memory_space<vmem_shared>>
      tpu.enqueue_dma source(%arg8 : memref<50x64xf32, #tpu.memory_space<vmem>>) target(%dma_start3A_215 : memref<50x64xf32, #tpu.memory_space<vmem_shared>>) target_semaphore(%run_scoped3A : memref<!tpu.dma_semaphore, #tpu.memory_space<semaphore_mem>>)
      %dma_wait3A_216 = arith.constant 0 : i32
      %dma_wait3A_217 = tpu.memref_slice %arg18[%add3A_27, %dma_wait3A_216] : memref<10240x64xf32, #tpu.memory_space<vmem_shared>> -> memref<50x64xf32, #tpu.memory_space<vmem_shared>>
      %dma_wait3A_218 = arith.constant 0 : i32
      %dma_wait3A_219 = tpu.memref_slice %arg18[%add3A_27, %dma_wait3A_218] : memref<10240x64xf32, #tpu.memory_space<vmem_shared>> -> memref<50x64xf32, #tpu.memory_space<vmem_shared>>
      tpu.wait_dma2 semaphore(%run_scoped3A : memref<!tpu.dma_semaphore, #tpu.memory_space<semaphore_mem>>) src(%arg8 : memref<50x64xf32, #tpu.memory_space<vmem>>) dst(%dma_wait3A_219 : memref<50x64xf32, #tpu.memory_space<vmem_shared>>)
      tpu.yield
    }) : () -> ()
    %mul3A_28 = arith.constant 640 : i32
    %mul3A_29 = arith.muli %arg1, %mul3A_28 : i32
    %add3A_30 = arith.constant 150 : i32
    %add3A_31 = arith.addi %mul3A_29, %add3A_30 : i32
    "tpu.region"() ({
      %run_scoped3A = tpu.sem_alloc : memref<!tpu.dma_semaphore, #tpu.memory_space<semaphore_mem>>
      %dma_start3A_212 = arith.constant 0 : i32
      %dma_start3A_213 = tpu.memref_slice %arg18[%add3A_31, %dma_start3A_212] : memref<10240x64xf32, #tpu.memory_space<vmem_shared>> -> memref<50x64xf32, #tpu.memory_space<vmem_shared>>
      %dma_start3A_214 = arith.constant 0 : i32
      %dma_start3A_215 = tpu.memref_slice %arg18[%add3A_31, %dma_start3A_214] : memref<10240x64xf32, #tpu.memory_space<vmem_shared>> -> memref<50x64xf32, #tpu.memory_space<vmem_shared>>
      tpu.enqueue_dma source(%arg8 : memref<50x64xf32, #tpu.memory_space<vmem>>) target(%dma_start3A_215 : memref<50x64xf32, #tpu.memory_space<vmem_shared>>) target_semaphore(%run_scoped3A : memref<!tpu.dma_semaphore, #tpu.memory_space<semaphore_mem>>)
      %dma_wait3A_216 = arith.constant 0 : i32
      %dma_wait3A_217 = tpu.memref_slice %arg18[%add3A_31, %dma_wait3A_216] : memref<10240x64xf32, #tpu.memory_space<vmem_shared>> -> memref<50x64xf32, #tpu.memory_space<vmem_shared>>
      %dma_wait3A_218 = arith.constant 0 : i32
      %dma_wait3A_219 = tpu.memref_slice %arg18[%add3A_31, %dma_wait3A_218] : memref<10240x64xf32, #tpu.memory_space<vmem_shared>> -> memref<50x64xf32, #tpu.memory_space<vmem_shared>>
      tpu.wait_dma2 semaphore(%run_scoped3A : memref<!tpu.dma_semaphore, #tpu.memory_space<semaphore_mem>>) src(%arg8 : memref<50x64xf32, #tpu.memory_space<vmem>>) dst(%dma_wait3A_219 : memref<50x64xf32, #tpu.memory_space<vmem_shared>>)
      tpu.yield
    }) : () -> ()
    %mul3A_32 = arith.constant 640 : i32
    %mul3A_33 = arith.muli %arg1, %mul3A_32 : i32
    %add3A_34 = arith.constant 200 : i32
    %add3A_35 = arith.addi %mul3A_33, %add3A_34 : i32
    "tpu.region"() ({
      %run_scoped3A = tpu.sem_alloc : memref<!tpu.dma_semaphore, #tpu.memory_space<semaphore_mem>>
      %dma_start3A_212 = arith.constant 0 : i32
      %dma_start3A_213 = tpu.memref_slice %arg18[%add3A_35, %dma_start3A_212] : memref<10240x64xf32, #tpu.memory_space<vmem_shared>> -> memref<50x64xf32, #tpu.memory_space<vmem_shared>>
      %dma_start3A_214 = arith.constant 0 : i32
      %dma_start3A_215 = tpu.memref_slice %arg18[%add3A_35, %dma_start3A_214] : memref<10240x64xf32, #tpu.memory_space<vmem_shared>> -> memref<50x64xf32, #tpu.memory_space<vmem_shared>>
      tpu.enqueue_dma source(%arg8 : memref<50x64xf32, #tpu.memory_space<vmem>>) target(%dma_start3A_215 : memref<50x64xf32, #tpu.memory_space<vmem_shared>>) target_semaphore(%run_scoped3A : memref<!tpu.dma_semaphore, #tpu.memory_space<semaphore_mem>>)
      %dma_wait3A_216 = arith.constant 0 : i32
      %dma_wait3A_217 = tpu.memref_slice %arg18[%add3A_35, %dma_wait3A_216] : memref<10240x64xf32, #tpu.memory_space<vmem_shared>> -> memref<50x64xf32, #tpu.memory_space<vmem_shared>>
      %dma_wait3A_218 = arith.constant 0 : i32
      %dma_wait3A_219 = tpu.memref_slice %arg18[%add3A_35, %dma_wait3A_218] : memref<10240x64xf32, #tpu.memory_space<vmem_shared>> -> memref<50x64xf32, #tpu.memory_space<vmem_shared>>
      tpu.wait_dma2 semaphore(%run_scoped3A : memref<!tpu.dma_semaphore, #tpu.memory_space<semaphore_mem>>) src(%arg8 : memref<50x64xf32, #tpu.memory_space<vmem>>) dst(%dma_wait3A_219 : memref<50x64xf32, #tpu.memory_space<vmem_shared>>)
      tpu.yield
    }) : () -> ()
    %mul3A_36 = arith.constant 640 : i32
    %mul3A_37 = arith.muli %arg1, %mul3A_36 : i32
    %add3A_38 = arith.constant 250 : i32
    %add3A_39 = arith.addi %mul3A_37, %add3A_38 : i32
    "tpu.region"() ({
      %run_scoped3A = tpu.sem_alloc : memref<!tpu.dma_semaphore, #tpu.memory_space<semaphore_mem>>
      %dma_start3A_212 = arith.constant 0 : i32
      %dma_start3A_213 = tpu.memref_slice %arg18[%add3A_39, %dma_start3A_212] : memref<10240x64xf32, #tpu.memory_space<vmem_shared>> -> memref<50x64xf32, #tpu.memory_space<vmem_shared>>
      %dma_start3A_214 = arith.constant 0 : i32
      %dma_start3A_215 = tpu.memref_slice %arg18[%add3A_39, %dma_start3A_214] : memref<10240x64xf32, #tpu.memory_space<vmem_shared>> -> memref<50x64xf32, #tpu.memory_space<vmem_shared>>
      tpu.enqueue_dma source(%arg8 : memref<50x64xf32, #tpu.memory_space<vmem>>) target(%dma_start3A_215 : memref<50x64xf32, #tpu.memory_space<vmem_shared>>) target_semaphore(%run_scoped3A : memref<!tpu.dma_semaphore, #tpu.memory_space<semaphore_mem>>)
      %dma_wait3A_216 = arith.constant 0 : i32
      %dma_wait3A_217 = tpu.memref_slice %arg18[%add3A_39, %dma_wait3A_216] : memref<10240x64xf32, #tpu.memory_space<vmem_shared>> -> memref<50x64xf32, #tpu.memory_space<vmem_shared>>
      %dma_wait3A_218 = arith.constant 0 : i32
      %dma_wait3A_219 = tpu.memref_slice %arg18[%add3A_39, %dma_wait3A_218] : memref<10240x64xf32, #tpu.memory_space<vmem_shared>> -> memref<50x64xf32, #tpu.memory_space<vmem_shared>>
      tpu.wait_dma2 semaphore(%run_scoped3A : memref<!tpu.dma_semaphore, #tpu.memory_space<semaphore_mem>>) src(%arg8 : memref<50x64xf32, #tpu.memory_space<vmem>>) dst(%dma_wait3A_219 : memref<50x64xf32, #tpu.memory_space<vmem_shared>>)
      tpu.yield
    }) : () -> ()
    %mul3A_40 = arith.constant 640 : i32
    %mul3A_41 = arith.muli %arg1, %mul3A_40 : i32
    %add3A_42 = arith.constant 300 : i32
    %add3A_43 = arith.addi %mul3A_41, %add3A_42 : i32
    "tpu.region"() ({
      %run_scoped3A = tpu.sem_alloc : memref<!tpu.dma_semaphore, #tpu.memory_space<semaphore_mem>>
      %dma_start3A_212 = arith.constant 0 : i32
      %dma_start3A_213 = tpu.memref_slice %arg18[%add3A_43, %dma_start3A_212] : memref<10240x64xf32, #tpu.memory_space<vmem_shared>> -> memref<50x64xf32, #tpu.memory_space<vmem_shared>>
      %dma_start3A_214 = arith.constant 0 : i32
      %dma_start3A_215 = tpu.memref_slice %arg18[%add3A_43, %dma_start3A_214] : memref<10240x64xf32, #tpu.memory_space<vmem_shared>> -> memref<50x64xf32, #tpu.memory_space<vmem_shared>>
      tpu.enqueue_dma source(%arg8 : memref<50x64xf32, #tpu.memory_space<vmem>>) target(%dma_start3A_215 : memref<50x64xf32, #tpu.memory_space<vmem_shared>>) target_semaphore(%run_scoped3A : memref<!tpu.dma_semaphore, #tpu.memory_space<semaphore_mem>>)
      %dma_wait3A_216 = arith.constant 0 : i32
      %dma_wait3A_217 = tpu.memref_slice %arg18[%add3A_43, %dma_wait3A_216] : memref<10240x64xf32, #tpu.memory_space<vmem_shared>> -> memref<50x64xf32, #tpu.memory_space<vmem_shared>>
      %dma_wait3A_218 = arith.constant 0 : i32
      %dma_wait3A_219 = tpu.memref_slice %arg18[%add3A_43, %dma_wait3A_218] : memref<10240x64xf32, #tpu.memory_space<vmem_shared>> -> memref<50x64xf32, #tpu.memory_space<vmem_shared>>
      tpu.wait_dma2 semaphore(%run_scoped3A : memref<!tpu.dma_semaphore, #tpu.memory_space<semaphore_mem>>) src(%arg8 : memref<50x64xf32, #tpu.memory_space<vmem>>) dst(%dma_wait3A_219 : memref<50x64xf32, #tpu.memory_space<vmem_shared>>)
      tpu.yield
    }) : () -> ()
    %mul3A_44 = arith.constant 640 : i32
    %mul3A_45 = arith.muli %arg1, %mul3A_44 : i32
    %add3A_46 = arith.constant 350 : i32
    %add3A_47 = arith.addi %mul3A_45, %add3A_46 : i32
    "tpu.region"() ({
      %run_scoped3A = tpu.sem_alloc : memref<!tpu.dma_semaphore, #tpu.memory_space<semaphore_mem>>
      %dma_start3A_212 = arith.constant 0 : i32
      %dma_start3A_213 = tpu.memref_slice %arg18[%add3A_47, %dma_start3A_212] : memref<10240x64xf32, #tpu.memory_space<vmem_shared>> -> memref<50x64xf32, #tpu.memory_space<vmem_shared>>
      %dma_start3A_214 = arith.constant 0 : i32
      %dma_start3A_215 = tpu.memref_slice %arg18[%add3A_47, %dma_start3A_214] : memref<10240x64xf32, #tpu.memory_space<vmem_shared>> -> memref<50x64xf32, #tpu.memory_space<vmem_shared>>
      tpu.enqueue_dma source(%arg8 : memref<50x64xf32, #tpu.memory_space<vmem>>) target(%dma_start3A_215 : memref<50x64xf32, #tpu.memory_space<vmem_shared>>) target_semaphore(%run_scoped3A : memref<!tpu.dma_semaphore, #tpu.memory_space<semaphore_mem>>)
      %dma_wait3A_216 = arith.constant 0 : i32
      %dma_wait3A_217 = tpu.memref_slice %arg18[%add3A_47, %dma_wait3A_216] : memref<10240x64xf32, #tpu.memory_space<vmem_shared>> -> memref<50x64xf32, #tpu.memory_space<vmem_shared>>
      %dma_wait3A_218 = arith.constant 0 : i32
      %dma_wait3A_219 = tpu.memref_slice %arg18[%add3A_47, %dma_wait3A_218] : memref<10240x64xf32, #tpu.memory_space<vmem_shared>> -> memref<50x64xf32, #tpu.memory_space<vmem_shared>>
      tpu.wait_dma2 semaphore(%run_scoped3A : memref<!tpu.dma_semaphore, #tpu.memory_space<semaphore_mem>>) src(%arg8 : memref<50x64xf32, #tpu.memory_space<vmem>>) dst(%dma_wait3A_219 : memref<50x64xf32, #tpu.memory_space<vmem_shared>>)
      tpu.yield
    }) : () -> ()
    %mul3A_48 = arith.constant 640 : i32
    %mul3A_49 = arith.muli %arg1, %mul3A_48 : i32
    %add3A_50 = arith.constant 400 : i32
    %add3A_51 = arith.addi %mul3A_49, %add3A_50 : i32
    "tpu.region"() ({
      %run_scoped3A = tpu.sem_alloc : memref<!tpu.dma_semaphore, #tpu.memory_space<semaphore_mem>>
      %dma_start3A_212 = arith.constant 0 : i32
      %dma_start3A_213 = tpu.memref_slice %arg18[%add3A_51, %dma_start3A_212] : memref<10240x64xf32, #tpu.memory_space<vmem_shared>> -> memref<50x64xf32, #tpu.memory_space<vmem_shared>>
      %dma_start3A_214 = arith.constant 0 : i32
      %dma_start3A_215 = tpu.memref_slice %arg18[%add3A_51, %dma_start3A_214] : memref<10240x64xf32, #tpu.memory_space<vmem_shared>> -> memref<50x64xf32, #tpu.memory_space<vmem_shared>>
      tpu.enqueue_dma source(%arg8 : memref<50x64xf32, #tpu.memory_space<vmem>>) target(%dma_start3A_215 : memref<50x64xf32, #tpu.memory_space<vmem_shared>>) target_semaphore(%run_scoped3A : memref<!tpu.dma_semaphore, #tpu.memory_space<semaphore_mem>>)
      %dma_wait3A_216 = arith.constant 0 : i32
      %dma_wait3A_217 = tpu.memref_slice %arg18[%add3A_51, %dma_wait3A_216] : memref<10240x64xf32, #tpu.memory_space<vmem_shared>> -> memref<50x64xf32, #tpu.memory_space<vmem_shared>>
      %dma_wait3A_218 = arith.constant 0 : i32
      %dma_wait3A_219 = tpu.memref_slice %arg18[%add3A_51, %dma_wait3A_218] : memref<10240x64xf32, #tpu.memory_space<vmem_shared>> -> memref<50x64xf32, #tpu.memory_space<vmem_shared>>
      tpu.wait_dma2 semaphore(%run_scoped3A : memref<!tpu.dma_semaphore, #tpu.memory_space<semaphore_mem>>) src(%arg8 : memref<50x64xf32, #tpu.memory_space<vmem>>) dst(%dma_wait3A_219 : memref<50x64xf32, #tpu.memory_space<vmem_shared>>)
      tpu.yield
    }) : () -> ()
    %mul3A_52 = arith.constant 640 : i32
    %mul3A_53 = arith.muli %arg1, %mul3A_52 : i32
    %add3A_54 = arith.constant 450 : i32
    %add3A_55 = arith.addi %mul3A_53, %add3A_54 : i32
    "tpu.region"() ({
      %run_scoped3A = tpu.sem_alloc : memref<!tpu.dma_semaphore, #tpu.memory_space<semaphore_mem>>
      %dma_start3A_212 = arith.constant 0 : i32
      %dma_start3A_213 = tpu.memref_slice %arg18[%add3A_55, %dma_start3A_212] : memref<10240x64xf32, #tpu.memory_space<vmem_shared>> -> memref<50x64xf32, #tpu.memory_space<vmem_shared>>
      %dma_start3A_214 = arith.constant 0 : i32
      %dma_start3A_215 = tpu.memref_slice %arg18[%add3A_55, %dma_start3A_214] : memref<10240x64xf32, #tpu.memory_space<vmem_shared>> -> memref<50x64xf32, #tpu.memory_space<vmem_shared>>
      tpu.enqueue_dma source(%arg8 : memref<50x64xf32, #tpu.memory_space<vmem>>) target(%dma_start3A_215 : memref<50x64xf32, #tpu.memory_space<vmem_shared>>) target_semaphore(%run_scoped3A : memref<!tpu.dma_semaphore, #tpu.memory_space<semaphore_mem>>)
      %dma_wait3A_216 = arith.constant 0 : i32
      %dma_wait3A_217 = tpu.memref_slice %arg18[%add3A_55, %dma_wait3A_216] : memref<10240x64xf32, #tpu.memory_space<vmem_shared>> -> memref<50x64xf32, #tpu.memory_space<vmem_shared>>
      %dma_wait3A_218 = arith.constant 0 : i32
      %dma_wait3A_219 = tpu.memref_slice %arg18[%add3A_55, %dma_wait3A_218] : memref<10240x64xf32, #tpu.memory_space<vmem_shared>> -> memref<50x64xf32, #tpu.memory_space<vmem_shared>>
      tpu.wait_dma2 semaphore(%run_scoped3A : memref<!tpu.dma_semaphore, #tpu.memory_space<semaphore_mem>>) src(%arg8 : memref<50x64xf32, #tpu.memory_space<vmem>>) dst(%dma_wait3A_219 : memref<50x64xf32, #tpu.memory_space<vmem_shared>>)
      tpu.yield
    }) : () -> ()
    %mul3A_56 = arith.constant 640 : i32
    %mul3A_57 = arith.muli %arg1, %mul3A_56 : i32
    %add3A_58 = arith.constant 500 : i32
    %add3A_59 = arith.addi %mul3A_57, %add3A_58 : i32
    "tpu.region"() ({
      %run_scoped3A = tpu.sem_alloc : memref<!tpu.dma_semaphore, #tpu.memory_space<semaphore_mem>>
      %dma_start3A_212 = arith.constant 0 : i32
      %dma_start3A_213 = tpu.memref_slice %arg18[%add3A_59, %dma_start3A_212] : memref<10240x64xf32, #tpu.memory_space<vmem_shared>> -> memref<50x64xf32, #tpu.memory_space<vmem_shared>>
      %dma_start3A_214 = arith.constant 0 : i32
      %dma_start3A_215 = tpu.memref_slice %arg18[%add3A_59, %dma_start3A_214] : memref<10240x64xf32, #tpu.memory_space<vmem_shared>> -> memref<50x64xf32, #tpu.memory_space<vmem_shared>>
      tpu.enqueue_dma source(%arg8 : memref<50x64xf32, #tpu.memory_space<vmem>>) target(%dma_start3A_215 : memref<50x64xf32, #tpu.memory_space<vmem_shared>>) target_semaphore(%run_scoped3A : memref<!tpu.dma_semaphore, #tpu.memory_space<semaphore_mem>>)
      %dma_wait3A_216 = arith.constant 0 : i32
      %dma_wait3A_217 = tpu.memref_slice %arg18[%add3A_59, %dma_wait3A_216] : memref<10240x64xf32, #tpu.memory_space<vmem_shared>> -> memref<50x64xf32, #tpu.memory_space<vmem_shared>>
      %dma_wait3A_218 = arith.constant 0 : i32
      %dma_wait3A_219 = tpu.memref_slice %arg18[%add3A_59, %dma_wait3A_218] : memref<10240x64xf32, #tpu.memory_space<vmem_shared>> -> memref<50x64xf32, #tpu.memory_space<vmem_shared>>
      tpu.wait_dma2 semaphore(%run_scoped3A : memref<!tpu.dma_semaphore, #tpu.memory_space<semaphore_mem>>) src(%arg8 : memref<50x64xf32, #tpu.memory_space<vmem>>) dst(%dma_wait3A_219 : memref<50x64xf32, #tpu.memory_space<vmem_shared>>)
      tpu.yield
    }) : () -> ()
    %mul3A_60 = arith.constant 640 : i32
    %mul3A_61 = arith.muli %arg1, %mul3A_60 : i32
    %add3A_62 = arith.constant 550 : i32
    %add3A_63 = arith.addi %mul3A_61, %add3A_62 : i32
    "tpu.region"() ({
      %run_scoped3A = tpu.sem_alloc : memref<!tpu.dma_semaphore, #tpu.memory_space<semaphore_mem>>
      %dma_start3A_212 = arith.constant 0 : i32
      %dma_start3A_213 = tpu.memref_slice %arg18[%add3A_63, %dma_start3A_212] : memref<10240x64xf32, #tpu.memory_space<vmem_shared>> -> memref<50x64xf32, #tpu.memory_space<vmem_shared>>
      %dma_start3A_214 = arith.constant 0 : i32
      %dma_start3A_215 = tpu.memref_slice %arg18[%add3A_63, %dma_start3A_214] : memref<10240x64xf32, #tpu.memory_space<vmem_shared>> -> memref<50x64xf32, #tpu.memory_space<vmem_shared>>
      tpu.enqueue_dma source(%arg8 : memref<50x64xf32, #tpu.memory_space<vmem>>) target(%dma_start3A_215 : memref<50x64xf32, #tpu.memory_space<vmem_shared>>) target_semaphore(%run_scoped3A : memref<!tpu.dma_semaphore, #tpu.memory_space<semaphore_mem>>)
      %dma_wait3A_216 = arith.constant 0 : i32
      %dma_wait3A_217 = tpu.memref_slice %arg18[%add3A_63, %dma_wait3A_216] : memref<10240x64xf32, #tpu.memory_space<vmem_shared>> -> memref<50x64xf32, #tpu.memory_space<vmem_shared>>
      %dma_wait3A_218 = arith.constant 0 : i32
      %dma_wait3A_219 = tpu.memref_slice %arg18[%add3A_63, %dma_wait3A_218] : memref<10240x64xf32, #tpu.memory_space<vmem_shared>> -> memref<50x64xf32, #tpu.memory_space<vmem_shared>>
      tpu.wait_dma2 semaphore(%run_scoped3A : memref<!tpu.dma_semaphore, #tpu.memory_space<semaphore_mem>>) src(%arg8 : memref<50x64xf32, #tpu.memory_space<vmem>>) dst(%dma_wait3A_219 : memref<50x64xf32, #tpu.memory_space<vmem_shared>>)
      tpu.yield
    }) : () -> ()
    %mul3A_64 = arith.constant 640 : i32
    %mul3A_65 = arith.muli %arg1, %mul3A_64 : i32
    %add3A_66 = arith.constant 600 : i32
    %add3A_67 = arith.addi %mul3A_65, %add3A_66 : i32
    "tpu.region"() ({
      %run_scoped3A = tpu.sem_alloc : memref<!tpu.dma_semaphore, #tpu.memory_space<semaphore_mem>>
      %dma_start3A_212 = arith.constant 0 : i32
      %dma_start3A_213 = arith.constant 0 : i32
      %dma_start3A_214 = tpu.memref_slice %arg8[%dma_start3A_212, %dma_start3A_213] : memref<50x64xf32, #tpu.memory_space<vmem>> -> memref<40x64xf32, #tpu.memory_space<vmem>>
      %dma_start3A_215 = arith.constant 0 : i32
      %dma_start3A_216 = tpu.memref_slice %arg18[%add3A_67, %dma_start3A_215] : memref<10240x64xf32, #tpu.memory_space<vmem_shared>> -> memref<40x64xf32, #tpu.memory_space<vmem_shared>>
      %dma_start3A_217 = arith.constant 0 : i32
      %dma_start3A_218 = tpu.memref_slice %arg18[%add3A_67, %dma_start3A_217] : memref<10240x64xf32, #tpu.memory_space<vmem_shared>> -> memref<40x64xf32, #tpu.memory_space<vmem_shared>>
      %dma_start3A_219 = arith.constant 0 : i32
      %dma_start3A_220 = arith.constant 0 : i32
      %dma_start3A_221 = tpu.memref_slice %arg8[%dma_start3A_219, %dma_start3A_220] : memref<50x64xf32, #tpu.memory_space<vmem>> -> memref<40x64xf32, #tpu.memory_space<vmem>>
      tpu.enqueue_dma source(%dma_start3A_221 : memref<40x64xf32, #tpu.memory_space<vmem>>) target(%dma_start3A_218 : memref<40x64xf32, #tpu.memory_space<vmem_shared>>) target_semaphore(%run_scoped3A : memref<!tpu.dma_semaphore, #tpu.memory_space<semaphore_mem>>)
      %dma_wait3A_222 = arith.constant 0 : i32
      %dma_wait3A_223 = arith.constant 0 : i32
      %dma_wait3A_224 = tpu.memref_slice %arg8[%dma_wait3A_222, %dma_wait3A_223] : memref<50x64xf32, #tpu.memory_space<vmem>> -> memref<40x64xf32, #tpu.memory_space<vmem>>
      %dma_wait3A_225 = arith.constant 0 : i32
      %dma_wait3A_226 = tpu.memref_slice %arg18[%add3A_67, %dma_wait3A_225] : memref<10240x64xf32, #tpu.memory_space<vmem_shared>> -> memref<40x64xf32, #tpu.memory_space<vmem_shared>>
      %dma_wait3A_227 = arith.constant 0 : i32
      %dma_wait3A_228 = tpu.memref_slice %arg18[%add3A_67, %dma_wait3A_227] : memref<10240x64xf32, #tpu.memory_space<vmem_shared>> -> memref<40x64xf32, #tpu.memory_space<vmem_shared>>
      %dma_wait3A_229 = arith.constant 0 : i32
      %dma_wait3A_230 = arith.constant 0 : i32
      %dma_wait3A_231 = tpu.memref_slice %arg8[%dma_wait3A_229, %dma_wait3A_230] : memref<50x64xf32, #tpu.memory_space<vmem>> -> memref<40x64xf32, #tpu.memory_space<vmem>>
      tpu.wait_dma2 semaphore(%run_scoped3A : memref<!tpu.dma_semaphore, #tpu.memory_space<semaphore_mem>>) src(%dma_wait3A_231 : memref<40x64xf32, #tpu.memory_space<vmem>>) dst(%dma_wait3A_228 : memref<40x64xf32, #tpu.memory_space<vmem_shared>>)
      tpu.yield
    }) : () -> ()
    %dma_wait3A = arith.constant 0 : i32
    %dma_wait3A_68 = tpu.memref_slice %arg3[%mul3A_2, %dma_wait3A] : memref<6400x50xi32, #tpu.memory_space<hbm>> -> memref<200x50xi32, #tpu.memory_space<hbm>>
    %dma_wait3A_69 = arith.constant 0 : i32
    %dma_wait3A_70 = tpu.memref_slice %arg3[%mul3A_2, %dma_wait3A_69] : memref<6400x50xi32, #tpu.memory_space<hbm>> -> memref<200x50xi32, #tpu.memory_space<hbm>>
    tpu.wait_dma2 semaphore(%arg19 : memref<!tpu.dma_semaphore, #tpu.memory_space<semaphore_mem>>) src(%dma_wait3A_70 : memref<200x50xi32, #tpu.memory_space<hbm>>) dst(%arg6 : memref<200x50xi32, #tpu.memory_space<vmem>>)
    %dma_wait3A_71 = arith.constant 0 : i32
    %dma_wait3A_72 = tpu.memref_slice %arg4[%mul3A_2, %dma_wait3A_71] : memref<6400x50xi32, #tpu.memory_space<hbm>> -> memref<200x50xi32, #tpu.memory_space<hbm>>
    %dma_wait3A_73 = arith.constant 0 : i32
    %dma_wait3A_74 = tpu.memref_slice %arg4[%mul3A_2, %dma_wait3A_73] : memref<6400x50xi32, #tpu.memory_space<hbm>> -> memref<200x50xi32, #tpu.memory_space<hbm>>
    tpu.wait_dma2 semaphore(%arg20 : memref<!tpu.dma_semaphore, #tpu.memory_space<semaphore_mem>>) src(%dma_wait3A_74 : memref<200x50xi32, #tpu.memory_space<hbm>>) dst(%arg7 : memref<200x50xi32, #tpu.memory_space<vmem>>)
    %barrier3A = arith.constant 0 : index
    tpu.barrier barrier_id(%barrier3A)
    %dma_start3A_75 = arith.constant 0 : i32
    %dma_start3A_76 = arith.constant 0 : i32
    %dma_start3A_77 = tpu.memref_slice %arg6[%dma_start3A_75, %dma_start3A_76] : memref<200x50xi32, #tpu.memory_space<vmem>> -> memref<1x50xi32, #tpu.memory_space<vmem>>
    %dma_start3A_78 = tpu.memref_squeeze %dma_start3A_77 : memref<1x50xi32, #tpu.memory_space<vmem>> -> memref<50xi32, #tpu.memory_space<vmem>>
    %dma_start3A_79 = arith.constant 0 : i32
    %dma_start3A_80 = arith.constant 0 : i32
    %dma_start3A_81 = tpu.memref_slice %arg2[%dma_start3A_79, %dma_start3A_80] : memref<10000x64xf32, #tpu.memory_space<hbm>> -> memref<10000x64xf32, #tpu.memory_space<hbm>>
    tpu.enqueue_indirect_dma source(%dma_start3A_81 : memref<10000x64xf32, #tpu.memory_space<hbm>>) target(%arg8 : memref<50x64xf32, #tpu.memory_space<vmem>>) offsets(%dma_start3A_78 : memref<50xi32, #tpu.memory_space<vmem>>) semaphore(%arg19 : memref<!tpu.dma_semaphore, #tpu.memory_space<semaphore_mem>>)
    %dma_start3A_82 = arith.constant 1 : i32
    %dma_start3A_83 = arith.constant 0 : i32
    %dma_start3A_84 = tpu.memref_slice %arg6[%dma_start3A_82, %dma_start3A_83] : memref<200x50xi32, #tpu.memory_space<vmem>> -> memref<1x50xi32, #tpu.memory_space<vmem>>
    %dma_start3A_85 = tpu.memref_squeeze %dma_start3A_84 : memref<1x50xi32, #tpu.memory_space<vmem>> -> memref<50xi32, #tpu.memory_space<vmem>>
    %dma_start3A_86 = arith.constant 0 : i32
    %dma_start3A_87 = arith.constant 0 : i32
    %dma_start3A_88 = tpu.memref_slice %arg2[%dma_start3A_86, %dma_start3A_87] : memref<10000x64xf32, #tpu.memory_space<hbm>> -> memref<10000x64xf32, #tpu.memory_space<hbm>>
    tpu.enqueue_indirect_dma source(%dma_start3A_88 : memref<10000x64xf32, #tpu.memory_space<hbm>>) target(%arg9 : memref<50x64xf32, #tpu.memory_space<vmem>>) offsets(%dma_start3A_85 : memref<50xi32, #tpu.memory_space<vmem>>) semaphore(%arg20 : memref<!tpu.dma_semaphore, #tpu.memory_space<semaphore_mem>>)
    %dma_start3A_89 = arith.constant 2 : i32
    %dma_start3A_90 = arith.constant 0 : i32
    %dma_start3A_91 = tpu.memref_slice %arg6[%dma_start3A_89, %dma_start3A_90] : memref<200x50xi32, #tpu.memory_space<vmem>> -> memref<1x50xi32, #tpu.memory_space<vmem>>
    %dma_start3A_92 = tpu.memref_squeeze %dma_start3A_91 : memref<1x50xi32, #tpu.memory_space<vmem>> -> memref<50xi32, #tpu.memory_space<vmem>>
    %dma_start3A_93 = arith.constant 0 : i32
    %dma_start3A_94 = arith.constant 0 : i32
    %dma_start3A_95 = tpu.memref_slice %arg2[%dma_start3A_93, %dma_start3A_94] : memref<10000x64xf32, #tpu.memory_space<hbm>> -> memref<10000x64xf32, #tpu.memory_space<hbm>>
    tpu.enqueue_indirect_dma source(%dma_start3A_95 : memref<10000x64xf32, #tpu.memory_space<hbm>>) target(%arg10 : memref<50x64xf32, #tpu.memory_space<vmem>>) offsets(%dma_start3A_92 : memref<50xi32, #tpu.memory_space<vmem>>) semaphore(%arg21 : memref<!tpu.dma_semaphore, #tpu.memory_space<semaphore_mem>>)
    %dma_start3A_96 = arith.constant 3 : i32
    %dma_start3A_97 = arith.constant 0 : i32
    %dma_start3A_98 = tpu.memref_slice %arg6[%dma_start3A_96, %dma_start3A_97] : memref<200x50xi32, #tpu.memory_space<vmem>> -> memref<1x50xi32, #tpu.memory_space<vmem>>
    %dma_start3A_99 = tpu.memref_squeeze %dma_start3A_98 : memref<1x50xi32, #tpu.memory_space<vmem>> -> memref<50xi32, #tpu.memory_space<vmem>>
    %dma_start3A_100 = arith.constant 0 : i32
    %dma_start3A_101 = arith.constant 0 : i32
    %dma_start3A_102 = tpu.memref_slice %arg2[%dma_start3A_100, %dma_start3A_101] : memref<10000x64xf32, #tpu.memory_space<hbm>> -> memref<10000x64xf32, #tpu.memory_space<hbm>>
    tpu.enqueue_indirect_dma source(%dma_start3A_102 : memref<10000x64xf32, #tpu.memory_space<hbm>>) target(%arg11 : memref<50x64xf32, #tpu.memory_space<vmem>>) offsets(%dma_start3A_99 : memref<50xi32, #tpu.memory_space<vmem>>) semaphore(%arg22 : memref<!tpu.dma_semaphore, #tpu.memory_space<semaphore_mem>>)
    %dma_start3A_103 = arith.constant 4 : i32
    %dma_start3A_104 = arith.constant 0 : i32
    %dma_start3A_105 = tpu.memref_slice %arg6[%dma_start3A_103, %dma_start3A_104] : memref<200x50xi32, #tpu.memory_space<vmem>> -> memref<1x50xi32, #tpu.memory_space<vmem>>
    %dma_start3A_106 = tpu.memref_squeeze %dma_start3A_105 : memref<1x50xi32, #tpu.memory_space<vmem>> -> memref<50xi32, #tpu.memory_space<vmem>>
    %dma_start3A_107 = arith.constant 0 : i32
    %dma_start3A_108 = arith.constant 0 : i32
    %dma_start3A_109 = tpu.memref_slice %arg2[%dma_start3A_107, %dma_start3A_108] : memref<10000x64xf32, #tpu.memory_space<hbm>> -> memref<10000x64xf32, #tpu.memory_space<hbm>>
    tpu.enqueue_indirect_dma source(%dma_start3A_109 : memref<10000x64xf32, #tpu.memory_space<hbm>>) target(%arg12 : memref<50x64xf32, #tpu.memory_space<vmem>>) offsets(%dma_start3A_106 : memref<50xi32, #tpu.memory_space<vmem>>) semaphore(%arg23 : memref<!tpu.dma_semaphore, #tpu.memory_space<semaphore_mem>>)
    %dma_start3A_110 = arith.constant 5 : i32
    %dma_start3A_111 = arith.constant 0 : i32
    %dma_start3A_112 = tpu.memref_slice %arg6[%dma_start3A_110, %dma_start3A_111] : memref<200x50xi32, #tpu.memory_space<vmem>> -> memref<1x50xi32, #tpu.memory_space<vmem>>
    %dma_start3A_113 = tpu.memref_squeeze %dma_start3A_112 : memref<1x50xi32, #tpu.memory_space<vmem>> -> memref<50xi32, #tpu.memory_space<vmem>>
    %dma_start3A_114 = arith.constant 0 : i32
    %dma_start3A_115 = arith.constant 0 : i32
    %dma_start3A_116 = tpu.memref_slice %arg2[%dma_start3A_114, %dma_start3A_115] : memref<10000x64xf32, #tpu.memory_space<hbm>> -> memref<10000x64xf32, #tpu.memory_space<hbm>>
    tpu.enqueue_indirect_dma source(%dma_start3A_116 : memref<10000x64xf32, #tpu.memory_space<hbm>>) target(%arg13 : memref<50x64xf32, #tpu.memory_space<vmem>>) offsets(%dma_start3A_113 : memref<50xi32, #tpu.memory_space<vmem>>) semaphore(%arg24 : memref<!tpu.dma_semaphore, #tpu.memory_space<semaphore_mem>>)
    %dma_start3A_117 = arith.constant 6 : i32
    %dma_start3A_118 = arith.constant 0 : i32
    %dma_start3A_119 = tpu.memref_slice %arg6[%dma_start3A_117, %dma_start3A_118] : memref<200x50xi32, #tpu.memory_space<vmem>> -> memref<1x50xi32, #tpu.memory_space<vmem>>
    %dma_start3A_120 = tpu.memref_squeeze %dma_start3A_119 : memref<1x50xi32, #tpu.memory_space<vmem>> -> memref<50xi32, #tpu.memory_space<vmem>>
    %dma_start3A_121 = arith.constant 0 : i32
    %dma_start3A_122 = arith.constant 0 : i32
    %dma_start3A_123 = tpu.memref_slice %arg2[%dma_start3A_121, %dma_start3A_122] : memref<10000x64xf32, #tpu.memory_space<hbm>> -> memref<10000x64xf32, #tpu.memory_space<hbm>>
    tpu.enqueue_indirect_dma source(%dma_start3A_123 : memref<10000x64xf32, #tpu.memory_space<hbm>>) target(%arg14 : memref<50x64xf32, #tpu.memory_space<vmem>>) offsets(%dma_start3A_120 : memref<50xi32, #tpu.memory_space<vmem>>) semaphore(%arg25 : memref<!tpu.dma_semaphore, #tpu.memory_space<semaphore_mem>>)
    %dma_start3A_124 = arith.constant 7 : i32
    %dma_start3A_125 = arith.constant 0 : i32
    %dma_start3A_126 = tpu.memref_slice %arg6[%dma_start3A_124, %dma_start3A_125] : memref<200x50xi32, #tpu.memory_space<vmem>> -> memref<1x50xi32, #tpu.memory_space<vmem>>
    %dma_start3A_127 = tpu.memref_squeeze %dma_start3A_126 : memref<1x50xi32, #tpu.memory_space<vmem>> -> memref<50xi32, #tpu.memory_space<vmem>>
    %dma_start3A_128 = arith.constant 0 : i32
    %dma_start3A_129 = arith.constant 0 : i32
    %dma_start3A_130 = tpu.memref_slice %arg2[%dma_start3A_128, %dma_start3A_129] : memref<10000x64xf32, #tpu.memory_space<hbm>> -> memref<10000x64xf32, #tpu.memory_space<hbm>>
    tpu.enqueue_indirect_dma source(%dma_start3A_130 : memref<10000x64xf32, #tpu.memory_space<hbm>>) target(%arg15 : memref<50x64xf32, #tpu.memory_space<vmem>>) offsets(%dma_start3A_127 : memref<50xi32, #tpu.memory_space<vmem>>) semaphore(%arg26 : memref<!tpu.dma_semaphore, #tpu.memory_space<semaphore_mem>>)
    %dma_start3A_131 = arith.constant 8 : i32
    %dma_start3A_132 = arith.constant 0 : i32
    %dma_start3A_133 = tpu.memref_slice %arg6[%dma_start3A_131, %dma_start3A_132] : memref<200x50xi32, #tpu.memory_space<vmem>> -> memref<1x50xi32, #tpu.memory_space<vmem>>
    %dma_start3A_134 = tpu.memref_squeeze %dma_start3A_133 : memref<1x50xi32, #tpu.memory_space<vmem>> -> memref<50xi32, #tpu.memory_space<vmem>>
    %dma_start3A_135 = arith.constant 0 : i32
    %dma_start3A_136 = arith.constant 0 : i32
    %dma_start3A_137 = tpu.memref_slice %arg2[%dma_start3A_135, %dma_start3A_136] : memref<10000x64xf32, #tpu.memory_space<hbm>> -> memref<10000x64xf32, #tpu.memory_space<hbm>>
    tpu.enqueue_indirect_dma source(%dma_start3A_137 : memref<10000x64xf32, #tpu.memory_space<hbm>>) target(%arg16 : memref<50x64xf32, #tpu.memory_space<vmem>>) offsets(%dma_start3A_134 : memref<50xi32, #tpu.memory_space<vmem>>) semaphore(%arg27 : memref<!tpu.dma_semaphore, #tpu.memory_space<semaphore_mem>>)
    %scan3A_138 = arith.constant 0 : i32
    %scan3A_139 = arith.constant 0 : i32
    %scan3A_140 = arith.constant 20 : i32
    %scan3A_141 = arith.addi %scan3A_139, %scan3A_140 : i32
    %scan3A_142 = arith.constant 1 : i32
    scf.for %scan3A_212 = %scan3A_139 to %scan3A_141 step %scan3A_142  : i32 {
      %mul3A_213 = arith.constant 10 : i32
      %mul3A_214 = arith.muli %mul3A_213, %scan3A_212 : i32
      %add3A_215 = arith.constant 0 : i32
      %add3A_216 = arith.addi %mul3A_214, %add3A_215 : i32
      %add3A_217 = arith.constant 9 : i32
      %add3A_218 = arith.addi %add3A_216, %add3A_217 : i32
      %ge3A = arith.constant 200 : i32
      %ge3A_219 = arith.cmpi sge, %add3A_218, %ge3A : i32
      %sub3A = arith.constant 200 : i32
      %sub3A_220 = arith.subi %add3A_218, %sub3A : i32
      %select_n3A = arith.select %ge3A_219, %sub3A_220, %add3A_218 : i32
      %dma_wait3A_221 = arith.constant 0 : i32
      %dma_wait3A_222 = tpu.memref_slice %arg6[%add3A_216, %dma_wait3A_221] : memref<200x50xi32, #tpu.memory_space<vmem>> -> memref<1x50xi32, #tpu.memory_space<vmem>>
      %dma_wait3A_223 = tpu.memref_squeeze %dma_wait3A_222 : memref<1x50xi32, #tpu.memory_space<vmem>> -> memref<50xi32, #tpu.memory_space<vmem>>
      %dma_wait3A_224 = arith.constant 0 : i32
      %dma_wait3A_225 = arith.constant 0 : i32
      %dma_wait3A_226 = tpu.memref_slice %arg2[%dma_wait3A_224, %dma_wait3A_225] : memref<10000x64xf32, #tpu.memory_space<hbm>> -> memref<10000x64xf32, #tpu.memory_space<hbm>>
      tpu.wait_indirect_dma semaphore(%arg19 : memref<!tpu.dma_semaphore, #tpu.memory_space<semaphore_mem>>) src(%dma_wait3A_226 : memref<10000x64xf32, #tpu.memory_space<hbm>>) dst(%arg8 : memref<50x64xf32, #tpu.memory_space<vmem>>)
      %dma_start3A_227 = arith.constant 0 : i32
      %dma_start3A_228 = tpu.memref_slice %arg6[%select_n3A, %dma_start3A_227] : memref<200x50xi32, #tpu.memory_space<vmem>> -> memref<1x50xi32, #tpu.memory_space<vmem>>
      %dma_start3A_229 = tpu.memref_squeeze %dma_start3A_228 : memref<1x50xi32, #tpu.memory_space<vmem>> -> memref<50xi32, #tpu.memory_space<vmem>>
      %dma_start3A_230 = arith.constant 0 : i32
      %dma_start3A_231 = arith.constant 0 : i32
      %dma_start3A_232 = tpu.memref_slice %arg2[%dma_start3A_230, %dma_start3A_231] : memref<10000x64xf32, #tpu.memory_space<hbm>> -> memref<10000x64xf32, #tpu.memory_space<hbm>>
      tpu.enqueue_indirect_dma source(%dma_start3A_232 : memref<10000x64xf32, #tpu.memory_space<hbm>>) target(%arg17 : memref<50x64xf32, #tpu.memory_space<vmem>>) offsets(%dma_start3A_229 : memref<50xi32, #tpu.memory_space<vmem>>) semaphore(%arg28 : memref<!tpu.dma_semaphore, #tpu.memory_space<semaphore_mem>>)
      "tpu.region"() ({
        %run_scoped3A = tpu.sem_alloc : memref<!tpu.dma_semaphore, #tpu.memory_space<semaphore_mem>>
        %dma_start3A_422 = arith.constant 0 : i32
        %dma_start3A_423 = tpu.memref_slice %arg7[%add3A_216, %dma_start3A_422] : memref<200x50xi32, #tpu.memory_space<vmem>> -> memref<1x50xi32, #tpu.memory_space<vmem>>
        %dma_start3A_424 = tpu.memref_squeeze %dma_start3A_423 : memref<1x50xi32, #tpu.memory_space<vmem>> -> memref<50xi32, #tpu.memory_space<vmem>>
        %dma_start3A_425 = arith.constant 0 : i32
        %dma_start3A_426 = arith.constant 0 : i32
        %dma_start3A_427 = tpu.memref_slice %arg18[%dma_start3A_425, %dma_start3A_426] : memref<10240x64xf32, #tpu.memory_space<vmem_shared>> -> memref<10240x64xf32, #tpu.memory_space<vmem_shared>>
        tpu.enqueue_indirect_dma source(%arg8 : memref<50x64xf32, #tpu.memory_space<vmem>>) target(%dma_start3A_427 : memref<10240x64xf32, #tpu.memory_space<vmem_shared>>) offsets(%dma_start3A_424 : memref<50xi32, #tpu.memory_space<vmem>>) semaphore(%run_scoped3A : memref<!tpu.dma_semaphore, #tpu.memory_space<semaphore_mem>>) {add = true}
        %dma_wait3A_428 = arith.constant 0 : i32
        %dma_wait3A_429 = tpu.memref_slice %arg7[%add3A_216, %dma_wait3A_428] : memref<200x50xi32, #tpu.memory_space<vmem>> -> memref<1x50xi32, #tpu.memory_space<vmem>>
        %dma_wait3A_430 = tpu.memref_squeeze %dma_wait3A_429 : memref<1x50xi32, #tpu.memory_space<vmem>> -> memref<50xi32, #tpu.memory_space<vmem>>
        %dma_wait3A_431 = arith.constant 0 : i32
        %dma_wait3A_432 = arith.constant 0 : i32
        %dma_wait3A_433 = tpu.memref_slice %arg18[%dma_wait3A_431, %dma_wait3A_432] : memref<10240x64xf32, #tpu.memory_space<vmem_shared>> -> memref<10240x64xf32, #tpu.memory_space<vmem_shared>>
        tpu.wait_indirect_dma semaphore(%run_scoped3A : memref<!tpu.dma_semaphore, #tpu.memory_space<semaphore_mem>>) src(%arg8 : memref<50x64xf32, #tpu.memory_space<vmem>>) dst(%dma_wait3A_433 : memref<10240x64xf32, #tpu.memory_space<vmem_shared>>)
        tpu.yield
      }) : () -> ()
      %add3A_233 = arith.constant 1 : i32
      %add3A_234 = arith.addi %mul3A_214, %add3A_233 : i32
      %add3A_235 = arith.constant 9 : i32
      %add3A_236 = arith.addi %add3A_234, %add3A_235 : i32
      %ge3A_237 = arith.constant 200 : i32
      %ge3A_238 = arith.cmpi sge, %add3A_236, %ge3A_237 : i32
      %sub3A_239 = arith.constant 200 : i32
      %sub3A_240 = arith.subi %add3A_236, %sub3A_239 : i32
      %select_n3A_241 = arith.select %ge3A_238, %sub3A_240, %add3A_236 : i32
      %dma_wait3A_242 = arith.constant 0 : i32
      %dma_wait3A_243 = tpu.memref_slice %arg6[%add3A_234, %dma_wait3A_242] : memref<200x50xi32, #tpu.memory_space<vmem>> -> memref<1x50xi32, #tpu.memory_space<vmem>>
      %dma_wait3A_244 = tpu.memref_squeeze %dma_wait3A_243 : memref<1x50xi32, #tpu.memory_space<vmem>> -> memref<50xi32, #tpu.memory_space<vmem>>
      %dma_wait3A_245 = arith.constant 0 : i32
      %dma_wait3A_246 = arith.constant 0 : i32
      %dma_wait3A_247 = tpu.memref_slice %arg2[%dma_wait3A_245, %dma_wait3A_246] : memref<10000x64xf32, #tpu.memory_space<hbm>> -> memref<10000x64xf32, #tpu.memory_space<hbm>>
      tpu.wait_indirect_dma semaphore(%arg20 : memref<!tpu.dma_semaphore, #tpu.memory_space<semaphore_mem>>) src(%dma_wait3A_247 : memref<10000x64xf32, #tpu.memory_space<hbm>>) dst(%arg9 : memref<50x64xf32, #tpu.memory_space<vmem>>)
      %dma_start3A_248 = arith.constant 0 : i32
      %dma_start3A_249 = tpu.memref_slice %arg6[%select_n3A_241, %dma_start3A_248] : memref<200x50xi32, #tpu.memory_space<vmem>> -> memref<1x50xi32, #tpu.memory_space<vmem>>
      %dma_start3A_250 = tpu.memref_squeeze %dma_start3A_249 : memref<1x50xi32, #tpu.memory_space<vmem>> -> memref<50xi32, #tpu.memory_space<vmem>>
      %dma_start3A_251 = arith.constant 0 : i32
      %dma_start3A_252 = arith.constant 0 : i32
      %dma_start3A_253 = tpu.memref_slice %arg2[%dma_start3A_251, %dma_start3A_252] : memref<10000x64xf32, #tpu.memory_space<hbm>> -> memref<10000x64xf32, #tpu.memory_space<hbm>>
      tpu.enqueue_indirect_dma source(%dma_start3A_253 : memref<10000x64xf32, #tpu.memory_space<hbm>>) target(%arg8 : memref<50x64xf32, #tpu.memory_space<vmem>>) offsets(%dma_start3A_250 : memref<50xi32, #tpu.memory_space<vmem>>) semaphore(%arg19 : memref<!tpu.dma_semaphore, #tpu.memory_space<semaphore_mem>>)
      "tpu.region"() ({
        %run_scoped3A = tpu.sem_alloc : memref<!tpu.dma_semaphore, #tpu.memory_space<semaphore_mem>>
        %dma_start3A_422 = arith.constant 0 : i32
        %dma_start3A_423 = tpu.memref_slice %arg7[%add3A_234, %dma_start3A_422] : memref<200x50xi32, #tpu.memory_space<vmem>> -> memref<1x50xi32, #tpu.memory_space<vmem>>
        %dma_start3A_424 = tpu.memref_squeeze %dma_start3A_423 : memref<1x50xi32, #tpu.memory_space<vmem>> -> memref<50xi32, #tpu.memory_space<vmem>>
        %dma_start3A_425 = arith.constant 0 : i32
        %dma_start3A_426 = arith.constant 0 : i32
        %dma_start3A_427 = tpu.memref_slice %arg18[%dma_start3A_425, %dma_start3A_426] : memref<10240x64xf32, #tpu.memory_space<vmem_shared>> -> memref<10240x64xf32, #tpu.memory_space<vmem_shared>>
        tpu.enqueue_indirect_dma source(%arg9 : memref<50x64xf32, #tpu.memory_space<vmem>>) target(%dma_start3A_427 : memref<10240x64xf32, #tpu.memory_space<vmem_shared>>) offsets(%dma_start3A_424 : memref<50xi32, #tpu.memory_space<vmem>>) semaphore(%run_scoped3A : memref<!tpu.dma_semaphore, #tpu.memory_space<semaphore_mem>>) {add = true}
        %dma_wait3A_428 = arith.constant 0 : i32
        %dma_wait3A_429 = tpu.memref_slice %arg7[%add3A_234, %dma_wait3A_428] : memref<200x50xi32, #tpu.memory_space<vmem>> -> memref<1x50xi32, #tpu.memory_space<vmem>>
        %dma_wait3A_430 = tpu.memref_squeeze %dma_wait3A_429 : memref<1x50xi32, #tpu.memory_space<vmem>> -> memref<50xi32, #tpu.memory_space<vmem>>
        %dma_wait3A_431 = arith.constant 0 : i32
        %dma_wait3A_432 = arith.constant 0 : i32
        %dma_wait3A_433 = tpu.memref_slice %arg18[%dma_wait3A_431, %dma_wait3A_432] : memref<10240x64xf32, #tpu.memory_space<vmem_shared>> -> memref<10240x64xf32, #tpu.memory_space<vmem_shared>>
        tpu.wait_indirect_dma semaphore(%run_scoped3A : memref<!tpu.dma_semaphore, #tpu.memory_space<semaphore_mem>>) src(%arg9 : memref<50x64xf32, #tpu.memory_space<vmem>>) dst(%dma_wait3A_433 : memref<10240x64xf32, #tpu.memory_space<vmem_shared>>)
        tpu.yield
      }) : () -> ()
      %add3A_254 = arith.constant 2 : i32
      %add3A_255 = arith.addi %mul3A_214, %add3A_254 : i32
      %add3A_256 = arith.constant 9 : i32
      %add3A_257 = arith.addi %add3A_255, %add3A_256 : i32
      %ge3A_258 = arith.constant 200 : i32
      %ge3A_259 = arith.cmpi sge, %add3A_257, %ge3A_258 : i32
      %sub3A_260 = arith.constant 200 : i32
      %sub3A_261 = arith.subi %add3A_257, %sub3A_260 : i32
      %select_n3A_262 = arith.select %ge3A_259, %sub3A_261, %add3A_257 : i32
      %dma_wait3A_263 = arith.constant 0 : i32
      %dma_wait3A_264 = tpu.memref_slice %arg6[%add3A_255, %dma_wait3A_263] : memref<200x50xi32, #tpu.memory_space<vmem>> -> memref<1x50xi32, #tpu.memory_space<vmem>>
      %dma_wait3A_265 = tpu.memref_squeeze %dma_wait3A_264 : memref<1x50xi32, #tpu.memory_space<vmem>> -> memref<50xi32, #tpu.memory_space<vmem>>
      %dma_wait3A_266 = arith.constant 0 : i32
      %dma_wait3A_267 = arith.constant 0 : i32
      %dma_wait3A_268 = tpu.memref_slice %arg2[%dma_wait3A_266, %dma_wait3A_267] : memref<10000x64xf32, #tpu.memory_space<hbm>> -> memref<10000x64xf32, #tpu.memory_space<hbm>>
      tpu.wait_indirect_dma semaphore(%arg21 : memref<!tpu.dma_semaphore, #tpu.memory_space<semaphore_mem>>) src(%dma_wait3A_268 : memref<10000x64xf32, #tpu.memory_space<hbm>>) dst(%arg10 : memref<50x64xf32, #tpu.memory_space<vmem>>)
      %dma_start3A_269 = arith.constant 0 : i32
      %dma_start3A_270 = tpu.memref_slice %arg6[%select_n3A_262, %dma_start3A_269] : memref<200x50xi32, #tpu.memory_space<vmem>> -> memref<1x50xi32, #tpu.memory_space<vmem>>
      %dma_start3A_271 = tpu.memref_squeeze %dma_start3A_270 : memref<1x50xi32, #tpu.memory_space<vmem>> -> memref<50xi32, #tpu.memory_space<vmem>>
      %dma_start3A_272 = arith.constant 0 : i32
      %dma_start3A_273 = arith.constant 0 : i32
      %dma_start3A_274 = tpu.memref_slice %arg2[%dma_start3A_272, %dma_start3A_273] : memref<10000x64xf32, #tpu.memory_space<hbm>> -> memref<10000x64xf32, #tpu.memory_space<hbm>>
      tpu.enqueue_indirect_dma source(%dma_start3A_274 : memref<10000x64xf32, #tpu.memory_space<hbm>>) target(%arg9 : memref<50x64xf32, #tpu.memory_space<vmem>>) offsets(%dma_start3A_271 : memref<50xi32, #tpu.memory_space<vmem>>) semaphore(%arg20 : memref<!tpu.dma_semaphore, #tpu.memory_space<semaphore_mem>>)
      "tpu.region"() ({
        %run_scoped3A = tpu.sem_alloc : memref<!tpu.dma_semaphore, #tpu.memory_space<semaphore_mem>>
        %dma_start3A_422 = arith.constant 0 : i32
        %dma_start3A_423 = tpu.memref_slice %arg7[%add3A_255, %dma_start3A_422] : memref<200x50xi32, #tpu.memory_space<vmem>> -> memref<1x50xi32, #tpu.memory_space<vmem>>
        %dma_start3A_424 = tpu.memref_squeeze %dma_start3A_423 : memref<1x50xi32, #tpu.memory_space<vmem>> -> memref<50xi32, #tpu.memory_space<vmem>>
        %dma_start3A_425 = arith.constant 0 : i32
        %dma_start3A_426 = arith.constant 0 : i32
        %dma_start3A_427 = tpu.memref_slice %arg18[%dma_start3A_425, %dma_start3A_426] : memref<10240x64xf32, #tpu.memory_space<vmem_shared>> -> memref<10240x64xf32, #tpu.memory_space<vmem_shared>>
        tpu.enqueue_indirect_dma source(%arg10 : memref<50x64xf32, #tpu.memory_space<vmem>>) target(%dma_start3A_427 : memref<10240x64xf32, #tpu.memory_space<vmem_shared>>) offsets(%dma_start3A_424 : memref<50xi32, #tpu.memory_space<vmem>>) semaphore(%run_scoped3A : memref<!tpu.dma_semaphore, #tpu.memory_space<semaphore_mem>>) {add = true}
        %dma_wait3A_428 = arith.constant 0 : i32
        %dma_wait3A_429 = tpu.memref_slice %arg7[%add3A_255, %dma_wait3A_428] : memref<200x50xi32, #tpu.memory_space<vmem>> -> memref<1x50xi32, #tpu.memory_space<vmem>>
        %dma_wait3A_430 = tpu.memref_squeeze %dma_wait3A_429 : memref<1x50xi32, #tpu.memory_space<vmem>> -> memref<50xi32, #tpu.memory_space<vmem>>
        %dma_wait3A_431 = arith.constant 0 : i32
        %dma_wait3A_432 = arith.constant 0 : i32
        %dma_wait3A_433 = tpu.memref_slice %arg18[%dma_wait3A_431, %dma_wait3A_432] : memref<10240x64xf32, #tpu.memory_space<vmem_shared>> -> memref<10240x64xf32, #tpu.memory_space<vmem_shared>>
        tpu.wait_indirect_dma semaphore(%run_scoped3A : memref<!tpu.dma_semaphore, #tpu.memory_space<semaphore_mem>>) src(%arg10 : memref<50x64xf32, #tpu.memory_space<vmem>>) dst(%dma_wait3A_433 : memref<10240x64xf32, #tpu.memory_space<vmem_shared>>)
        tpu.yield
      }) : () -> ()
      %add3A_275 = arith.constant 3 : i32
      %add3A_276 = arith.addi %mul3A_214, %add3A_275 : i32
      %add3A_277 = arith.constant 9 : i32
      %add3A_278 = arith.addi %add3A_276, %add3A_277 : i32
      %ge3A_279 = arith.constant 200 : i32
      %ge3A_280 = arith.cmpi sge, %add3A_278, %ge3A_279 : i32
      %sub3A_281 = arith.constant 200 : i32
      %sub3A_282 = arith.subi %add3A_278, %sub3A_281 : i32
      %select_n3A_283 = arith.select %ge3A_280, %sub3A_282, %add3A_278 : i32
      %dma_wait3A_284 = arith.constant 0 : i32
      %dma_wait3A_285 = tpu.memref_slice %arg6[%add3A_276, %dma_wait3A_284] : memref<200x50xi32, #tpu.memory_space<vmem>> -> memref<1x50xi32, #tpu.memory_space<vmem>>
      %dma_wait3A_286 = tpu.memref_squeeze %dma_wait3A_285 : memref<1x50xi32, #tpu.memory_space<vmem>> -> memref<50xi32, #tpu.memory_space<vmem>>
      %dma_wait3A_287 = arith.constant 0 : i32
      %dma_wait3A_288 = arith.constant 0 : i32
      %dma_wait3A_289 = tpu.memref_slice %arg2[%dma_wait3A_287, %dma_wait3A_288] : memref<10000x64xf32, #tpu.memory_space<hbm>> -> memref<10000x64xf32, #tpu.memory_space<hbm>>
      tpu.wait_indirect_dma semaphore(%arg22 : memref<!tpu.dma_semaphore, #tpu.memory_space<semaphore_mem>>) src(%dma_wait3A_289 : memref<10000x64xf32, #tpu.memory_space<hbm>>) dst(%arg11 : memref<50x64xf32, #tpu.memory_space<vmem>>)
      %dma_start3A_290 = arith.constant 0 : i32
      %dma_start3A_291 = tpu.memref_slice %arg6[%select_n3A_283, %dma_start3A_290] : memref<200x50xi32, #tpu.memory_space<vmem>> -> memref<1x50xi32, #tpu.memory_space<vmem>>
      %dma_start3A_292 = tpu.memref_squeeze %dma_start3A_291 : memref<1x50xi32, #tpu.memory_space<vmem>> -> memref<50xi32, #tpu.memory_space<vmem>>
      %dma_start3A_293 = arith.constant 0 : i32
      %dma_start3A_294 = arith.constant 0 : i32
      %dma_start3A_295 = tpu.memref_slice %arg2[%dma_start3A_293, %dma_start3A_294] : memref<10000x64xf32, #tpu.memory_space<hbm>> -> memref<10000x64xf32, #tpu.memory_space<hbm>>
      tpu.enqueue_indirect_dma source(%dma_start3A_295 : memref<10000x64xf32, #tpu.memory_space<hbm>>) target(%arg10 : memref<50x64xf32, #tpu.memory_space<vmem>>) offsets(%dma_start3A_292 : memref<50xi32, #tpu.memory_space<vmem>>) semaphore(%arg21 : memref<!tpu.dma_semaphore, #tpu.memory_space<semaphore_mem>>)
      "tpu.region"() ({
        %run_scoped3A = tpu.sem_alloc : memref<!tpu.dma_semaphore, #tpu.memory_space<semaphore_mem>>
        %dma_start3A_422 = arith.constant 0 : i32
        %dma_start3A_423 = tpu.memref_slice %arg7[%add3A_276, %dma_start3A_422] : memref<200x50xi32, #tpu.memory_space<vmem>> -> memref<1x50xi32, #tpu.memory_space<vmem>>
        %dma_start3A_424 = tpu.memref_squeeze %dma_start3A_423 : memref<1x50xi32, #tpu.memory_space<vmem>> -> memref<50xi32, #tpu.memory_space<vmem>>
        %dma_start3A_425 = arith.constant 0 : i32
        %dma_start3A_426 = arith.constant 0 : i32
        %dma_start3A_427 = tpu.memref_slice %arg18[%dma_start3A_425, %dma_start3A_426] : memref<10240x64xf32, #tpu.memory_space<vmem_shared>> -> memref<10240x64xf32, #tpu.memory_space<vmem_shared>>
        tpu.enqueue_indirect_dma source(%arg11 : memref<50x64xf32, #tpu.memory_space<vmem>>) target(%dma_start3A_427 : memref<10240x64xf32, #tpu.memory_space<vmem_shared>>) offsets(%dma_start3A_424 : memref<50xi32, #tpu.memory_space<vmem>>) semaphore(%run_scoped3A : memref<!tpu.dma_semaphore, #tpu.memory_space<semaphore_mem>>) {add = true}
        %dma_wait3A_428 = arith.constant 0 : i32
        %dma_wait3A_429 = tpu.memref_slice %arg7[%add3A_276, %dma_wait3A_428] : memref<200x50xi32, #tpu.memory_space<vmem>> -> memref<1x50xi32, #tpu.memory_space<vmem>>
        %dma_wait3A_430 = tpu.memref_squeeze %dma_wait3A_429 : memref<1x50xi32, #tpu.memory_space<vmem>> -> memref<50xi32, #tpu.memory_space<vmem>>
        %dma_wait3A_431 = arith.constant 0 : i32
        %dma_wait3A_432 = arith.constant 0 : i32
        %dma_wait3A_433 = tpu.memref_slice %arg18[%dma_wait3A_431, %dma_wait3A_432] : memref<10240x64xf32, #tpu.memory_space<vmem_shared>> -> memref<10240x64xf32, #tpu.memory_space<vmem_shared>>
        tpu.wait_indirect_dma semaphore(%run_scoped3A : memref<!tpu.dma_semaphore, #tpu.memory_space<semaphore_mem>>) src(%arg11 : memref<50x64xf32, #tpu.memory_space<vmem>>) dst(%dma_wait3A_433 : memref<10240x64xf32, #tpu.memory_space<vmem_shared>>)
        tpu.yield
      }) : () -> ()
      %add3A_296 = arith.constant 4 : i32
      %add3A_297 = arith.addi %mul3A_214, %add3A_296 : i32
      %add3A_298 = arith.constant 9 : i32
      %add3A_299 = arith.addi %add3A_297, %add3A_298 : i32
      %ge3A_300 = arith.constant 200 : i32
      %ge3A_301 = arith.cmpi sge, %add3A_299, %ge3A_300 : i32
      %sub3A_302 = arith.constant 200 : i32
      %sub3A_303 = arith.subi %add3A_299, %sub3A_302 : i32
      %select_n3A_304 = arith.select %ge3A_301, %sub3A_303, %add3A_299 : i32
      %dma_wait3A_305 = arith.constant 0 : i32
      %dma_wait3A_306 = tpu.memref_slice %arg6[%add3A_297, %dma_wait3A_305] : memref<200x50xi32, #tpu.memory_space<vmem>> -> memref<1x50xi32, #tpu.memory_space<vmem>>
      %dma_wait3A_307 = tpu.memref_squeeze %dma_wait3A_306 : memref<1x50xi32, #tpu.memory_space<vmem>> -> memref<50xi32, #tpu.memory_space<vmem>>
      %dma_wait3A_308 = arith.constant 0 : i32
      %dma_wait3A_309 = arith.constant 0 : i32
      %dma_wait3A_310 = tpu.memref_slice %arg2[%dma_wait3A_308, %dma_wait3A_309] : memref<10000x64xf32, #tpu.memory_space<hbm>> -> memref<10000x64xf32, #tpu.memory_space<hbm>>
      tpu.wait_indirect_dma semaphore(%arg23 : memref<!tpu.dma_semaphore, #tpu.memory_space<semaphore_mem>>) src(%dma_wait3A_310 : memref<10000x64xf32, #tpu.memory_space<hbm>>) dst(%arg12 : memref<50x64xf32, #tpu.memory_space<vmem>>)
      %dma_start3A_311 = arith.constant 0 : i32
      %dma_start3A_312 = tpu.memref_slice %arg6[%select_n3A_304, %dma_start3A_311] : memref<200x50xi32, #tpu.memory_space<vmem>> -> memref<1x50xi32, #tpu.memory_space<vmem>>
      %dma_start3A_313 = tpu.memref_squeeze %dma_start3A_312 : memref<1x50xi32, #tpu.memory_space<vmem>> -> memref<50xi32, #tpu.memory_space<vmem>>
      %dma_start3A_314 = arith.constant 0 : i32
      %dma_start3A_315 = arith.constant 0 : i32
      %dma_start3A_316 = tpu.memref_slice %arg2[%dma_start3A_314, %dma_start3A_315] : memref<10000x64xf32, #tpu.memory_space<hbm>> -> memref<10000x64xf32, #tpu.memory_space<hbm>>
      tpu.enqueue_indirect_dma source(%dma_start3A_316 : memref<10000x64xf32, #tpu.memory_space<hbm>>) target(%arg11 : memref<50x64xf32, #tpu.memory_space<vmem>>) offsets(%dma_start3A_313 : memref<50xi32, #tpu.memory_space<vmem>>) semaphore(%arg22 : memref<!tpu.dma_semaphore, #tpu.memory_space<semaphore_mem>>)
      "tpu.region"() ({
        %run_scoped3A = tpu.sem_alloc : memref<!tpu.dma_semaphore, #tpu.memory_space<semaphore_mem>>
        %dma_start3A_422 = arith.constant 0 : i32
        %dma_start3A_423 = tpu.memref_slice %arg7[%add3A_297, %dma_start3A_422] : memref<200x50xi32, #tpu.memory_space<vmem>> -> memref<1x50xi32, #tpu.memory_space<vmem>>
        %dma_start3A_424 = tpu.memref_squeeze %dma_start3A_423 : memref<1x50xi32, #tpu.memory_space<vmem>> -> memref<50xi32, #tpu.memory_space<vmem>>
        %dma_start3A_425 = arith.constant 0 : i32
        %dma_start3A_426 = arith.constant 0 : i32
        %dma_start3A_427 = tpu.memref_slice %arg18[%dma_start3A_425, %dma_start3A_426] : memref<10240x64xf32, #tpu.memory_space<vmem_shared>> -> memref<10240x64xf32, #tpu.memory_space<vmem_shared>>
        tpu.enqueue_indirect_dma source(%arg12 : memref<50x64xf32, #tpu.memory_space<vmem>>) target(%dma_start3A_427 : memref<10240x64xf32, #tpu.memory_space<vmem_shared>>) offsets(%dma_start3A_424 : memref<50xi32, #tpu.memory_space<vmem>>) semaphore(%run_scoped3A : memref<!tpu.dma_semaphore, #tpu.memory_space<semaphore_mem>>) {add = true}
        %dma_wait3A_428 = arith.constant 0 : i32
        %dma_wait3A_429 = tpu.memref_slice %arg7[%add3A_297, %dma_wait3A_428] : memref<200x50xi32, #tpu.memory_space<vmem>> -> memref<1x50xi32, #tpu.memory_space<vmem>>
        %dma_wait3A_430 = tpu.memref_squeeze %dma_wait3A_429 : memref<1x50xi32, #tpu.memory_space<vmem>> -> memref<50xi32, #tpu.memory_space<vmem>>
        %dma_wait3A_431 = arith.constant 0 : i32
        %dma_wait3A_432 = arith.constant 0 : i32
        %dma_wait3A_433 = tpu.memref_slice %arg18[%dma_wait3A_431, %dma_wait3A_432] : memref<10240x64xf32, #tpu.memory_space<vmem_shared>> -> memref<10240x64xf32, #tpu.memory_space<vmem_shared>>
        tpu.wait_indirect_dma semaphore(%run_scoped3A : memref<!tpu.dma_semaphore, #tpu.memory_space<semaphore_mem>>) src(%arg12 : memref<50x64xf32, #tpu.memory_space<vmem>>) dst(%dma_wait3A_433 : memref<10240x64xf32, #tpu.memory_space<vmem_shared>>)
        tpu.yield
      }) : () -> ()
      %add3A_317 = arith.constant 5 : i32
      %add3A_318 = arith.addi %mul3A_214, %add3A_317 : i32
      %add3A_319 = arith.constant 9 : i32
      %add3A_320 = arith.addi %add3A_318, %add3A_319 : i32
      %ge3A_321 = arith.constant 200 : i32
      %ge3A_322 = arith.cmpi sge, %add3A_320, %ge3A_321 : i32
      %sub3A_323 = arith.constant 200 : i32
      %sub3A_324 = arith.subi %add3A_320, %sub3A_323 : i32
      %select_n3A_325 = arith.select %ge3A_322, %sub3A_324, %add3A_320 : i32
      %dma_wait3A_326 = arith.constant 0 : i32
      %dma_wait3A_327 = tpu.memref_slice %arg6[%add3A_318, %dma_wait3A_326] : memref<200x50xi32, #tpu.memory_space<vmem>> -> memref<1x50xi32, #tpu.memory_space<vmem>>
      %dma_wait3A_328 = tpu.memref_squeeze %dma_wait3A_327 : memref<1x50xi32, #tpu.memory_space<vmem>> -> memref<50xi32, #tpu.memory_space<vmem>>
      %dma_wait3A_329 = arith.constant 0 : i32
      %dma_wait3A_330 = arith.constant 0 : i32
      %dma_wait3A_331 = tpu.memref_slice %arg2[%dma_wait3A_329, %dma_wait3A_330] : memref<10000x64xf32, #tpu.memory_space<hbm>> -> memref<10000x64xf32, #tpu.memory_space<hbm>>
      tpu.wait_indirect_dma semaphore(%arg24 : memref<!tpu.dma_semaphore, #tpu.memory_space<semaphore_mem>>) src(%dma_wait3A_331 : memref<10000x64xf32, #tpu.memory_space<hbm>>) dst(%arg13 : memref<50x64xf32, #tpu.memory_space<vmem>>)
      %dma_start3A_332 = arith.constant 0 : i32
      %dma_start3A_333 = tpu.memref_slice %arg6[%select_n3A_325, %dma_start3A_332] : memref<200x50xi32, #tpu.memory_space<vmem>> -> memref<1x50xi32, #tpu.memory_space<vmem>>
      %dma_start3A_334 = tpu.memref_squeeze %dma_start3A_333 : memref<1x50xi32, #tpu.memory_space<vmem>> -> memref<50xi32, #tpu.memory_space<vmem>>
      %dma_start3A_335 = arith.constant 0 : i32
      %dma_start3A_336 = arith.constant 0 : i32
      %dma_start3A_337 = tpu.memref_slice %arg2[%dma_start3A_335, %dma_start3A_336] : memref<10000x64xf32, #tpu.memory_space<hbm>> -> memref<10000x64xf32, #tpu.memory_space<hbm>>
      tpu.enqueue_indirect_dma source(%dma_start3A_337 : memref<10000x64xf32, #tpu.memory_space<hbm>>) target(%arg12 : memref<50x64xf32, #tpu.memory_space<vmem>>) offsets(%dma_start3A_334 : memref<50xi32, #tpu.memory_space<vmem>>) semaphore(%arg23 : memref<!tpu.dma_semaphore, #tpu.memory_space<semaphore_mem>>)
      "tpu.region"() ({
        %run_scoped3A = tpu.sem_alloc : memref<!tpu.dma_semaphore, #tpu.memory_space<semaphore_mem>>
        %dma_start3A_422 = arith.constant 0 : i32
        %dma_start3A_423 = tpu.memref_slice %arg7[%add3A_318, %dma_start3A_422] : memref<200x50xi32, #tpu.memory_space<vmem>> -> memref<1x50xi32, #tpu.memory_space<vmem>>
        %dma_start3A_424 = tpu.memref_squeeze %dma_start3A_423 : memref<1x50xi32, #tpu.memory_space<vmem>> -> memref<50xi32, #tpu.memory_space<vmem>>
        %dma_start3A_425 = arith.constant 0 : i32
        %dma_start3A_426 = arith.constant 0 : i32
        %dma_start3A_427 = tpu.memref_slice %arg18[%dma_start3A_425, %dma_start3A_426] : memref<10240x64xf32, #tpu.memory_space<vmem_shared>> -> memref<10240x64xf32, #tpu.memory_space<vmem_shared>>
        tpu.enqueue_indirect_dma source(%arg13 : memref<50x64xf32, #tpu.memory_space<vmem>>) target(%dma_start3A_427 : memref<10240x64xf32, #tpu.memory_space<vmem_shared>>) offsets(%dma_start3A_424 : memref<50xi32, #tpu.memory_space<vmem>>) semaphore(%run_scoped3A : memref<!tpu.dma_semaphore, #tpu.memory_space<semaphore_mem>>) {add = true}
        %dma_wait3A_428 = arith.constant 0 : i32
        %dma_wait3A_429 = tpu.memref_slice %arg7[%add3A_318, %dma_wait3A_428] : memref<200x50xi32, #tpu.memory_space<vmem>> -> memref<1x50xi32, #tpu.memory_space<vmem>>
        %dma_wait3A_430 = tpu.memref_squeeze %dma_wait3A_429 : memref<1x50xi32, #tpu.memory_space<vmem>> -> memref<50xi32, #tpu.memory_space<vmem>>
        %dma_wait3A_431 = arith.constant 0 : i32
        %dma_wait3A_432 = arith.constant 0 : i32
        %dma_wait3A_433 = tpu.memref_slice %arg18[%dma_wait3A_431, %dma_wait3A_432] : memref<10240x64xf32, #tpu.memory_space<vmem_shared>> -> memref<10240x64xf32, #tpu.memory_space<vmem_shared>>
        tpu.wait_indirect_dma semaphore(%run_scoped3A : memref<!tpu.dma_semaphore, #tpu.memory_space<semaphore_mem>>) src(%arg13 : memref<50x64xf32, #tpu.memory_space<vmem>>) dst(%dma_wait3A_433 : memref<10240x64xf32, #tpu.memory_space<vmem_shared>>)
        tpu.yield
      }) : () -> ()
      %add3A_338 = arith.constant 6 : i32
      %add3A_339 = arith.addi %mul3A_214, %add3A_338 : i32
      %add3A_340 = arith.constant 9 : i32
      %add3A_341 = arith.addi %add3A_339, %add3A_340 : i32
      %ge3A_342 = arith.constant 200 : i32
      %ge3A_343 = arith.cmpi sge, %add3A_341, %ge3A_342 : i32
      %sub3A_344 = arith.constant 200 : i32
      %sub3A_345 = arith.subi %add3A_341, %sub3A_344 : i32
      %select_n3A_346 = arith.select %ge3A_343, %sub3A_345, %add3A_341 : i32
      %dma_wait3A_347 = arith.constant 0 : i32
      %dma_wait3A_348 = tpu.memref_slice %arg6[%add3A_339, %dma_wait3A_347] : memref<200x50xi32, #tpu.memory_space<vmem>> -> memref<1x50xi32, #tpu.memory_space<vmem>>
      %dma_wait3A_349 = tpu.memref_squeeze %dma_wait3A_348 : memref<1x50xi32, #tpu.memory_space<vmem>> -> memref<50xi32, #tpu.memory_space<vmem>>
      %dma_wait3A_350 = arith.constant 0 : i32
      %dma_wait3A_351 = arith.constant 0 : i32
      %dma_wait3A_352 = tpu.memref_slice %arg2[%dma_wait3A_350, %dma_wait3A_351] : memref<10000x64xf32, #tpu.memory_space<hbm>> -> memref<10000x64xf32, #tpu.memory_space<hbm>>
      tpu.wait_indirect_dma semaphore(%arg25 : memref<!tpu.dma_semaphore, #tpu.memory_space<semaphore_mem>>) src(%dma_wait3A_352 : memref<10000x64xf32, #tpu.memory_space<hbm>>) dst(%arg14 : memref<50x64xf32, #tpu.memory_space<vmem>>)
      %dma_start3A_353 = arith.constant 0 : i32
      %dma_start3A_354 = tpu.memref_slice %arg6[%select_n3A_346, %dma_start3A_353] : memref<200x50xi32, #tpu.memory_space<vmem>> -> memref<1x50xi32, #tpu.memory_space<vmem>>
      %dma_start3A_355 = tpu.memref_squeeze %dma_start3A_354 : memref<1x50xi32, #tpu.memory_space<vmem>> -> memref<50xi32, #tpu.memory_space<vmem>>
      %dma_start3A_356 = arith.constant 0 : i32
      %dma_start3A_357 = arith.constant 0 : i32
      %dma_start3A_358 = tpu.memref_slice %arg2[%dma_start3A_356, %dma_start3A_357] : memref<10000x64xf32, #tpu.memory_space<hbm>> -> memref<10000x64xf32, #tpu.memory_space<hbm>>
      tpu.enqueue_indirect_dma source(%dma_start3A_358 : memref<10000x64xf32, #tpu.memory_space<hbm>>) target(%arg13 : memref<50x64xf32, #tpu.memory_space<vmem>>) offsets(%dma_start3A_355 : memref<50xi32, #tpu.memory_space<vmem>>) semaphore(%arg24 : memref<!tpu.dma_semaphore, #tpu.memory_space<semaphore_mem>>)
      "tpu.region"() ({
        %run_scoped3A = tpu.sem_alloc : memref<!tpu.dma_semaphore, #tpu.memory_space<semaphore_mem>>
        %dma_start3A_422 = arith.constant 0 : i32
        %dma_start3A_423 = tpu.memref_slice %arg7[%add3A_339, %dma_start3A_422] : memref<200x50xi32, #tpu.memory_space<vmem>> -> memref<1x50xi32, #tpu.memory_space<vmem>>
        %dma_start3A_424 = tpu.memref_squeeze %dma_start3A_423 : memref<1x50xi32, #tpu.memory_space<vmem>> -> memref<50xi32, #tpu.memory_space<vmem>>
        %dma_start3A_425 = arith.constant 0 : i32
        %dma_start3A_426 = arith.constant 0 : i32
        %dma_start3A_427 = tpu.memref_slice %arg18[%dma_start3A_425, %dma_start3A_426] : memref<10240x64xf32, #tpu.memory_space<vmem_shared>> -> memref<10240x64xf32, #tpu.memory_space<vmem_shared>>
        tpu.enqueue_indirect_dma source(%arg14 : memref<50x64xf32, #tpu.memory_space<vmem>>) target(%dma_start3A_427 : memref<10240x64xf32, #tpu.memory_space<vmem_shared>>) offsets(%dma_start3A_424 : memref<50xi32, #tpu.memory_space<vmem>>) semaphore(%run_scoped3A : memref<!tpu.dma_semaphore, #tpu.memory_space<semaphore_mem>>) {add = true}
        %dma_wait3A_428 = arith.constant 0 : i32
        %dma_wait3A_429 = tpu.memref_slice %arg7[%add3A_339, %dma_wait3A_428] : memref<200x50xi32, #tpu.memory_space<vmem>> -> memref<1x50xi32, #tpu.memory_space<vmem>>
        %dma_wait3A_430 = tpu.memref_squeeze %dma_wait3A_429 : memref<1x50xi32, #tpu.memory_space<vmem>> -> memref<50xi32, #tpu.memory_space<vmem>>
        %dma_wait3A_431 = arith.constant 0 : i32
        %dma_wait3A_432 = arith.constant 0 : i32
        %dma_wait3A_433 = tpu.memref_slice %arg18[%dma_wait3A_431, %dma_wait3A_432] : memref<10240x64xf32, #tpu.memory_space<vmem_shared>> -> memref<10240x64xf32, #tpu.memory_space<vmem_shared>>
        tpu.wait_indirect_dma semaphore(%run_scoped3A : memref<!tpu.dma_semaphore, #tpu.memory_space<semaphore_mem>>) src(%arg14 : memref<50x64xf32, #tpu.memory_space<vmem>>) dst(%dma_wait3A_433 : memref<10240x64xf32, #tpu.memory_space<vmem_shared>>)
        tpu.yield
      }) : () -> ()
      %add3A_359 = arith.constant 7 : i32
      %add3A_360 = arith.addi %mul3A_214, %add3A_359 : i32
      %add3A_361 = arith.constant 9 : i32
      %add3A_362 = arith.addi %add3A_360, %add3A_361 : i32
      %ge3A_363 = arith.constant 200 : i32
      %ge3A_364 = arith.cmpi sge, %add3A_362, %ge3A_363 : i32
      %sub3A_365 = arith.constant 200 : i32
      %sub3A_366 = arith.subi %add3A_362, %sub3A_365 : i32
      %select_n3A_367 = arith.select %ge3A_364, %sub3A_366, %add3A_362 : i32
      %dma_wait3A_368 = arith.constant 0 : i32
      %dma_wait3A_369 = tpu.memref_slice %arg6[%add3A_360, %dma_wait3A_368] : memref<200x50xi32, #tpu.memory_space<vmem>> -> memref<1x50xi32, #tpu.memory_space<vmem>>
      %dma_wait3A_370 = tpu.memref_squeeze %dma_wait3A_369 : memref<1x50xi32, #tpu.memory_space<vmem>> -> memref<50xi32, #tpu.memory_space<vmem>>
      %dma_wait3A_371 = arith.constant 0 : i32
      %dma_wait3A_372 = arith.constant 0 : i32
      %dma_wait3A_373 = tpu.memref_slice %arg2[%dma_wait3A_371, %dma_wait3A_372] : memref<10000x64xf32, #tpu.memory_space<hbm>> -> memref<10000x64xf32, #tpu.memory_space<hbm>>
      tpu.wait_indirect_dma semaphore(%arg26 : memref<!tpu.dma_semaphore, #tpu.memory_space<semaphore_mem>>) src(%dma_wait3A_373 : memref<10000x64xf32, #tpu.memory_space<hbm>>) dst(%arg15 : memref<50x64xf32, #tpu.memory_space<vmem>>)
      %dma_start3A_374 = arith.constant 0 : i32
      %dma_start3A_375 = tpu.memref_slice %arg6[%select_n3A_367, %dma_start3A_374] : memref<200x50xi32, #tpu.memory_space<vmem>> -> memref<1x50xi32, #tpu.memory_space<vmem>>
      %dma_start3A_376 = tpu.memref_squeeze %dma_start3A_375 : memref<1x50xi32, #tpu.memory_space<vmem>> -> memref<50xi32, #tpu.memory_space<vmem>>
      %dma_start3A_377 = arith.constant 0 : i32
      %dma_start3A_378 = arith.constant 0 : i32
      %dma_start3A_379 = tpu.memref_slice %arg2[%dma_start3A_377, %dma_start3A_378] : memref<10000x64xf32, #tpu.memory_space<hbm>> -> memref<10000x64xf32, #tpu.memory_space<hbm>>
      tpu.enqueue_indirect_dma source(%dma_start3A_379 : memref<10000x64xf32, #tpu.memory_space<hbm>>) target(%arg14 : memref<50x64xf32, #tpu.memory_space<vmem>>) offsets(%dma_start3A_376 : memref<50xi32, #tpu.memory_space<vmem>>) semaphore(%arg25 : memref<!tpu.dma_semaphore, #tpu.memory_space<semaphore_mem>>)
      "tpu.region"() ({
        %run_scoped3A = tpu.sem_alloc : memref<!tpu.dma_semaphore, #tpu.memory_space<semaphore_mem>>
        %dma_start3A_422 = arith.constant 0 : i32
        %dma_start3A_423 = tpu.memref_slice %arg7[%add3A_360, %dma_start3A_422] : memref<200x50xi32, #tpu.memory_space<vmem>> -> memref<1x50xi32, #tpu.memory_space<vmem>>
        %dma_start3A_424 = tpu.memref_squeeze %dma_start3A_423 : memref<1x50xi32, #tpu.memory_space<vmem>> -> memref<50xi32, #tpu.memory_space<vmem>>
        %dma_start3A_425 = arith.constant 0 : i32
        %dma_start3A_426 = arith.constant 0 : i32
        %dma_start3A_427 = tpu.memref_slice %arg18[%dma_start3A_425, %dma_start3A_426] : memref<10240x64xf32, #tpu.memory_space<vmem_shared>> -> memref<10240x64xf32, #tpu.memory_space<vmem_shared>>
        tpu.enqueue_indirect_dma source(%arg15 : memref<50x64xf32, #tpu.memory_space<vmem>>) target(%dma_start3A_427 : memref<10240x64xf32, #tpu.memory_space<vmem_shared>>) offsets(%dma_start3A_424 : memref<50xi32, #tpu.memory_space<vmem>>) semaphore(%run_scoped3A : memref<!tpu.dma_semaphore, #tpu.memory_space<semaphore_mem>>) {add = true}
        %dma_wait3A_428 = arith.constant 0 : i32
        %dma_wait3A_429 = tpu.memref_slice %arg7[%add3A_360, %dma_wait3A_428] : memref<200x50xi32, #tpu.memory_space<vmem>> -> memref<1x50xi32, #tpu.memory_space<vmem>>
        %dma_wait3A_430 = tpu.memref_squeeze %dma_wait3A_429 : memref<1x50xi32, #tpu.memory_space<vmem>> -> memref<50xi32, #tpu.memory_space<vmem>>
        %dma_wait3A_431 = arith.constant 0 : i32
        %dma_wait3A_432 = arith.constant 0 : i32
        %dma_wait3A_433 = tpu.memref_slice %arg18[%dma_wait3A_431, %dma_wait3A_432] : memref<10240x64xf32, #tpu.memory_space<vmem_shared>> -> memref<10240x64xf32, #tpu.memory_space<vmem_shared>>
        tpu.wait_indirect_dma semaphore(%run_scoped3A : memref<!tpu.dma_semaphore, #tpu.memory_space<semaphore_mem>>) src(%arg15 : memref<50x64xf32, #tpu.memory_space<vmem>>) dst(%dma_wait3A_433 : memref<10240x64xf32, #tpu.memory_space<vmem_shared>>)
        tpu.yield
      }) : () -> ()
      %add3A_380 = arith.constant 8 : i32
      %add3A_381 = arith.addi %mul3A_214, %add3A_380 : i32
      %add3A_382 = arith.constant 9 : i32
      %add3A_383 = arith.addi %add3A_381, %add3A_382 : i32
      %ge3A_384 = arith.constant 200 : i32
      %ge3A_385 = arith.cmpi sge, %add3A_383, %ge3A_384 : i32
      %sub3A_386 = arith.constant 200 : i32
      %sub3A_387 = arith.subi %add3A_383, %sub3A_386 : i32
      %select_n3A_388 = arith.select %ge3A_385, %sub3A_387, %add3A_383 : i32
      %dma_wait3A_389 = arith.constant 0 : i32
      %dma_wait3A_390 = tpu.memref_slice %arg6[%add3A_381, %dma_wait3A_389] : memref<200x50xi32, #tpu.memory_space<vmem>> -> memref<1x50xi32, #tpu.memory_space<vmem>>
      %dma_wait3A_391 = tpu.memref_squeeze %dma_wait3A_390 : memref<1x50xi32, #tpu.memory_space<vmem>> -> memref<50xi32, #tpu.memory_space<vmem>>
      %dma_wait3A_392 = arith.constant 0 : i32
      %dma_wait3A_393 = arith.constant 0 : i32
      %dma_wait3A_394 = tpu.memref_slice %arg2[%dma_wait3A_392, %dma_wait3A_393] : memref<10000x64xf32, #tpu.memory_space<hbm>> -> memref<10000x64xf32, #tpu.memory_space<hbm>>
      tpu.wait_indirect_dma semaphore(%arg27 : memref<!tpu.dma_semaphore, #tpu.memory_space<semaphore_mem>>) src(%dma_wait3A_394 : memref<10000x64xf32, #tpu.memory_space<hbm>>) dst(%arg16 : memref<50x64xf32, #tpu.memory_space<vmem>>)
      %dma_start3A_395 = arith.constant 0 : i32
      %dma_start3A_396 = tpu.memref_slice %arg6[%select_n3A_388, %dma_start3A_395] : memref<200x50xi32, #tpu.memory_space<vmem>> -> memref<1x50xi32, #tpu.memory_space<vmem>>
      %dma_start3A_397 = tpu.memref_squeeze %dma_start3A_396 : memref<1x50xi32, #tpu.memory_space<vmem>> -> memref<50xi32, #tpu.memory_space<vmem>>
      %dma_start3A_398 = arith.constant 0 : i32
      %dma_start3A_399 = arith.constant 0 : i32
      %dma_start3A_400 = tpu.memref_slice %arg2[%dma_start3A_398, %dma_start3A_399] : memref<10000x64xf32, #tpu.memory_space<hbm>> -> memref<10000x64xf32, #tpu.memory_space<hbm>>
      tpu.enqueue_indirect_dma source(%dma_start3A_400 : memref<10000x64xf32, #tpu.memory_space<hbm>>) target(%arg15 : memref<50x64xf32, #tpu.memory_space<vmem>>) offsets(%dma_start3A_397 : memref<50xi32, #tpu.memory_space<vmem>>) semaphore(%arg26 : memref<!tpu.dma_semaphore, #tpu.memory_space<semaphore_mem>>)
      "tpu.region"() ({
        %run_scoped3A = tpu.sem_alloc : memref<!tpu.dma_semaphore, #tpu.memory_space<semaphore_mem>>
        %dma_start3A_422 = arith.constant 0 : i32
        %dma_start3A_423 = tpu.memref_slice %arg7[%add3A_381, %dma_start3A_422] : memref<200x50xi32, #tpu.memory_space<vmem>> -> memref<1x50xi32, #tpu.memory_space<vmem>>
        %dma_start3A_424 = tpu.memref_squeeze %dma_start3A_423 : memref<1x50xi32, #tpu.memory_space<vmem>> -> memref<50xi32, #tpu.memory_space<vmem>>
        %dma_start3A_425 = arith.constant 0 : i32
        %dma_start3A_426 = arith.constant 0 : i32
        %dma_start3A_427 = tpu.memref_slice %arg18[%dma_start3A_425, %dma_start3A_426] : memref<10240x64xf32, #tpu.memory_space<vmem_shared>> -> memref<10240x64xf32, #tpu.memory_space<vmem_shared>>
        tpu.enqueue_indirect_dma source(%arg16 : memref<50x64xf32, #tpu.memory_space<vmem>>) target(%dma_start3A_427 : memref<10240x64xf32, #tpu.memory_space<vmem_shared>>) offsets(%dma_start3A_424 : memref<50xi32, #tpu.memory_space<vmem>>) semaphore(%run_scoped3A : memref<!tpu.dma_semaphore, #tpu.memory_space<semaphore_mem>>) {add = true}
        %dma_wait3A_428 = arith.constant 0 : i32
        %dma_wait3A_429 = tpu.memref_slice %arg7[%add3A_381, %dma_wait3A_428] : memref<200x50xi32, #tpu.memory_space<vmem>> -> memref<1x50xi32, #tpu.memory_space<vmem>>
        %dma_wait3A_430 = tpu.memref_squeeze %dma_wait3A_429 : memref<1x50xi32, #tpu.memory_space<vmem>> -> memref<50xi32, #tpu.memory_space<vmem>>
        %dma_wait3A_431 = arith.constant 0 : i32
        %dma_wait3A_432 = arith.constant 0 : i32
        %dma_wait3A_433 = tpu.memref_slice %arg18[%dma_wait3A_431, %dma_wait3A_432] : memref<10240x64xf32, #tpu.memory_space<vmem_shared>> -> memref<10240x64xf32, #tpu.memory_space<vmem_shared>>
        tpu.wait_indirect_dma semaphore(%run_scoped3A : memref<!tpu.dma_semaphore, #tpu.memory_space<semaphore_mem>>) src(%arg16 : memref<50x64xf32, #tpu.memory_space<vmem>>) dst(%dma_wait3A_433 : memref<10240x64xf32, #tpu.memory_space<vmem_shared>>)
        tpu.yield
      }) : () -> ()
      %add3A_401 = arith.constant 9 : i32
      %add3A_402 = arith.addi %mul3A_214, %add3A_401 : i32
      %add3A_403 = arith.constant 9 : i32
      %add3A_404 = arith.addi %add3A_402, %add3A_403 : i32
      %ge3A_405 = arith.constant 200 : i32
      %ge3A_406 = arith.cmpi sge, %add3A_404, %ge3A_405 : i32
      %sub3A_407 = arith.constant 200 : i32
      %sub3A_408 = arith.subi %add3A_404, %sub3A_407 : i32
      %select_n3A_409 = arith.select %ge3A_406, %sub3A_408, %add3A_404 : i32
      %dma_wait3A_410 = arith.constant 0 : i32
      %dma_wait3A_411 = tpu.memref_slice %arg6[%add3A_402, %dma_wait3A_410] : memref<200x50xi32, #tpu.memory_space<vmem>> -> memref<1x50xi32, #tpu.memory_space<vmem>>
      %dma_wait3A_412 = tpu.memref_squeeze %dma_wait3A_411 : memref<1x50xi32, #tpu.memory_space<vmem>> -> memref<50xi32, #tpu.memory_space<vmem>>
      %dma_wait3A_413 = arith.constant 0 : i32
      %dma_wait3A_414 = arith.constant 0 : i32
      %dma_wait3A_415 = tpu.memref_slice %arg2[%dma_wait3A_413, %dma_wait3A_414] : memref<10000x64xf32, #tpu.memory_space<hbm>> -> memref<10000x64xf32, #tpu.memory_space<hbm>>
      tpu.wait_indirect_dma semaphore(%arg28 : memref<!tpu.dma_semaphore, #tpu.memory_space<semaphore_mem>>) src(%dma_wait3A_415 : memref<10000x64xf32, #tpu.memory_space<hbm>>) dst(%arg17 : memref<50x64xf32, #tpu.memory_space<vmem>>)
      %dma_start3A_416 = arith.constant 0 : i32
      %dma_start3A_417 = tpu.memref_slice %arg6[%select_n3A_409, %dma_start3A_416] : memref<200x50xi32, #tpu.memory_space<vmem>> -> memref<1x50xi32, #tpu.memory_space<vmem>>
      %dma_start3A_418 = tpu.memref_squeeze %dma_start3A_417 : memref<1x50xi32, #tpu.memory_space<vmem>> -> memref<50xi32, #tpu.memory_space<vmem>>
      %dma_start3A_419 = arith.constant 0 : i32
      %dma_start3A_420 = arith.constant 0 : i32
      %dma_start3A_421 = tpu.memref_slice %arg2[%dma_start3A_419, %dma_start3A_420] : memref<10000x64xf32, #tpu.memory_space<hbm>> -> memref<10000x64xf32, #tpu.memory_space<hbm>>
      tpu.enqueue_indirect_dma source(%dma_start3A_421 : memref<10000x64xf32, #tpu.memory_space<hbm>>) target(%arg16 : memref<50x64xf32, #tpu.memory_space<vmem>>) offsets(%dma_start3A_418 : memref<50xi32, #tpu.memory_space<vmem>>) semaphore(%arg27 : memref<!tpu.dma_semaphore, #tpu.memory_space<semaphore_mem>>)
      "tpu.region"() ({
        %run_scoped3A = tpu.sem_alloc : memref<!tpu.dma_semaphore, #tpu.memory_space<semaphore_mem>>
        %dma_start3A_422 = arith.constant 0 : i32
        %dma_start3A_423 = tpu.memref_slice %arg7[%add3A_402, %dma_start3A_422] : memref<200x50xi32, #tpu.memory_space<vmem>> -> memref<1x50xi32, #tpu.memory_space<vmem>>
        %dma_start3A_424 = tpu.memref_squeeze %dma_start3A_423 : memref<1x50xi32, #tpu.memory_space<vmem>> -> memref<50xi32, #tpu.memory_space<vmem>>
        %dma_start3A_425 = arith.constant 0 : i32
        %dma_start3A_426 = arith.constant 0 : i32
        %dma_start3A_427 = tpu.memref_slice %arg18[%dma_start3A_425, %dma_start3A_426] : memref<10240x64xf32, #tpu.memory_space<vmem_shared>> -> memref<10240x64xf32, #tpu.memory_space<vmem_shared>>
        tpu.enqueue_indirect_dma source(%arg17 : memref<50x64xf32, #tpu.memory_space<vmem>>) target(%dma_start3A_427 : memref<10240x64xf32, #tpu.memory_space<vmem_shared>>) offsets(%dma_start3A_424 : memref<50xi32, #tpu.memory_space<vmem>>) semaphore(%run_scoped3A : memref<!tpu.dma_semaphore, #tpu.memory_space<semaphore_mem>>) {add = true}
        %dma_wait3A_428 = arith.constant 0 : i32
        %dma_wait3A_429 = tpu.memref_slice %arg7[%add3A_402, %dma_wait3A_428] : memref<200x50xi32, #tpu.memory_space<vmem>> -> memref<1x50xi32, #tpu.memory_space<vmem>>
        %dma_wait3A_430 = tpu.memref_squeeze %dma_wait3A_429 : memref<1x50xi32, #tpu.memory_space<vmem>> -> memref<50xi32, #tpu.memory_space<vmem>>
        %dma_wait3A_431 = arith.constant 0 : i32
        %dma_wait3A_432 = arith.constant 0 : i32
        %dma_wait3A_433 = tpu.memref_slice %arg18[%dma_wait3A_431, %dma_wait3A_432] : memref<10240x64xf32, #tpu.memory_space<vmem_shared>> -> memref<10240x64xf32, #tpu.memory_space<vmem_shared>>
        tpu.wait_indirect_dma semaphore(%run_scoped3A : memref<!tpu.dma_semaphore, #tpu.memory_space<semaphore_mem>>) src(%arg17 : memref<50x64xf32, #tpu.memory_space<vmem>>) dst(%dma_wait3A_433 : memref<10240x64xf32, #tpu.memory_space<vmem_shared>>)
        tpu.yield
      }) : () -> ()
    }
    %scan3A_143 = arith.constant 20 : i32
    %dma_wait3A_144 = arith.constant 0 : i32
    %dma_wait3A_145 = arith.constant 0 : i32
    %dma_wait3A_146 = tpu.memref_slice %arg6[%dma_wait3A_144, %dma_wait3A_145] : memref<200x50xi32, #tpu.memory_space<vmem>> -> memref<1x50xi32, #tpu.memory_space<vmem>>
    %dma_wait3A_147 = tpu.memref_squeeze %dma_wait3A_146 : memref<1x50xi32, #tpu.memory_space<vmem>> -> memref<50xi32, #tpu.memory_space<vmem>>
    %dma_wait3A_148 = arith.constant 0 : i32
    %dma_wait3A_149 = arith.constant 0 : i32
    %dma_wait3A_150 = tpu.memref_slice %arg2[%dma_wait3A_148, %dma_wait3A_149] : memref<10000x64xf32, #tpu.memory_space<hbm>> -> memref<10000x64xf32, #tpu.memory_space<hbm>>
    tpu.wait_indirect_dma semaphore(%arg19 : memref<!tpu.dma_semaphore, #tpu.memory_space<semaphore_mem>>) src(%dma_wait3A_150 : memref<10000x64xf32, #tpu.memory_space<hbm>>) dst(%arg8 : memref<50x64xf32, #tpu.memory_space<vmem>>)
    %dma_wait3A_151 = arith.constant 1 : i32
    %dma_wait3A_152 = arith.constant 0 : i32
    %dma_wait3A_153 = tpu.memref_slice %arg6[%dma_wait3A_151, %dma_wait3A_152] : memref<200x50xi32, #tpu.memory_space<vmem>> -> memref<1x50xi32, #tpu.memory_space<vmem>>
    %dma_wait3A_154 = tpu.memref_squeeze %dma_wait3A_153 : memref<1x50xi32, #tpu.memory_space<vmem>> -> memref<50xi32, #tpu.memory_space<vmem>>
    %dma_wait3A_155 = arith.constant 0 : i32
    %dma_wait3A_156 = arith.constant 0 : i32
    %dma_wait3A_157 = tpu.memref_slice %arg2[%dma_wait3A_155, %dma_wait3A_156] : memref<10000x64xf32, #tpu.memory_space<hbm>> -> memref<10000x64xf32, #tpu.memory_space<hbm>>
    tpu.wait_indirect_dma semaphore(%arg20 : memref<!tpu.dma_semaphore, #tpu.memory_space<semaphore_mem>>) src(%dma_wait3A_157 : memref<10000x64xf32, #tpu.memory_space<hbm>>) dst(%arg9 : memref<50x64xf32, #tpu.memory_space<vmem>>)
    %dma_wait3A_158 = arith.constant 2 : i32
    %dma_wait3A_159 = arith.constant 0 : i32
    %dma_wait3A_160 = tpu.memref_slice %arg6[%dma_wait3A_158, %dma_wait3A_159] : memref<200x50xi32, #tpu.memory_space<vmem>> -> memref<1x50xi32, #tpu.memory_space<vmem>>
    %dma_wait3A_161 = tpu.memref_squeeze %dma_wait3A_160 : memref<1x50xi32, #tpu.memory_space<vmem>> -> memref<50xi32, #tpu.memory_space<vmem>>
    %dma_wait3A_162 = arith.constant 0 : i32
    %dma_wait3A_163 = arith.constant 0 : i32
    %dma_wait3A_164 = tpu.memref_slice %arg2[%dma_wait3A_162, %dma_wait3A_163] : memref<10000x64xf32, #tpu.memory_space<hbm>> -> memref<10000x64xf32, #tpu.memory_space<hbm>>
    tpu.wait_indirect_dma semaphore(%arg21 : memref<!tpu.dma_semaphore, #tpu.memory_space<semaphore_mem>>) src(%dma_wait3A_164 : memref<10000x64xf32, #tpu.memory_space<hbm>>) dst(%arg10 : memref<50x64xf32, #tpu.memory_space<vmem>>)
    %dma_wait3A_165 = arith.constant 3 : i32
    %dma_wait3A_166 = arith.constant 0 : i32
    %dma_wait3A_167 = tpu.memref_slice %arg6[%dma_wait3A_165, %dma_wait3A_166] : memref<200x50xi32, #tpu.memory_space<vmem>> -> memref<1x50xi32, #tpu.memory_space<vmem>>
    %dma_wait3A_168 = tpu.memref_squeeze %dma_wait3A_167 : memref<1x50xi32, #tpu.memory_space<vmem>> -> memref<50xi32, #tpu.memory_space<vmem>>
    %dma_wait3A_169 = arith.constant 0 : i32
    %dma_wait3A_170 = arith.constant 0 : i32
    %dma_wait3A_171 = tpu.memref_slice %arg2[%dma_wait3A_169, %dma_wait3A_170] : memref<10000x64xf32, #tpu.memory_space<hbm>> -> memref<10000x64xf32, #tpu.memory_space<hbm>>
    tpu.wait_indirect_dma semaphore(%arg22 : memref<!tpu.dma_semaphore, #tpu.memory_space<semaphore_mem>>) src(%dma_wait3A_171 : memref<10000x64xf32, #tpu.memory_space<hbm>>) dst(%arg11 : memref<50x64xf32, #tpu.memory_space<vmem>>)
    %dma_wait3A_172 = arith.constant 4 : i32
    %dma_wait3A_173 = arith.constant 0 : i32
    %dma_wait3A_174 = tpu.memref_slice %arg6[%dma_wait3A_172, %dma_wait3A_173] : memref<200x50xi32, #tpu.memory_space<vmem>> -> memref<1x50xi32, #tpu.memory_space<vmem>>
    %dma_wait3A_175 = tpu.memref_squeeze %dma_wait3A_174 : memref<1x50xi32, #tpu.memory_space<vmem>> -> memref<50xi32, #tpu.memory_space<vmem>>
    %dma_wait3A_176 = arith.constant 0 : i32
    %dma_wait3A_177 = arith.constant 0 : i32
    %dma_wait3A_178 = tpu.memref_slice %arg2[%dma_wait3A_176, %dma_wait3A_177] : memref<10000x64xf32, #tpu.memory_space<hbm>> -> memref<10000x64xf32, #tpu.memory_space<hbm>>
    tpu.wait_indirect_dma semaphore(%arg23 : memref<!tpu.dma_semaphore, #tpu.memory_space<semaphore_mem>>) src(%dma_wait3A_178 : memref<10000x64xf32, #tpu.memory_space<hbm>>) dst(%arg12 : memref<50x64xf32, #tpu.memory_space<vmem>>)
    %dma_wait3A_179 = arith.constant 5 : i32
    %dma_wait3A_180 = arith.constant 0 : i32
    %dma_wait3A_181 = tpu.memref_slice %arg6[%dma_wait3A_179, %dma_wait3A_180] : memref<200x50xi32, #tpu.memory_space<vmem>> -> memref<1x50xi32, #tpu.memory_space<vmem>>
    %dma_wait3A_182 = tpu.memref_squeeze %dma_wait3A_181 : memref<1x50xi32, #tpu.memory_space<vmem>> -> memref<50xi32, #tpu.memory_space<vmem>>
    %dma_wait3A_183 = arith.constant 0 : i32
    %dma_wait3A_184 = arith.constant 0 : i32
    %dma_wait3A_185 = tpu.memref_slice %arg2[%dma_wait3A_183, %dma_wait3A_184] : memref<10000x64xf32, #tpu.memory_space<hbm>> -> memref<10000x64xf32, #tpu.memory_space<hbm>>
    tpu.wait_indirect_dma semaphore(%arg24 : memref<!tpu.dma_semaphore, #tpu.memory_space<semaphore_mem>>) src(%dma_wait3A_185 : memref<10000x64xf32, #tpu.memory_space<hbm>>) dst(%arg13 : memref<50x64xf32, #tpu.memory_space<vmem>>)
    %dma_wait3A_186 = arith.constant 6 : i32
    %dma_wait3A_187 = arith.constant 0 : i32
    %dma_wait3A_188 = tpu.memref_slice %arg6[%dma_wait3A_186, %dma_wait3A_187] : memref<200x50xi32, #tpu.memory_space<vmem>> -> memref<1x50xi32, #tpu.memory_space<vmem>>
    %dma_wait3A_189 = tpu.memref_squeeze %dma_wait3A_188 : memref<1x50xi32, #tpu.memory_space<vmem>> -> memref<50xi32, #tpu.memory_space<vmem>>
    %dma_wait3A_190 = arith.constant 0 : i32
    %dma_wait3A_191 = arith.constant 0 : i32
    %dma_wait3A_192 = tpu.memref_slice %arg2[%dma_wait3A_190, %dma_wait3A_191] : memref<10000x64xf32, #tpu.memory_space<hbm>> -> memref<10000x64xf32, #tpu.memory_space<hbm>>
    tpu.wait_indirect_dma semaphore(%arg25 : memref<!tpu.dma_semaphore, #tpu.memory_space<semaphore_mem>>) src(%dma_wait3A_192 : memref<10000x64xf32, #tpu.memory_space<hbm>>) dst(%arg14 : memref<50x64xf32, #tpu.memory_space<vmem>>)
    %dma_wait3A_193 = arith.constant 7 : i32
    %dma_wait3A_194 = arith.constant 0 : i32
    %dma_wait3A_195 = tpu.memref_slice %arg6[%dma_wait3A_193, %dma_wait3A_194] : memref<200x50xi32, #tpu.memory_space<vmem>> -> memref<1x50xi32, #tpu.memory_space<vmem>>
    %dma_wait3A_196 = tpu.memref_squeeze %dma_wait3A_195 : memref<1x50xi32, #tpu.memory_space<vmem>> -> memref<50xi32, #tpu.memory_space<vmem>>
    %dma_wait3A_197 = arith.constant 0 : i32
    %dma_wait3A_198 = arith.constant 0 : i32
    %dma_wait3A_199 = tpu.memref_slice %arg2[%dma_wait3A_197, %dma_wait3A_198] : memref<10000x64xf32, #tpu.memory_space<hbm>> -> memref<10000x64xf32, #tpu.memory_space<hbm>>
    tpu.wait_indirect_dma semaphore(%arg26 : memref<!tpu.dma_semaphore, #tpu.memory_space<semaphore_mem>>) src(%dma_wait3A_199 : memref<10000x64xf32, #tpu.memory_space<hbm>>) dst(%arg15 : memref<50x64xf32, #tpu.memory_space<vmem>>)
    %dma_wait3A_200 = arith.constant 8 : i32
    %dma_wait3A_201 = arith.constant 0 : i32
    %dma_wait3A_202 = tpu.memref_slice %arg6[%dma_wait3A_200, %dma_wait3A_201] : memref<200x50xi32, #tpu.memory_space<vmem>> -> memref<1x50xi32, #tpu.memory_space<vmem>>
    %dma_wait3A_203 = tpu.memref_squeeze %dma_wait3A_202 : memref<1x50xi32, #tpu.memory_space<vmem>> -> memref<50xi32, #tpu.memory_space<vmem>>
    %dma_wait3A_204 = arith.constant 0 : i32
    %dma_wait3A_205 = arith.constant 0 : i32
    %dma_wait3A_206 = tpu.memref_slice %arg2[%dma_wait3A_204, %dma_wait3A_205] : memref<10000x64xf32, #tpu.memory_space<hbm>> -> memref<10000x64xf32, #tpu.memory_space<hbm>>
    tpu.wait_indirect_dma semaphore(%arg27 : memref<!tpu.dma_semaphore, #tpu.memory_space<semaphore_mem>>) src(%dma_wait3A_206 : memref<10000x64xf32, #tpu.memory_space<hbm>>) dst(%arg16 : memref<50x64xf32, #tpu.memory_space<vmem>>)
    %barrier3A_207 = arith.constant 0 : index
    tpu.barrier barrier_id(%barrier3A_207)
    %mul3A_208 = arith.constant 640 : i32
    %mul3A_209 = arith.muli %arg1, %mul3A_208 : i32
    %mul3A_210 = arith.constant 640 : i32
    %mul3A_211 = arith.muli %arg1, %mul3A_210 : i32
    "tpu.region"() ({
      %run_scoped3A = tpu.sem_alloc : memref<!tpu.dma_semaphore, #tpu.memory_space<semaphore_mem>>
      %dma_start3A_212 = arith.constant 0 : i32
      %dma_start3A_213 = tpu.memref_slice %arg5[%arg0, %mul3A_211, %dma_start3A_212] : memref<2x10240x64xf32, #tpu.memory_space<hbm>> -> memref<1x640x64xf32, #tpu.memory_space<hbm>>
      %dma_start3A_214 = tpu.memref_squeeze %dma_start3A_213 : memref<1x640x64xf32, #tpu.memory_space<hbm>> -> memref<640x64xf32, #tpu.memory_space<hbm>>
      %dma_start3A_215 = arith.constant 0 : i32
      %dma_start3A_216 = tpu.memref_slice %arg18[%mul3A_209, %dma_start3A_215] : memref<10240x64xf32, #tpu.memory_space<vmem_shared>> -> memref<640x64xf32, #tpu.memory_space<vmem_shared>>
      tpu.enqueue_dma source(%dma_start3A_216 : memref<640x64xf32, #tpu.memory_space<vmem_shared>>) target(%dma_start3A_214 : memref<640x64xf32, #tpu.memory_space<hbm>>) target_semaphore(%run_scoped3A : memref<!tpu.dma_semaphore, #tpu.memory_space<semaphore_mem>>)
      %dma_wait3A_217 = arith.constant 0 : i32
      %dma_wait3A_218 = tpu.memref_slice %arg5[%arg0, %mul3A_211, %dma_wait3A_217] : memref<2x10240x64xf32, #tpu.memory_space<hbm>> -> memref<1x640x64xf32, #tpu.memory_space<hbm>>
      %dma_wait3A_219 = tpu.memref_squeeze %dma_wait3A_218 : memref<1x640x64xf32, #tpu.memory_space<hbm>> -> memref<640x64xf32, #tpu.memory_space<hbm>>
      %dma_wait3A_220 = arith.constant 0 : i32
      %dma_wait3A_221 = tpu.memref_slice %arg18[%mul3A_209, %dma_wait3A_220] : memref<10240x64xf32, #tpu.memory_space<vmem_shared>> -> memref<640x64xf32, #tpu.memory_space<vmem_shared>>
      tpu.wait_dma2 semaphore(%run_scoped3A : memref<!tpu.dma_semaphore, #tpu.memory_space<semaphore_mem>>) src(%dma_wait3A_221 : memref<640x64xf32, #tpu.memory_space<vmem_shared>>) dst(%dma_wait3A_219 : memref<640x64xf32, #tpu.memory_space<hbm>>)
      tpu.yield
    }) : () -> ()
    return
  }
}

module attributes {stable_mosaic.version = 14 : i64} {
  func.func @_tc1_body(%arg0: i32, %arg1: memref<1000x128xf32, #tpu.memory_space<vmem>>, %arg2: memref<1x1000x128xf32, #tpu.memory_space<vmem>>, %arg3: memref<1x1000x128xf32, #tpu.memory_space<vmem>>, %arg4: memref<128x64xf32, #tpu.memory_space<vmem>>, %arg5: memref<128x64xf32, #tpu.memory_space<vmem>>, %arg6: memref<1000x64xf32, #tpu.memory_space<vmem>>) attributes {dimension_semantics = [#tpu.dimension_semantics<arbitrary>], iteration_bounds = array<i64: 10>, scalar_prefetch = 0 : i64, scratch_operands = 0 : i64, tpu.core_type = #tpu.core_type<tc>, window_params = [{transform_indices = @transform_0, window_bounds = array<i64: 1000, 128>}, {transform_indices = @transform_1, window_bounds = array<i64: 1, 1000, 128>}, {transform_indices = @transform_2, window_bounds = array<i64: 1, 1000, 128>}, {pipeline_mode = #tpu.pipeline_mode<synchronous>, transform_indices = @transform_3, window_bounds = array<i64: 128, 64>}, {pipeline_mode = #tpu.pipeline_mode<synchronous>, transform_indices = @transform_4, window_bounds = array<i64: 128, 64>}, {transform_indices = @transform_5, window_bounds = array<i64: 1000, 64>}]} {
    %get3A = arith.constant 0 : index
    %get3A_0 = arith.constant 0 : index
    %get3A_1 = arith.constant 0 : index
    %get3A_2 = vector.load %arg2[%get3A, %get3A_0, %get3A_1] : memref<1x1000x128xf32, #tpu.memory_space<vmem>>, vector<1x1000x128xf32>
    %get3A_3 = vector.shape_cast %get3A_2 : vector<1x1000x128xf32> to vector<1000x128xf32>
    %get3A_4 = arith.constant 0 : index
    %get3A_5 = arith.constant 0 : index
    %get3A_6 = arith.constant 0 : index
    %get3A_7 = vector.load %arg3[%get3A_4, %get3A_5, %get3A_6] : memref<1x1000x128xf32, #tpu.memory_space<vmem>>, vector<1x1000x128xf32>
    %get3A_8 = vector.shape_cast %get3A_7 : vector<1x1000x128xf32> to vector<1000x128xf32>
    %add3A = arith.addf %get3A_3, %get3A_8 : vector<1000x128xf32>
    %get3A_9 = arith.constant 0 : index
    %get3A_10 = arith.constant 0 : index
    %get3A_11 = vector.load %arg1[%get3A_9, %get3A_10] : memref<1000x128xf32, #tpu.memory_space<vmem>>, vector<1000x128xf32>
    %get3A_12 = arith.constant 0 : index
    %get3A_13 = arith.constant 0 : index
    %get3A_14 = vector.load %arg4[%get3A_12, %get3A_13] : memref<128x64xf32, #tpu.memory_space<vmem>>, vector<128x64xf32>
    %dot_general3A = arith.constant dense<0.000000e+00> : vector<1000x64xf32>
    %dot_general3A_15 = tpu.matmul %get3A_11, %get3A_14, %dot_general3A {dimension_numbers = #tpu.dot_dimension_numbers<[1], [0], [0], [1], [0, 0, 1, 1], [], []>, transpose_lhs_hint = false} : vector<1000x128xf32>, vector<128x64xf32>, vector<1000x64xf32> -> vector<1000x64xf32>
    %get3A_16 = arith.constant 0 : index
    %get3A_17 = arith.constant 0 : index
    %get3A_18 = vector.load %arg5[%get3A_16, %get3A_17] : memref<128x64xf32, #tpu.memory_space<vmem>>, vector<128x64xf32>
    %dot_general3A_19 = arith.constant dense<0.000000e+00> : vector<1000x64xf32>
    %dot_general3A_20 = tpu.matmul %add3A, %get3A_18, %dot_general3A_19 {dimension_numbers = #tpu.dot_dimension_numbers<[1], [0], [0], [1], [0, 0, 1, 1], [], []>, transpose_lhs_hint = false} : vector<1000x128xf32>, vector<128x64xf32>, vector<1000x64xf32> -> vector<1000x64xf32>
    %add3A_21 = arith.addf %dot_general3A_15, %dot_general3A_20 : vector<1000x64xf32>
    %mul3A = arith.constant 5.000000e-01 : f32
    %mul3A_22 = vector.broadcast %mul3A : f32 to vector<1000x64xf32>
    %mul3A_23 = arith.mulf %mul3A_22, %add3A_21 : vector<1000x64xf32>
    %mul3A_24 = arith.constant 0.707106769 : f32
    %mul3A_25 = vector.broadcast %mul3A_24 : f32 to vector<1000x64xf32>
    %mul3A_26 = arith.mulf %add3A_21, %mul3A_25 : vector<1000x64xf32>
    %erf3A = math.erf %mul3A_26 : vector<1000x64xf32>
    %add3A_27 = arith.constant 1.000000e+00 : f32
    %add3A_28 = vector.broadcast %add3A_27 : f32 to vector<1000x64xf32>
    %add3A_29 = arith.addf %add3A_28, %erf3A : vector<1000x64xf32>
    %mul3A_30 = arith.mulf %mul3A_23, %add3A_29 : vector<1000x64xf32>
    %mul3A_31 = arith.constant 5.000000e-01 : f32
    %mul3A_32 = vector.broadcast %mul3A_31 : f32 to vector<1000x64xf32>
    %mul3A_33 = arith.mulf %mul3A_32, %mul3A_30 : vector<1000x64xf32>
    %mul3A_34 = arith.constant 0.707106769 : f32
    %mul3A_35 = vector.broadcast %mul3A_34 : f32 to vector<1000x64xf32>
    %mul3A_36 = arith.mulf %mul3A_30, %mul3A_35 : vector<1000x64xf32>
    %erf3A_37 = math.erf %mul3A_36 : vector<1000x64xf32>
    %add3A_38 = arith.constant 1.000000e+00 : f32
    %add3A_39 = vector.broadcast %add3A_38 : f32 to vector<1000x64xf32>
    %add3A_40 = arith.addf %add3A_39, %erf3A_37 : vector<1000x64xf32>
    %mul3A_41 = arith.mulf %mul3A_33, %add3A_40 : vector<1000x64xf32>
    %swap3A = arith.constant 0 : index
    %swap3A_42 = arith.constant 0 : index
    %swap3A_43 = vector.load %arg6[%swap3A, %swap3A_42] : memref<1000x64xf32, #tpu.memory_space<vmem>>, vector<1000x64xf32>
    tpu.vector_store %arg6[%swap3A, %swap3A_42], %mul3A_41 {strides = array<i32>} : memref<1000x64xf32, #tpu.memory_space<vmem>>, vector<1000x64xf32>,
    return
  }
  func.func @transform_0(%arg0: i32) -> (i32, i32) {
    %c0_i32 = arith.constant 0 : i32
    %c0_i32_0 = arith.constant 0 : i32
    return %arg0, %c0_i32 : i32, i32
  }
  func.func @transform_1(%arg0: i32) -> (i32, i32, i32) {
    %c0_i32 = arith.constant 0 : i32
    %c0_i32_0 = arith.constant 0 : i32
    %c0_i32_1 = arith.constant 0 : i32
    return %c0_i32, %arg0, %c0_i32_0 : i32, i32, i32
  }
  func.func @transform_2(%arg0: i32) -> (i32, i32, i32) {
    %c1_i32 = arith.constant 1 : i32
    %c0_i32 = arith.constant 0 : i32
    %c0_i32_0 = arith.constant 0 : i32
    return %c1_i32, %arg0, %c0_i32 : i32, i32, i32
  }
  func.func @transform_3(%arg0: i32) -> (i32, i32) {
    %c0_i32 = arith.constant 0 : i32
    %c0_i32_0 = arith.constant 0 : i32
    %c0_i32_1 = arith.constant 0 : i32
    return %c0_i32, %c0_i32_0 : i32, i32
  }
  func.func @transform_4(%arg0: i32) -> (i32, i32) {
    %c0_i32 = arith.constant 0 : i32
    %c0_i32_0 = arith.constant 0 : i32
    %c0_i32_1 = arith.constant 0 : i32
    return %c0_i32, %c0_i32_0 : i32, i32
  }
  func.func @transform_5(%arg0: i32) -> (i32, i32) {
    %c0_i32 = arith.constant 0 : i32
    %c0_i32_0 = arith.constant 0 : i32
    return %arg0, %c0_i32 : i32, i32
  }
}

module attributes {stable_mosaic.version = 14 : i64} {
  func.func @_tc2_body(%arg0: i32, %arg1: memref<1000x64xf32, #tpu.memory_space<vmem>>, %arg2: memref<1x1000x64xf32, #tpu.memory_space<vmem>>, %arg3: memref<1x1000x64xf32, #tpu.memory_space<vmem>>, %arg4: memref<64x5xf32, #tpu.memory_space<vmem>>, %arg5: memref<64x5xf32, #tpu.memory_space<vmem>>, %arg6: memref<1000x5xf32, #tpu.memory_space<vmem>>) attributes {dimension_semantics = [#tpu.dimension_semantics<arbitrary>], iteration_bounds = array<i64: 10>, scalar_prefetch = 0 : i64, scratch_operands = 0 : i64, tpu.core_type = #tpu.core_type<tc>, window_params = [{transform_indices = @transform_0, window_bounds = array<i64: 1000, 64>}, {transform_indices = @transform_1, window_bounds = array<i64: 1, 1000, 64>}, {transform_indices = @transform_2, window_bounds = array<i64: 1, 1000, 64>}, {pipeline_mode = #tpu.pipeline_mode<synchronous>, transform_indices = @transform_3, window_bounds = array<i64: 64, 5>}, {pipeline_mode = #tpu.pipeline_mode<synchronous>, transform_indices = @transform_4, window_bounds = array<i64: 64, 5>}, {transform_indices = @transform_5, window_bounds = array<i64: 1000, 5>}]} {
    %get3A = arith.constant 0 : index
    %get3A_0 = arith.constant 0 : index
    %get3A_1 = arith.constant 0 : index
    %get3A_2 = vector.load %arg2[%get3A, %get3A_0, %get3A_1] : memref<1x1000x64xf32, #tpu.memory_space<vmem>>, vector<1x1000x64xf32>
    %get3A_3 = vector.shape_cast %get3A_2 : vector<1x1000x64xf32> to vector<1000x64xf32>
    %get3A_4 = arith.constant 0 : index
    %get3A_5 = arith.constant 0 : index
    %get3A_6 = arith.constant 0 : index
    %get3A_7 = vector.load %arg3[%get3A_4, %get3A_5, %get3A_6] : memref<1x1000x64xf32, #tpu.memory_space<vmem>>, vector<1x1000x64xf32>
    %get3A_8 = vector.shape_cast %get3A_7 : vector<1x1000x64xf32> to vector<1000x64xf32>
    %add3A = arith.addf %get3A_3, %get3A_8 : vector<1000x64xf32>
    %get3A_9 = arith.constant 0 : index
    %get3A_10 = arith.constant 0 : index
    %get3A_11 = vector.load %arg1[%get3A_9, %get3A_10] : memref<1000x64xf32, #tpu.memory_space<vmem>>, vector<1000x64xf32>
    %get3A_12 = arith.constant 0 : index
    %get3A_13 = arith.constant 0 : index
    %get3A_14 = vector.load %arg4[%get3A_12, %get3A_13] : memref<64x5xf32, #tpu.memory_space<vmem>>, vector<64x5xf32>
    %dot_general3A = arith.constant dense<0.000000e+00> : vector<1000x5xf32>
    %dot_general3A_15 = tpu.matmul %get3A_11, %get3A_14, %dot_general3A {dimension_numbers = #tpu.dot_dimension_numbers<[1], [0], [0], [1], [0, 0, 1, 1], [], []>, transpose_lhs_hint = false} : vector<1000x64xf32>, vector<64x5xf32>, vector<1000x5xf32> -> vector<1000x5xf32>
    %get3A_16 = arith.constant 0 : index
    %get3A_17 = arith.constant 0 : index
    %get3A_18 = vector.load %arg5[%get3A_16, %get3A_17] : memref<64x5xf32, #tpu.memory_space<vmem>>, vector<64x5xf32>
    %dot_general3A_19 = arith.constant dense<0.000000e+00> : vector<1000x5xf32>
    %dot_general3A_20 = tpu.matmul %add3A, %get3A_18, %dot_general3A_19 {dimension_numbers = #tpu.dot_dimension_numbers<[1], [0], [0], [1], [0, 0, 1, 1], [], []>, transpose_lhs_hint = false} : vector<1000x64xf32>, vector<64x5xf32>, vector<1000x5xf32> -> vector<1000x5xf32>
    %add3A_21 = arith.addf %dot_general3A_15, %dot_general3A_20 : vector<1000x5xf32>
    %mul3A = arith.constant 5.000000e-01 : f32
    %mul3A_22 = vector.broadcast %mul3A : f32 to vector<1000x5xf32>
    %mul3A_23 = arith.mulf %mul3A_22, %add3A_21 : vector<1000x5xf32>
    %mul3A_24 = arith.constant 0.707106769 : f32
    %mul3A_25 = vector.broadcast %mul3A_24 : f32 to vector<1000x5xf32>
    %mul3A_26 = arith.mulf %add3A_21, %mul3A_25 : vector<1000x5xf32>
    %erf3A = math.erf %mul3A_26 : vector<1000x5xf32>
    %add3A_27 = arith.constant 1.000000e+00 : f32
    %add3A_28 = vector.broadcast %add3A_27 : f32 to vector<1000x5xf32>
    %add3A_29 = arith.addf %add3A_28, %erf3A : vector<1000x5xf32>
    %mul3A_30 = arith.mulf %mul3A_23, %add3A_29 : vector<1000x5xf32>
    %tanh3A = math.tanh %mul3A_30 : vector<1000x5xf32>
    %swap3A = arith.constant 0 : index
    %swap3A_31 = arith.constant 0 : index
    %swap3A_32 = vector.load %arg6[%swap3A, %swap3A_31] : memref<1000x5xf32, #tpu.memory_space<vmem>>, vector<1000x5xf32>
    tpu.vector_store %arg6[%swap3A, %swap3A_31], %tanh3A {strides = array<i32>} : memref<1000x5xf32, #tpu.memory_space<vmem>>, vector<1000x5xf32>,
    return
  }
  func.func @transform_0(%arg0: i32) -> (i32, i32) {
    %c0_i32 = arith.constant 0 : i32
    %c0_i32_0 = arith.constant 0 : i32
    return %arg0, %c0_i32 : i32, i32
  }
  func.func @transform_1(%arg0: i32) -> (i32, i32, i32) {
    %c0_i32 = arith.constant 0 : i32
    %c0_i32_0 = arith.constant 0 : i32
    %c0_i32_1 = arith.constant 0 : i32
    return %c0_i32, %arg0, %c0_i32_0 : i32, i32, i32
  }
  func.func @transform_2(%arg0: i32) -> (i32, i32, i32) {
    %c1_i32 = arith.constant 1 : i32
    %c0_i32 = arith.constant 0 : i32
    %c0_i32_0 = arith.constant 0 : i32
    return %c1_i32, %arg0, %c0_i32 : i32, i32, i32
  }
  func.func @transform_3(%arg0: i32) -> (i32, i32) {
    %c0_i32 = arith.constant 0 : i32
    %c0_i32_0 = arith.constant 0 : i32
    %c0_i32_1 = arith.constant 0 : i32
    return %c0_i32, %c0_i32_0 : i32, i32
  }
  func.func @transform_4(%arg0: i32) -> (i32, i32) {
    %c0_i32 = arith.constant 0 : i32
    %c0_i32_0 = arith.constant 0 : i32
    %c0_i32_1 = arith.constant 0 : i32
    return %c0_i32, %c0_i32_0 : i32, i32
  }
  func.func @transform_5(%arg0: i32) -> (i32, i32) {
    %c0_i32 = arith.constant 0 : i32
    %c0_i32_0 = arith.constant 0 : i32
    return %arg0, %c0_i32 : i32, i32
  }
}

</mosaic_0001>

<sc_bundles>
// kernel: kernel.6.cloned.1.call-start
scs
__scs_entry_jumppad:
0x0: {  	(pc) =	sbr.rel $0x88, $3  }
0x1: {  	(tag) =	ssettag $0x0;
	lr =	simm.s32 $0x1  }
0x2: {  	[smem:$0x3F9B] =	sst lr;
	_ =	strace $0xD0000000  }
0x3: {  	_ = 	snop  }
0x4: {  	_ = 	snop  }
0x5: {  	_ = 	snop  }
0x6: {  	_ = 	snop  }
0x7: {  	_ = 	snop  }
__scs_overlays_trampoline_lowered:
0x8: {  	[smem:$0x3FAA] =	sst s0  }
0x9: {  	[smem:$0x3FAB] =	sst s1  }
0xa: {  	[smem:$0x3FAC] =	sst s2  }
0xb: {  	[smem:$0x3FAD] =	sst s3  }
0xc: {  	[smem:$0x3FAE] =	sst s4  }
0xd: {  	[smem:$0x3FAF] =	sst s5  }
0xe: {  	[smem:$0x3FB0] =	sst s6  }
0xf: {  	[smem:$0x3FB1] =	sst s7  }
0x10: {  	[smem:$0x3FB2] =	sst s8  }
0x11: {  	[smem:$0x3FB3] =	sst s9;
	s0 =	simm.s32 @!p0 $0x0  }
0x12: {  	s1 =	sld [smem:$0x3F99];
	s0 =	simm.s32 @p0 $0x1  }
0x13: {  	[smem:$0x3FB4] =	sst s0;
	s0 =	simm.s32 @!p1 $0x0  }
0x14: {  	s2 =	sld [smem:$0x3F98];
	s0 =	simm.s32 @p1 $0x1  }
0x15: {  	[smem:$0x3FB5] =	sst s0;
	s0 =	simm.s32 @!p2 $0x0  }
0x16: {  	s3 =	sld [smem:$0x3FDB];
	s0 =	simm.s32 @p2 $0x1  }
0x17: {  	s4 =	simm.s32 $0x1BF5;
	[smem:$0x3FB7] =	sst s0  }
0x18: {  	s0 =	sld [smem:$0x3F9A];
	_ =	swait.ge [sflag:s4], $0x0  }
0x19: {  	s7 =	sld [smem:$0x3F9B]  }
0x1a: {  	s8 =	sadd.s32 $0xFFFFE003, lr  }
0x1b: {  	s9 =	sadd.s32 $0xFFFFFEF7, lr;
	s5 =	simm.s32 $0xFFFFFFFF;
	p2 =	slt.u32 s8, $0xFFFFF086  }
0x1c: {  	p1 =	slt.u32 s9, $0xF7A;
	s5 =	simm.s32 @!p2 $0x0  }
0x1d: {  	s5 =	simm.s32 @p1 $0x1;
	p0 =	seq.s32 s7, s2  }
0x1e: {  	s7 =	smul.u32 @!p0 $0xF7A, s2;
	p2 =	seq.s32 @!p0 s5, $0x0  }
0x1f: {  	s9 =	smul.u32 $0xF7A, s1;
	s8 =	simm.s32 @!p0 $0x1BF5;
	p2 =	por !p2, p0  }
0x20: {  	[sflag:s8] =	ssyncset.s32 @!p0 $0xFFFFF086;
	s6 =	sadd.s32 @!p0 s3, s7;
	s7 =	simm.s32 @!p0 $0x108  }
0x21: {  	s3 =	sadd.s32 s3, s9;
	s6 =	sadd.s32 @!p0 $0x88, s6;
	s7 =	simm.s32 @p2 $0x1082  }
0x22: {  	[simem:s7], [sflag:s8] =	dma.local @!p0 [hbm:s6], $0xF7A  }
0x23: {  	s9 =	sor.u32 $0xD0000000, s2;
	s6 =	simm.s32 $0x108;
	_ =	swait.ge @!p0 [sflag:s8], $0x0  }
0x24: {  	s3 =	sadd.s32 $0x88, s3;
	s6 =	simm.s32 @!p1 $0x1082;
	[sflag:s4] =	ssyncset.s32 $0xFFFFF086  }
0x25: {  	[simem:s6], [sflag:s4] =	dma.local [hbm:s3], $0xF7A  }
0x26: {  	[smem:$0x3F9B] =	sst s1;
	(tag) =	ssettag s2;
	_ =	strace s9  }
0x27: {  	s1 =	sld [smem:$0x3FAB]  }
0x28: {  	s2 =	sld [smem:$0x3FAC]  }
0x29: {  	s4 =	sld [smem:$0x3FAE]  }
0x2a: {  	p0 =	seq.s32 s5, $0x0;
	s5 =	sld [smem:$0x3FAF]  }
0x2b: {  	s6 =	sld [smem:$0x3FB0]  }
0x2c: {  	s7 =	sld [smem:$0x3FB1]  }
0x2d: {  	s3 =	simm.s32 $0x108;
	s8 =	sld [smem:$0x3FB2]  }
0x2e: {  	s3 =	simm.s32 @!p0 $0x1082;
	s9 =	sld [smem:$0x3FB3]  }
0x2f: {  	lr =	sadd.s32 s0, s3;
	s0 =	sld [smem:$0x3FAA]  }
0x30: {  	s3 =	sld [smem:$0x3FAD]  }
0x31: {  	[smem:$0x3FB6] =	sst s10  }
0x32: {  	s10 =	sld [smem:$0x3FB4];
	_ =	sdelay $0x3  }
0x33: {  	p0 =	seq.s32 s10, $0x1;
	s10 =	sld [smem:$0x3FB6];
	_ =	sdelay $0x3  }
0x34: {  	[smem:$0x3FB6] =	sst s10  }
0x35: {  	s10 =	sld [smem:$0x3FB5];
	_ =	sdelay $0x3  }
0x36: {  	p1 =	seq.s32 s10, $0x1;
	s10 =	sld [smem:$0x3FB6];
	_ =	sdelay $0x3  }
0x37: {  	[smem:$0x3FB6] =	sst s10  }
0x38: {  	s10 =	sld [smem:$0x3FB7]  }
0x39: {  	_ = 	snop;
	(pc) =	sbr.ind lr, $3  }
0x3a: {  	_ = 	snop  }
0x3b: {  	_ = 	snop  }
0x3c: {  	p2 =	seq.s32 s10, $0x1;
	s10 =	sld [smem:$0x3FB6]  }
0x3d: {  	_ =	shalt  }
0x3e: {  	_ =	shalt  }
0x3f: {  	_ =	shalt  }
0x40: {  	_ =	shalt  }
0x41: {  	_ =	shalt  }
0x42: {  	_ =	shalt  }
0x43: {  	_ =	shalt  }
0x44: {  	_ =	shalt  }
0x45: {  	_ =	shalt  }
0x46: {  	_ =	shalt  }
0x47: {  	_ =	shalt  }
0x48: {  	_ =	shalt  }
0x49: {  	_ =	shalt  }
0x4a: {  	_ =	shalt  }
0x4b: {  	_ =	shalt  }
0x4c: {  	_ =	shalt  }
0x4d: {  	_ =	shalt  }
0x4e: {  	_ =	shalt  }
0x4f: {  	_ =	shalt  }
0x50: {  	_ =	shalt  }
0x51: {  	_ =	shalt  }
0x52: {  	_ =	shalt  }
0x53: {  	_ =	shalt  }
0x54: {  	_ =	shalt  }
0x55: {  	_ =	shalt  }
0x56: {  	_ =	shalt  }
0x57: {  	_ =	shalt  }
0x58: {  	_ =	shalt  }
0x59: {  	_ =	shalt  }
0x5a: {  	_ =	shalt  }
0x5b: {  	_ =	shalt  }
0x5c: {  	_ =	shalt  }
0x5d: {  	_ =	shalt  }
0x5e: {  	_ =	shalt  }
0x5f: {  	_ =	shalt  }
0x60: {  	_ =	shalt  }
0x61: {  	_ =	shalt  }
0x62: {  	_ =	shalt  }
0x63: {  	_ =	shalt  }
0x64: {  	_ =	shalt  }
0x65: {  	_ =	shalt  }
0x66: {  	_ =	shalt  }
0x67: {  	_ =	shalt  }
0x68: {  	_ =	shalt  }
0x69: {  	_ =	shalt  }
0x6a: {  	_ =	shalt  }
0x6b: {  	_ =	shalt  }
0x6c: {  	_ =	shalt  }
0x6d: {  	_ =	shalt  }
0x6e: {  	_ =	shalt  }
0x6f: {  	_ =	shalt  }
0x70: {  	_ =	shalt  }
0x71: {  	_ =	shalt  }
0x72: {  	_ =	shalt  }
0x73: {  	_ =	shalt  }
0x74: {  	_ =	shalt  }
0x75: {  	_ =	shalt  }
0x76: {  	_ =	shalt  }
0x77: {  	_ =	shalt  }
0x78: {  	_ =	shalt  }
0x79: {  	_ =	shalt  }
0x7a: {  	_ =	shalt  }
0x7b: {  	_ =	shalt  }
0x7c: {  	_ =	shalt  }
0x7d: {  	_ =	shalt  }
0x7e: {  	_ =	shalt  }
0x7f: {  	_ =	shalt  }
0x80: {  	_ =	shalt  }
0x81: {  	_ =	shalt  }
0x82: {  	_ =	shalt  }
0x83: {  	_ =	shalt  }
0x84: {  	_ =	shalt  }
0x85: {  	_ =	shalt  }
0x86: {  	_ =	shalt  }
0x87: {  	_ =	shalt  }
.Lfunc_end0:
.L_simem_size_0:
called_computation_lowered:
.L_overlay_start_0:
0x88: {  	s2 =	sld [smem:$0x3FD9]  }
0x89: {  	s3 =	sld [smem:$0x3FFE];
	_ =	sdelay $0x1  }
0x8a: {  	s1 =	srdreg.scid  }
0x8b: {  	s0 =	sand.u32 $0x1, s1  }
0x8c: {  	s17 =	sshll.u32 s0, $0xA;
	s2 =	sadd.s32 s3, s2  }
0x8d: {  	s2 =	sadd.s32 s2, s17  }
0x8e: {  	[smem:$0x3FC2] =	sst s2  }
0x8f: {  	_ = 	snop  }
0x90: {  	s2 =	sld [smem:$0x3FC9];
	(tm) =	ssettm $0x1  }
0x91: {  	s18 =	sld [smem:$0x3FFB];
	_ =	sdelay $0x3  }
0x92: {  	_ =	strace s18  }
0x93: {  	s3 =	sld [smem:$0x3FFC];
	_ =	sdelay $0x3  }
0x94: {  	_ =	strace s3  }
0x95: {  	s3 =	sld [smem:$0x3FFD];
	_ =	sdelay $0x3  }
0x96: {  	_ =	strace s3  }
0x97: {  	_ =	strace $0x8FFFFFFF  }
0x98: {  	s19 =	sld [smem:$0x3FDB];
	_ =	sdelay $0x1  }
0x99: {  	s4 =	simm.s32 $_scs_section_size  }
0x9a: {  	s5 =	simm.s32 $_size__tile_overlayer_lowered;
	s6 =	simm.s32 $_tile_overlayer_lowered  }
0x9b: {  	s22 =	simm.s32 $0x1BFF;
	s21 =	sshll.u32 s6, $0x1;
	s3 =	sadd.s32 s4, s19  }
0x9c: {  	s7 =	simm.s32 $0x0;
	s20 =	sshll.u32 s5, $0x1;
	s5 =	sadd.s32 s21, s3  }
0x9d: {  	[timem:s7], [sflag:s22] =	dma.local [hbm:s5], s20  }
0x9e: {  	_ =	swait.ge [sflag:s22], s20  }
0x9f: {  	s4 =	ssub.s32 $0x0, s20;
	[sflag:s22] =	ssyncset.done $0x0  }
0xa0: {  	[sflag:s22] =	ssyncadd.s32 s4;
	_ =	sdelay $0x1  }
0xa1: {  	s23 =	simm.s32 $0x1B8B  }
0xa2: {  	_ =	swait.ge [sflag:s23], $0x1  }
0xa3: {  	[sflag:s23] =	ssyncset.done $0x0  }
0xa4: {  	s25 =	simm.s32 $0x1B8E;
	s24 =	sld [smem:$0x3FFE];
	[sflag:s23] =	ssyncadd.s32 $0xFFFFFFFF  }
0xa5: {  	s26 =	simm.s32 $execute0_lowered;
	[smem:$0x3FD2] =	sst s25  }
0xa6: {  	s5 =	sshll.u32 s26, $0x1;
	_ =	strace $0x80000046;
	[dreg:$0x1] =	wrdreg $0xFFFFFFFF  }
0xa7: {  	s28 =	simm.s32 $_size_execute0_lowered;
	s3 =	sadd.s32 s3, s5;
	[dreg:$0x0] =	wrdreg $0x0  }
0xa8: {  	s5 =	sshll.u32 s28, $0x1;
	[dreg:$0x2] =	wrdreg s3  }
0xa9: {  	[dreg:$0x3] =	wrdreg s5  }
0xaa: {  	[dreg:$0x4] =	wrdreg $0xC0  }
0xab: {  	_ =	task [dreg:s7], $0x5FFFF  }
0xac: {  	[dreg:$0x1] =	wrdreg $0xFFFFFFFF  }
0xad: {  	[dreg:$0x0] =	wrdreg $0x60  }
0xae: {  	[dreg:$0x2] =	wrdreg s2  }
0xaf: {  	[dreg:$0x3] =	wrdreg s24  }
0xb0: {  	[dreg:$0x4] =	wrdreg $0xB2200  }
0xb1: {  	[dreg:$0x5] =	wrdreg $0x9  }
0xb2: {  	_ =	task.clear_ibuf [dreg:s7], $0x6FFFF;
	_ =	strace $0x90000046  }
0xb3: {  	s29 =	simm.s32 $0x9;
	_ =	strace $0x80000048  }
0xb4: {  	_ =	swait.ge [sflag:s29], $0x1  }
0xb5: {  	[sflag:s29] =	ssyncadd.s32 $0xFFFFFFFF  }
0xb6: {  	_ =	strace $0x90000048  }
0xb7: {  	_ =	sfence  }
0xb8: {  	s30 =	sld [smem:$0x0];
	_ =	sdelay $0x2  }
0xb9: {  	s31 =	sshll.u32 s1, $0xD;
	s1 =	sshrl.u32 s1, $0x2  }
0xba: {  	s3 =	sand.u32 $0x4000, s31;
	s1 =	sadd.s32 s1, s30  }
0xbb: {  	s0 =	sor.u32 s3, s0;
	s1 =	sshll.u32 s1, $0x11  }
0xbc: {  	s0 =	sor.u32 s1, s0  }
0xbd: {  	s0 =	sadd.s32 $0x8F2B, s0  }
0xbe: {  	[sflag:s0] =	ssyncadd.remote.s32 $0x1  }
0xbf: {  	_ =	sfence.sel $0xFFFF  }
0xc0: {  	[dreg:$0x0] =	wrdreg $0xFFFFFFFF;
	(pc) =	sbr.abs _section_cstart, $3  }
0xc1: {  	[dreg:$0x1] =	wrdreg $0xFFFFFFFF  }
0xc2: {  	_ =	task.clear_ibuf [dreg:s7], $0x2FFFF;
	_ =	strace $0x9FFFFFFF  }
0xc3: {  	(tm) =	ssettm $0x7FFFFFFF  }
tec
execute0_lowered:
.L_overlay_start_1:
0x0: {  	(tag) =	ssettag $0x1  }
0x1: {  	s2 =	rddreg [dreg:$0x0]  }
0x2: {  	s0 =	rddreg [dreg:$0x1]  }
0x3: {  	s3 =	rddreg [dreg:$0x2]  }
0x4: {  	s1 =	srdreg.scid;
	s8 =	stileid.u32;
	s4 =	simm.s32 $0x0  }
0x5: {  	s28 =	simm.s32 $0x6;
	s29 =	simm.s32 $0x1;
	s30 =	simm.s32 $0x2  }
0x6: {  	s31 =	simm.s32 $0x28;
	s9 =	simm.s32 $0x3;
	s10 =	simm.s32 $0x4  }
0x7: {  	s11 =	simm.s32 $0x5;
	s12 =	simm.s32 $0x0;
	s5 =	smul.u32 $0x14000, s8  }
0x8: {  	s1 =	sand.u32 $0x1, s1;
	s6 =	sshll.u32 s8, $0x1;
	s8 =	smul.u32 $0x50000, s8  }
0x9: {  	[smem:$0x7FF] =	sst s4;
	s7 =	smul.u32 $0x140000, s1;
	s6 =	sor.u32 s1, s6  }
0xa: {  	_ =	strace $0x80000047;
	s1 =	ssub.s32 $0x2, s1;
	s6 =	smul.u32 $0x4E2, s6  }
0xb: {  	s13 =	sshrl.u32 s1, $0x1;
	s8 =	sshrl.u32 s8, $0x2;
	s7 =	sadd.s32 s5, s7  }
0xc: {  	s1 =	ssub.s32 s1, s13;
	s15 =	sadd.s32 s8, s3;
	s8 =	simm.s32 $0x9E20  }
0xd: {  	s7 =	sshrl.u32 s7, $0x3;
	s6 =	sadd.s32 s6, s0;
	s19 =	sadd.s32 $0x1400, s15  }
0xe: {  	s20 =	sadd.s32 $0x2800, s15;
	s21 =	sadd.s32 $0x3C00, s15;
	[dreg:$0x6] =	wrdreg s19  }
0xf: {  	s22 =	sadd.s32 $0x5000, s15;
	s23 =	sadd.s32 $0x6400, s15;
	[dreg:$0x7] =	wrdreg s20  }
0x10: {  	s24 =	sadd.s32 $0x7800, s15;
	s25 =	sadd.s32 $0x8C00, s15;
	[dreg:$0x8] =	wrdreg s21  }
0x11: {  	s26 =	sadd.s32 $0xA000, s15;
	s16 =	sadd.s32 $0xB400, s15;
	[dreg:$0x9] =	wrdreg s22  }
0x12: {  	s17 =	sadd.s32 $0xC800, s15;
	s18 =	sadd.s32 $0xDC00, s15;
	[dreg:$0xa] =	wrdreg s23  }
0x13: {  	s0 =	sadd.s32 s7, s0;
	s14 =	sadd.s32 $0xB400, s6;
	[dreg:$0xb] =	wrdreg s24  }
0x14: {  	s6 =	sadd.s32 $0x1600, s6;
	s7 =	sadd.s32 s5, s3;
	[dreg:$0xc] =	wrdreg s25  }
0x15: {  	[dreg:$0xd] =	wrdreg s26;
	s19 =	sadd.s32 $0xF000, s15;
	s20 =	sadd.s32 $0x10400, s15  }
0x16: {  	s21 =	sadd.s32 $0x11800, s15;
	s22 =	sadd.s32 $0x12C00, s15;
	s24 =	smax.u32 s1, $0x1  }
0x17: {  	s26 =	simm.s32 $0x4E20;
	s25 =	simm.s32 $0x50;
	[dreg:$0x4] =	wrdreg s14  }
0x18: {  	s1 =	simm.s32 $0x7620;
	s5 =	simm.s32 $0x78;
	[dreg:$0x5] =	wrdreg s6  }
0x19: {  	v0 =	vimm.f32 $0.0e+00;
	s23 =	sadd.s32 $0x15200, s0;
	s0 =	simm.s32 $0x6220;
	s6 =	simm.s32 $0x8A20  }
.LBB2_1:
0x1a: {  	s13 =	rddreg [dreg:$0x4]  }
0x1b: {  	[tilespmem:s4], [sflag:$0x1] =	stream.linear.gather [hbm4b:s13+s4], $0x2710, $0x38;
	[tilespmem:$0x1F220] =	vst v63  }
0x1c: {  	s15 =	rddreg [dreg:$0x5];
	s14 =	simm.s32 $0x2710  }
0x1d: {  	[tilespmem:s14], [sflag:$0x2] =	stream.linear.gather [hbm4b:s15+s4], $0x2710, $0x38;
	[tilespmem:$0x1F220] =	vst v63  }
0x1e: {  	s13 =	simm.s32 $0x0;
	s14 =	simm.s32 $0x200  }
.LBB2_2:
0x1f: {  	p0 =	sne.s32 s14, $0x4E00;
	[tilespmem:s13+$0x4E90] =	vst v0  }
0x20: {  	[tilespmem:s13+$0x4E20] =	vst v0  }
0x21: {  	[tilespmem:s13+$0x4E30] =	vst v0  }
.Ltmp0:
0x22: {  	[tilespmem:s13+$0x4E40] =	vst v0;
	(pc) =	sbr.rel @p0 .LBB2_2-.Ltmp0, $4  }
0x23: {  	[tilespmem:s13+$0x4E50] =	vst v0  }
0x24: {  	[tilespmem:s13+$0x4E60] =	vst v0  }
0x25: {  	[tilespmem:s13+$0x4E70] =	vst v0  }
0x26: {  	[tilespmem:s13+$0x4E80] =	vst v0;
	s13 =	sshra.s32 s14, $0x2;
	s14 =	sadd.s32 $0x200, s14  }
0x27: {  	[tilespmem:s13+$0x4E90] =	vst v0  }
0x28: {  	[tilespmem:s13+$0x4E20] =	vst v0  }
0x29: {  	[tilespmem:s13+$0x4E30] =	vst v0  }
0x2a: {  	[tilespmem:s13+$0x4E40] =	vst v0  }
0x2b: {  	[tilespmem:s13+$0x4E50] =	vst v0  }
0x2c: {  	[tilespmem:s13+$0x4E60] =	vst v0  }
0x2d: {  	[tilespmem:s13+$0x4E70] =	vst v0  }
0x2e: {  	[tilespmem:s13+$0x4E80] =	vst v0  }
0x2f: {  	[spmem:s7] =	stream.linear.scatter [tilespmem:s26], [sflag:$0x6], $0x1400, $0x38;
	[tilespmem:$0x1F220] =	vst v63  }
0x30: {  	_ =	swait.ge [sflag:s28], $0x1400  }
0x31: {  	[sflag:s28] =	ssyncset.done $0x0  }
0x32: {  	s15 =	rddreg [dreg:$0x6];
	[sflag:s28] =	ssyncadd.s32 $0xFFFFEC00  }
0x33: {  	[spmem:s15] =	stream.linear.scatter [tilespmem:s26], [sflag:$0x6], $0x1400, $0x38;
	[tilespmem:$0x1F220] =	vst v63  }
0x34: {  	_ =	swait.ge [sflag:s28], $0x1400  }
0x35: {  	[sflag:s28] =	ssyncset.done $0x0  }
0x36: {  	s14 =	rddreg [dreg:$0x7];
	[sflag:s28] =	ssyncadd.s32 $0xFFFFEC00  }
0x37: {  	[spmem:s14] =	stream.linear.scatter [tilespmem:s26], [sflag:$0x6], $0x1400, $0x38;
	[tilespmem:$0x1F220] =	vst v63  }
0x38: {  	_ =	swait.ge [sflag:s28], $0x1400  }
0x39: {  	[sflag:s28] =	ssyncset.done $0x0  }
0x3a: {  	s15 =	rddreg [dreg:$0x8];
	[sflag:s28] =	ssyncadd.s32 $0xFFFFEC00  }
0x3b: {  	[spmem:s15] =	stream.linear.scatter [tilespmem:s26], [sflag:$0x6], $0x1400, $0x38;
	[tilespmem:$0x1F220] =	vst v63  }
0x3c: {  	_ =	swait.ge [sflag:s28], $0x1400  }
0x3d: {  	[sflag:s28] =	ssyncset.done $0x0  }
0x3e: {  	s14 =	rddreg [dreg:$0x9];
	[sflag:s28] =	ssyncadd.s32 $0xFFFFEC00  }
0x3f: {  	[spmem:s14] =	stream.linear.scatter [tilespmem:s26], [sflag:$0x6], $0x1400, $0x38;
	[tilespmem:$0x1F220] =	vst v63  }
0x40: {  	_ =	swait.ge [sflag:s28], $0x1400  }
0x41: {  	[sflag:s28] =	ssyncset.done $0x0  }
0x42: {  	s15 =	rddreg [dreg:$0xa];
	[sflag:s28] =	ssyncadd.s32 $0xFFFFEC00  }
0x43: {  	[spmem:s15] =	stream.linear.scatter [tilespmem:s26], [sflag:$0x6], $0x1400, $0x38;
	[tilespmem:$0x1F220] =	vst v63  }
0x44: {  	_ =	swait.ge [sflag:s28], $0x1400  }
0x45: {  	[sflag:s28] =	ssyncset.done $0x0  }
0x46: {  	s14 =	rddreg [dreg:$0xb];
	[sflag:s28] =	ssyncadd.s32 $0xFFFFEC00  }
0x47: {  	[spmem:s14] =	stream.linear.scatter [tilespmem:s26], [sflag:$0x6], $0x1400, $0x38;
	[tilespmem:$0x1F220] =	vst v63  }
0x48: {  	_ =	swait.ge [sflag:s28], $0x1400  }
0x49: {  	[sflag:s28] =	ssyncset.done $0x0  }
0x4a: {  	s15 =	rddreg [dreg:$0xc];
	[sflag:s28] =	ssyncadd.s32 $0xFFFFEC00  }
0x4b: {  	[spmem:s15] =	stream.linear.scatter [tilespmem:s26], [sflag:$0x6], $0x1400, $0x38;
	[tilespmem:$0x1F220] =	vst v63  }
0x4c: {  	_ =	swait.ge [sflag:s28], $0x1400  }
0x4d: {  	[sflag:s28] =	ssyncset.done $0x0  }
0x4e: {  	s14 =	rddreg [dreg:$0xd];
	[sflag:s28] =	ssyncadd.s32 $0xFFFFEC00  }
0x4f: {  	[spmem:s14] =	stream.linear.scatter [tilespmem:s26], [sflag:$0x6], $0x1400, $0x38;
	[tilespmem:$0x1F220] =	vst v63  }
0x50: {  	_ =	swait.ge [sflag:s28], $0x1400  }
0x51: {  	[sflag:s28] =	ssyncset.done $0x0  }
0x52: {  	[sflag:s28] =	ssyncadd.s32 $0xFFFFEC00  }
0x53: {  	[spmem:s16] =	stream.linear.scatter [tilespmem:s26], [sflag:$0x6], $0x1400, $0x38;
	[tilespmem:$0x1F220] =	vst v63  }
0x54: {  	_ =	swait.ge [sflag:s28], $0x1400  }
0x55: {  	[sflag:s28] =	ssyncset.done $0x0  }
0x56: {  	[sflag:s28] =	ssyncadd.s32 $0xFFFFEC00  }
0x57: {  	[spmem:s17] =	stream.linear.scatter [tilespmem:s26], [sflag:$0x6], $0x1400, $0x38;
	[tilespmem:$0x1F220] =	vst v63  }
0x58: {  	_ =	swait.ge [sflag:s28], $0x1400  }
0x59: {  	[sflag:s28] =	ssyncset.done $0x0  }
0x5a: {  	[sflag:s28] =	ssyncadd.s32 $0xFFFFEC00  }
0x5b: {  	[spmem:s18] =	stream.linear.scatter [tilespmem:s26], [sflag:$0x6], $0x1400, $0x38;
	[tilespmem:$0x1F220] =	vst v63  }
0x5c: {  	_ =	swait.ge [sflag:s28], $0x1400  }
0x5d: {  	[sflag:s28] =	ssyncset.done $0x0  }
0x5e: {  	[sflag:s28] =	ssyncadd.s32 $0xFFFFEC00  }
0x5f: {  	[spmem:s19] =	stream.linear.scatter [tilespmem:s26], [sflag:$0x6], $0x1400, $0x38;
	[tilespmem:$0x1F220] =	vst v63  }
0x60: {  	_ =	swait.ge [sflag:s28], $0x1400  }
0x61: {  	[sflag:s28] =	ssyncset.done $0x0  }
0x62: {  	[sflag:s28] =	ssyncadd.s32 $0xFFFFEC00  }
0x63: {  	[spmem:s20] =	stream.linear.scatter [tilespmem:s26], [sflag:$0x6], $0x1400, $0x38;
	[tilespmem:$0x1F220] =	vst v63  }
0x64: {  	_ =	swait.ge [sflag:s28], $0x1400  }
0x65: {  	[sflag:s28] =	ssyncset.done $0x0  }
0x66: {  	[sflag:s28] =	ssyncadd.s32 $0xFFFFEC00  }
0x67: {  	[spmem:s21] =	stream.linear.scatter [tilespmem:s26], [sflag:$0x6], $0x1400, $0x38;
	[tilespmem:$0x1F220] =	vst v63  }
0x68: {  	_ =	swait.ge [sflag:s28], $0x1400  }
0x69: {  	[sflag:s28] =	ssyncset.done $0x0  }
0x6a: {  	[sflag:s28] =	ssyncadd.s32 $0xFFFFEC00  }
0x6b: {  	[spmem:s22] =	stream.linear.scatter [tilespmem:s26], [sflag:$0x6], $0x1400, $0x38;
	[tilespmem:$0x1F220] =	vst v63  }
0x6c: {  	_ =	swait.ge [sflag:s28], $0x1400  }
0x6d: {  	[sflag:s28] =	ssyncset.done $0x0  }
0x6e: {  	[sflag:s28] =	ssyncadd.s32 $0xFFFFEC00  }
0x6f: {  	_ =	swait.ge [sflag:s29], $0x2710  }
0x70: {  	[sflag:s29] =	ssyncset.done $0x0  }
0x71: {  	[sflag:s29] =	ssyncadd.s32 $0xFFFFD8F0  }
0x72: {  	_ =	swait.ge [sflag:s30], $0x2710  }
0x73: {  	[sflag:s30] =	ssyncset.done $0x0  }
0x74: {  	[sflag:s30] =	ssyncadd.s32 $0xFFFFD8F0  }
0x75: {  	s15 =	simm.s32 $0x0;
	[bflag:$0x0] =	sbarrier.arrive $0xFFFF  }
0x76: {  	[tilespmem:s26], [sflag:$0x1] =	stream.indirect.gather [hbm4b:s2+s31], $0x80, s15, s31, $0xb8;
	[tilespmem:$0x1F220] =	vst v63  }
0x77: {  	_ = 	snop  }
0x78: {  	[tilespmem:s0], [sflag:$0x2] =	stream.indirect.gather [hbm4b:s2+s31], $0x80, s31, s31, $0xb8;
	[tilespmem:$0x1F220] =	vst v63  }
0x79: {  	_ = 	snop  }
0x7a: {  	[tilespmem:s1], [sflag:$0x3] =	stream.indirect.gather [hbm4b:s2+s31], $0x80, s25, s31, $0xb8;
	[tilespmem:$0x1F220] =	vst v63  }
0x7b: {  	_ = 	snop  }
0x7c: {  	[tilespmem:s6], [sflag:$0x4] =	stream.indirect.gather [hbm4b:s2+s31], $0x80, s5, s31, $0xb8;
	[tilespmem:$0x1F220] =	vst v63  }
0x7d: {  	_ =	swait.ge [sflag:s29], $0x1400  }
0x7e: {  	[sflag:s29] =	ssyncset.done $0x0  }
0x7f: {  	s14 =	simm.s32 $0xA0;
	[sflag:s29] =	ssyncadd.s32 $0xFFFFEC00  }
0x80: {  	[tilespmem:s8], [sflag:$0x5] =	stream.indirect.gather [hbm4b:s2+s31], $0x80, s14, s31, $0xb8;
	[tilespmem:$0x1F220] =	vst v63  }
0x81: {  	s15 =	simm.s32 $0x2710  }
0x82: {  	[spmem:s3] =	stream.indirect.scatter.add.f32 [tilespmem:s26], [sflag:$0x6], $0x80, s15, s31, $0xb8;
	[tilespmem:$0x1F220] =	vst v63  }
0x83: {  	_ =	swait.ge [sflag:s28], $0x1400  }
0x84: {  	[sflag:s28] =	ssyncset.done $0x0  }
0x85: {  	[sflag:s28] =	ssyncadd.s32 $0xFFFFEC00  }
0x86: {  	_ =	swait.ge [sflag:s30], $0x1400  }
0x87: {  	[sflag:s30] =	ssyncset.done $0x0  }
0x88: {  	s14 =	simm.s32 $0xC8;
	[sflag:s30] =	ssyncadd.s32 $0xFFFFEC00  }
0x89: {  	[tilespmem:s26], [sflag:$0x1] =	stream.indirect.gather [hbm4b:s2+s31], $0x80, s14, s31, $0xb8;
	[tilespmem:$0x1F220] =	vst v63  }
0x8a: {  	s15 =	simm.s32 $0x2738  }
0x8b: {  	[spmem:s3] =	stream.indirect.scatter.add.f32 [tilespmem:s0], [sflag:$0x6], $0x80, s15, s31, $0xb8;
	[tilespmem:$0x1F220] =	vst v63  }
0x8c: {  	_ =	swait.ge [sflag:s28], $0x1400  }
0x8d: {  	[sflag:s28] =	ssyncset.done $0x0  }
0x8e: {  	[sflag:s28] =	ssyncadd.s32 $0xFFFFEC00  }
0x8f: {  	_ =	swait.ge [sflag:s9], $0x1400  }
0x90: {  	[sflag:s9] =	ssyncset.done $0x0  }
0x91: {  	s14 =	simm.s32 $0xF0;
	[sflag:s9] =	ssyncadd.s32 $0xFFFFEC00  }
0x92: {  	[tilespmem:s0], [sflag:$0x2] =	stream.indirect.gather [hbm4b:s2+s31], $0x80, s14, s31, $0xb8;
	[tilespmem:$0x1F220] =	vst v63  }
0x93: {  	s15 =	simm.s32 $0x2760  }
0x94: {  	[spmem:s3] =	stream.indirect.scatter.add.f32 [tilespmem:s1], [sflag:$0x6], $0x80, s15, s31, $0xb8;
	[tilespmem:$0x1F220] =	vst v63  }
0x95: {  	_ =	swait.ge [sflag:s28], $0x1400  }
0x96: {  	[sflag:s28] =	ssyncset.done $0x0  }
0x97: {  	[sflag:s28] =	ssyncadd.s32 $0xFFFFEC00  }
0x98: {  	_ =	swait.ge [sflag:s10], $0x1400  }
0x99: {  	[sflag:s10] =	ssyncset.done $0x0  }
0x9a: {  	s14 =	simm.s32 $0x118;
	[sflag:s10] =	ssyncadd.s32 $0xFFFFEC00  }
0x9b: {  	[tilespmem:s1], [sflag:$0x3] =	stream.indirect.gather [hbm4b:s2+s31], $0x80, s14, s31, $0xb8;
	[tilespmem:$0x1F220] =	vst v63  }
0x9c: {  	s15 =	simm.s32 $0x2788  }
0x9d: {  	[spmem:s3] =	stream.indirect.scatter.add.f32 [tilespmem:s6], [sflag:$0x6], $0x80, s15, s31, $0xb8;
	[tilespmem:$0x1F220] =	vst v63  }
0x9e: {  	_ =	swait.ge [sflag:s28], $0x1400  }
0x9f: {  	[sflag:s28] =	ssyncset.done $0x0  }
0xa0: {  	[sflag:s28] =	ssyncadd.s32 $0xFFFFEC00  }
0xa1: {  	_ =	swait.ge [sflag:s11], $0x1400  }
0xa2: {  	[sflag:s11] =	ssyncset.done $0x0  }
0xa3: {  	s14 =	simm.s32 $0x140;
	[sflag:s11] =	ssyncadd.s32 $0xFFFFEC00  }
0xa4: {  	[tilespmem:s6], [sflag:$0x4] =	stream.indirect.gather [hbm4b:s2+s31], $0x80, s14, s31, $0xb8;
	[tilespmem:$0x1F220] =	vst v63  }
0xa5: {  	s15 =	simm.s32 $0x27B0  }
0xa6: {  	[spmem:s3] =	stream.indirect.scatter.add.f32 [tilespmem:s8], [sflag:$0x6], $0x80, s15, s31, $0xb8;
	[tilespmem:$0x1F220] =	vst v63  }
0xa7: {  	_ =	swait.ge [sflag:s28], $0x1400  }
0xa8: {  	s13 =	simm.s32 $0x320;
	[sflag:s28] =	ssyncset.done $0x0  }
.LBB2_4:
0xa9: {  	p0 =	sne.s32 s13, $0x9600  }
0xaa: {  	[sflag:s28] =	ssyncadd.s32 $0xFFFFEC00;
	s14 =	smov.u32 s13;
	s13 =	sadd.s32 $0x320, s13  }
0xab: {  	_ = 	snop  }
0xac: {  	_ =	swait.ge [sflag:s29], $0x1400  }
0xad: {  	s14 =	sshra.s32 s14, $0x2;
	[sflag:s29] =	ssyncset.done $0x0  }
0xae: {  	s15 =	sadd.s32 $0xA0, s14;
	[sflag:s29] =	ssyncadd.s32 $0xFFFFEC00  }
0xaf: {  	[tilespmem:s8], [sflag:$0x5] =	stream.indirect.gather [hbm4b:s2+s31], $0x80, s15, s31, $0xb8;
	[tilespmem:$0x1F220] =	vst v63  }
0xb0: {  	s15 =	sadd.s32 $0x2710, s14  }
0xb1: {  	[spmem:s3] =	stream.indirect.scatter.add.f32 [tilespmem:s26], [sflag:$0x6], $0x80, s15, s31, $0xb8;
	[tilespmem:$0x1F220] =	vst v63  }
0xb2: {  	_ =	swait.ge [sflag:s28], $0x1400  }
0xb3: {  	[sflag:s28] =	ssyncset.done $0x0  }
0xb4: {  	[sflag:s28] =	ssyncadd.s32 $0xFFFFEC00  }
0xb5: {  	_ =	swait.ge [sflag:s30], $0x1400  }
0xb6: {  	[sflag:s30] =	ssyncset.done $0x0  }
0xb7: {  	s15 =	sadd.s32 $0xC8, s14;
	[sflag:s30] =	ssyncadd.s32 $0xFFFFEC00  }
0xb8: {  	[tilespmem:s26], [sflag:$0x1] =	stream.indirect.gather [hbm4b:s2+s31], $0x80, s15, s31, $0xb8;
	[tilespmem:$0x1F220] =	vst v63  }
0xb9: {  	s15 =	sadd.s32 $0x2738, s14  }
0xba: {  	[spmem:s3] =	stream.indirect.scatter.add.f32 [tilespmem:s0], [sflag:$0x6], $0x80, s15, s31, $0xb8;
	[tilespmem:$0x1F220] =	vst v63  }
0xbb: {  	_ =	swait.ge [sflag:s28], $0x1400  }
0xbc: {  	[sflag:s28] =	ssyncset.done $0x0  }
0xbd: {  	[sflag:s28] =	ssyncadd.s32 $0xFFFFEC00  }
0xbe: {  	_ =	swait.ge [sflag:s9], $0x1400  }
0xbf: {  	[sflag:s9] =	ssyncset.done $0x0  }
0xc0: {  	s15 =	sadd.s32 $0xF0, s14;
	[sflag:s9] =	ssyncadd.s32 $0xFFFFEC00  }
0xc1: {  	[tilespmem:s0], [sflag:$0x2] =	stream.indirect.gather [hbm4b:s2+s31], $0x80, s15, s31, $0xb8;
	[tilespmem:$0x1F220] =	vst v63  }
0xc2: {  	s15 =	sadd.s32 $0x2760, s14  }
0xc3: {  	[spmem:s3] =	stream.indirect.scatter.add.f32 [tilespmem:s1], [sflag:$0x6], $0x80, s15, s31, $0xb8;
	[tilespmem:$0x1F220] =	vst v63  }
0xc4: {  	_ =	swait.ge [sflag:s28], $0x1400  }
0xc5: {  	[sflag:s28] =	ssyncset.done $0x0  }
0xc6: {  	[sflag:s28] =	ssyncadd.s32 $0xFFFFEC00  }
0xc7: {  	_ =	swait.ge [sflag:s10], $0x1400  }
0xc8: {  	[sflag:s10] =	ssyncset.done $0x0  }
0xc9: {  	s15 =	sadd.s32 $0x118, s14;
	[sflag:s10] =	ssyncadd.s32 $0xFFFFEC00  }
0xca: {  	[tilespmem:s1], [sflag:$0x3] =	stream.indirect.gather [hbm4b:s2+s31], $0x80, s15, s31, $0xb8;
	[tilespmem:$0x1F220] =	vst v63  }
0xcb: {  	s15 =	sadd.s32 $0x2788, s14  }
0xcc: {  	[spmem:s3] =	stream.indirect.scatter.add.f32 [tilespmem:s6], [sflag:$0x6], $0x80, s15, s31, $0xb8;
	[tilespmem:$0x1F220] =	vst v63  }
0xcd: {  	_ =	swait.ge [sflag:s28], $0x1400  }
0xce: {  	[sflag:s28] =	ssyncset.done $0x0  }
0xcf: {  	[sflag:s28] =	ssyncadd.s32 $0xFFFFEC00  }
0xd0: {  	_ =	swait.ge [sflag:s11], $0x1400  }
0xd1: {  	[sflag:s11] =	ssyncset.done $0x0  }
0xd2: {  	s15 =	sadd.s32 $0x140, s14;
	[sflag:s11] =	ssyncadd.s32 $0xFFFFEC00  }
0xd3: {  	[tilespmem:s6], [sflag:$0x4] =	stream.indirect.gather [hbm4b:s2+s31], $0x80, s15, s31, $0xb8;
	[tilespmem:$0x1F220] =	vst v63  }
.Ltmp1:
0xd4: {  	_ = 	snop;
	(pc) =	sbr.rel @p0 .LBB2_4-.Ltmp1, $4  }
0xd5: {  	s14 =	sadd.s32 $0x27B0, s14  }
0xd6: {  	[spmem:s3] =	stream.indirect.scatter.add.f32 [tilespmem:s8], [sflag:$0x6], $0x80, s14, s31, $0xb8;
	[tilespmem:$0x1F220] =	vst v63  }
0xd7: {  	_ =	swait.ge [sflag:s28], $0x1400  }
0xd8: {  	[sflag:s28] =	ssyncset.done $0x0  }
0xd9: {  	[sflag:s28] =	ssyncadd.s32 $0xFFFFEC00  }
0xda: {  	_ =	swait.ge [sflag:s29], $0x1400  }
0xdb: {  	[sflag:s29] =	ssyncset.done $0x0  }
0xdc: {  	s13 =	simm.s32 $0x26E8;
	[sflag:s29] =	ssyncadd.s32 $0xFFFFEC00  }
0xdd: {  	[tilespmem:s8], [sflag:$0x5] =	stream.indirect.gather [hbm4b:s2+s31], $0x80, s13, s31, $0xb8;
	[tilespmem:$0x1F220] =	vst v63  }
0xde: {  	s14 =	simm.s32 $0x4D58  }
0xdf: {  	[spmem:s3] =	stream.indirect.scatter.add.f32 [tilespmem:s26], [sflag:$0x6], $0x80, s14, s31, $0xb8;
	[tilespmem:$0x1F220] =	vst v63  }
0xe0: {  	_ =	swait.ge [sflag:s28], $0x1400  }
0xe1: {  	[sflag:s28] =	ssyncset.done $0x0  }
0xe2: {  	[sflag:s28] =	ssyncadd.s32 $0xFFFFEC00  }
0xe3: {  	_ =	swait.ge [sflag:s30], $0x1400  }
0xe4: {  	[sflag:s30] =	ssyncset.done $0x0  }
0xe5: {  	[sflag:s30] =	ssyncadd.s32 $0xFFFFEC00  }
0xe6: {  	[tilespmem:s26], [sflag:$0x1] =	stream.indirect.gather [hbm4b:s2+s31], $0x80, s4, s31, $0xb8;
	[tilespmem:$0x1F220] =	vst v63  }
0xe7: {  	s15 =	simm.s32 $0x4D80  }
0xe8: {  	[spmem:s3] =	stream.indirect.scatter.add.f32 [tilespmem:s0], [sflag:$0x6], $0x80, s15, s31, $0xb8;
	[tilespmem:$0x1F220] =	vst v63  }
0xe9: {  	_ =	swait.ge [sflag:s28], $0x1400  }
0xea: {  	[sflag:s28] =	ssyncset.done $0x0  }
0xeb: {  	[sflag:s28] =	ssyncadd.s32 $0xFFFFEC00  }
0xec: {  	_ =	swait.ge [sflag:s9], $0x1400  }
0xed: {  	[sflag:s9] =	ssyncset.done $0x0  }
0xee: {  	[sflag:s9] =	ssyncadd.s32 $0xFFFFEC00  }
0xef: {  	[tilespmem:s0], [sflag:$0x2] =	stream.indirect.gather [hbm4b:s2+s31], $0x80, s31, s31, $0xb8;
	[tilespmem:$0x1F220] =	vst v63  }
0xf0: {  	s14 =	simm.s32 $0x4DA8  }
0xf1: {  	[spmem:s3] =	stream.indirect.scatter.add.f32 [tilespmem:s1], [sflag:$0x6], $0x80, s14, s31, $0xb8;
	[tilespmem:$0x1F220] =	vst v63  }
0xf2: {  	_ =	swait.ge [sflag:s28], $0x1400  }
0xf3: {  	[sflag:s28] =	ssyncset.done $0x0  }
0xf4: {  	[sflag:s28] =	ssyncadd.s32 $0xFFFFEC00  }
0xf5: {  	_ =	swait.ge [sflag:s10], $0x1400  }
0xf6: {  	[sflag:s10] =	ssyncset.done $0x0  }
0xf7: {  	[sflag:s10] =	ssyncadd.s32 $0xFFFFEC00  }
0xf8: {  	[tilespmem:s1], [sflag:$0x3] =	stream.indirect.gather [hbm4b:s2+s31], $0x80, s25, s31, $0xb8;
	[tilespmem:$0x1F220] =	vst v63  }
0xf9: {  	s15 =	simm.s32 $0x4DD0  }
0xfa: {  	[spmem:s3] =	stream.indirect.scatter.add.f32 [tilespmem:s6], [sflag:$0x6], $0x80, s15, s31, $0xb8;
	[tilespmem:$0x1F220] =	vst v63  }
0xfb: {  	_ =	swait.ge [sflag:s28], $0x1400  }
0xfc: {  	[sflag:s28] =	ssyncset.done $0x0  }
0xfd: {  	[sflag:s28] =	ssyncadd.s32 $0xFFFFEC00  }
0xfe: {  	_ =	swait.ge [sflag:s11], $0x1400  }
0xff: {  	[sflag:s11] =	ssyncset.done $0x0  }
0x100: {  	[sflag:s11] =	ssyncadd.s32 $0xFFFFEC00  }
0x101: {  	[tilespmem:s6], [sflag:$0x4] =	stream.indirect.gather [hbm4b:s2+s31], $0x80, s5, s31, $0xb8;
	[tilespmem:$0x1F220] =	vst v63  }
0x102: {  	s14 =	simm.s32 $0x4DF8  }
0x103: {  	[spmem:s3] =	stream.indirect.scatter.add.f32 [tilespmem:s8], [sflag:$0x6], $0x80, s14, s31, $0xb8;
	[tilespmem:$0x1F220] =	vst v63  }
0x104: {  	_ =	swait.ge [sflag:s28], $0x1400  }
0x105: {  	[sflag:s28] =	ssyncset.done $0x0  }
0x106: {  	[sflag:s28] =	ssyncadd.s32 $0xFFFFEC00  }
0x107: {  	_ =	swait.ge [sflag:s29], $0x1400  }
0x108: {  	[sflag:s29] =	ssyncset.done $0x0  }
0x109: {  	[sflag:s29] =	ssyncadd.s32 $0xFFFFEC00  }
0x10a: {  	_ =	swait.ge [sflag:s30], $0x1400  }
0x10b: {  	[sflag:s30] =	ssyncset.done $0x0  }
0x10c: {  	[sflag:s30] =	ssyncadd.s32 $0xFFFFEC00  }
0x10d: {  	_ =	swait.ge [sflag:s9], $0x1400  }
0x10e: {  	[sflag:s9] =	ssyncset.done $0x0  }
0x10f: {  	[sflag:s9] =	ssyncadd.s32 $0xFFFFEC00  }
0x110: {  	s15 =	stileid.u32;
	_ =	swait.ge [sflag:s10], $0x1400  }
0x111: {  	s12 =	sadd.s32 $0x1, s12;
	s13 =	sshll.u32 s15, $0x6;
	[sflag:s10] =	ssyncset.done $0x0  }
0x112: {  	p0 =	sne.s32 s12, s24;
	s13 =	sor.u32 $0x1C06, s13;
	[sflag:s10] =	ssyncadd.s32 $0xFFFFEC00  }
.Ltmp2:
0x113: {  	s14 =	sshrl.u32 s7, $0x3;
	[bflag:$0x0] =	sbarrier.arrive $0xFFFF;
	(pc) =	sbr.rel @p0 .LBB2_1-.Ltmp2, $4  }
0x114: {  	[hbm:s23], [sflag:s13] =	dma.local [spmem:s14], $0x2800  }
0x115: {  	_ =	swait.ge [sflag:s28], $0x2800  }
0x116: {  	[sflag:s28] =	ssyncset.done $0x0  }
0x117: {  	[sflag:s28] =	ssyncadd.s32 $0xFFFFD800  }
0x118: {  	_ =	sfence.sel $0x180000  }
0x119: {  	[bflag:$0x0] =	sbarrier.arrive $0xFFFF  }
0x11a: {  	_ =	strace $0x90000047  }
0x11b: {  	s0 =	stileid.u32;
	[bflag:$0x2] =	sbarrier.arrive $0xFFFF  }
0x11c: {  	p0 =	sne.s32 s0, $0x0;
	s0 =	rddreg [dreg:$0x3]  }
0x11d: {  	s0 =	sadd.s32 @!p0 $0x100000, s0  }
0x11e: {  	[sflag:s0] =	ssyncadd.tile.s32 @!p0 $0x1;
	_ =	shalt  }
.Lfunc_end2:
_tile_overlayer_lowered:
.L_overlay_start_2:
0x11f: {  	(tag) =	ssettag $0x2  }
0x120: {  	s0 =	rddreg [dreg:$0x0];
	s2 =	stileid.u32  }
0x121: {  	s1 =	rddreg [dreg:$0x1];
	p0 =	sne.s32 s2, $0x0  }
0x122: {  	s3 =	rddreg [dreg:$0x2];
	[bflag:$0x3] =	sbarrier.arrive $0xFFFF;
	s2 =	simm.s32 @!p0 $0x1C06  }
0x123: {  	[timem:s3], [sflag:s2] =	dma.local @!p0 [hbm:s0], s1  }
0x124: {  	s0 =	simm.s32 @!p0 $0x6  }
0x125: {  	_ =	swait.ge @!p0 [sflag:s0], s1  }
0x126: {  	s1 =	ssub.s32 @!p0 $0x0, s1;
	[sflag:s0] =	ssyncset.done @!p0 $0x0  }
0x127: {  	[sflag:s0] =	ssyncadd.s32 @!p0 s1  }
0x128: {  	[bflag:$0x3] =	sbarrier.arrive $0xFFFF  }
0x129: {  	_ =	shalt  }

// kernel: kernel.9.cloned.1.call-start
scs
__scs_entry_jumppad:
0x0: {  	(pc) =	sbr.rel $0x88, $3  }
0x1: {  	(tag) =	ssettag $0x0;
	lr =	simm.s32 $0x1  }
0x2: {  	[smem:$0x3F9B] =	sst lr;
	_ =	strace $0xD0000000  }
0x3: {  	_ = 	snop  }
0x4: {  	_ = 	snop  }
0x5: {  	_ = 	snop  }
0x6: {  	_ = 	snop  }
0x7: {  	_ = 	snop  }
__scs_overlays_trampoline_lowered:
0x8: {  	[smem:$0x3FAA] =	sst s0  }
0x9: {  	[smem:$0x3FAB] =	sst s1  }
0xa: {  	[smem:$0x3FAC] =	sst s2  }
0xb: {  	[smem:$0x3FAD] =	sst s3  }
0xc: {  	[smem:$0x3FAE] =	sst s4  }
0xd: {  	[smem:$0x3FAF] =	sst s5  }
0xe: {  	[smem:$0x3FB0] =	sst s6  }
0xf: {  	[smem:$0x3FB1] =	sst s7  }
0x10: {  	[smem:$0x3FB2] =	sst s8  }
0x11: {  	[smem:$0x3FB3] =	sst s9;
	s0 =	simm.s32 @!p0 $0x0  }
0x12: {  	s1 =	sld [smem:$0x3F99];
	s0 =	simm.s32 @p0 $0x1  }
0x13: {  	[smem:$0x3FB4] =	sst s0;
	s0 =	simm.s32 @!p1 $0x0  }
0x14: {  	s2 =	sld [smem:$0x3F98];
	s0 =	simm.s32 @p1 $0x1  }
0x15: {  	[smem:$0x3FB5] =	sst s0;
	s0 =	simm.s32 @!p2 $0x0  }
0x16: {  	s3 =	sld [smem:$0x3FDB];
	s0 =	simm.s32 @p2 $0x1  }
0x17: {  	s4 =	simm.s32 $0x1BF5;
	[smem:$0x3FB7] =	sst s0  }
0x18: {  	s0 =	sld [smem:$0x3F9A];
	_ =	swait.ge [sflag:s4], $0x0  }
0x19: {  	s7 =	sld [smem:$0x3F9B]  }
0x1a: {  	s8 =	sadd.s32 $0xFFFFE003, lr  }
0x1b: {  	s9 =	sadd.s32 $0xFFFFFEF7, lr;
	s5 =	simm.s32 $0xFFFFFFFF;
	p2 =	slt.u32 s8, $0xFFFFF086  }
0x1c: {  	p1 =	slt.u32 s9, $0xF7A;
	s5 =	simm.s32 @!p2 $0x0  }
0x1d: {  	s5 =	simm.s32 @p1 $0x1;
	p0 =	seq.s32 s7, s2  }
0x1e: {  	s7 =	smul.u32 @!p0 $0xF7A, s2;
	p2 =	seq.s32 @!p0 s5, $0x0  }
0x1f: {  	s9 =	smul.u32 $0xF7A, s1;
	s8 =	simm.s32 @!p0 $0x1BF5;
	p2 =	por !p2, p0  }
0x20: {  	[sflag:s8] =	ssyncset.s32 @!p0 $0xFFFFF086;
	s6 =	sadd.s32 @!p0 s3, s7;
	s7 =	simm.s32 @!p0 $0x108  }
0x21: {  	s3 =	sadd.s32 s3, s9;
	s6 =	sadd.s32 @!p0 $0x88, s6;
	s7 =	simm.s32 @p2 $0x1082  }
0x22: {  	[simem:s7], [sflag:s8] =	dma.local @!p0 [hbm:s6], $0xF7A  }
0x23: {  	s9 =	sor.u32 $0xD0000000, s2;
	s6 =	simm.s32 $0x108;
	_ =	swait.ge @!p0 [sflag:s8], $0x0  }
0x24: {  	s3 =	sadd.s32 $0x88, s3;
	s6 =	simm.s32 @!p1 $0x1082;
	[sflag:s4] =	ssyncset.s32 $0xFFFFF086  }
0x25: {  	[simem:s6], [sflag:s4] =	dma.local [hbm:s3], $0xF7A  }
0x26: {  	[smem:$0x3F9B] =	sst s1;
	(tag) =	ssettag s2;
	_ =	strace s9  }
0x27: {  	s1 =	sld [smem:$0x3FAB]  }
0x28: {  	s2 =	sld [smem:$0x3FAC]  }
0x29: {  	s4 =	sld [smem:$0x3FAE]  }
0x2a: {  	p0 =	seq.s32 s5, $0x0;
	s5 =	sld [smem:$0x3FAF]  }
0x2b: {  	s6 =	sld [smem:$0x3FB0]  }
0x2c: {  	s7 =	sld [smem:$0x3FB1]  }
0x2d: {  	s3 =	simm.s32 $0x108;
	s8 =	sld [smem:$0x3FB2]  }
0x2e: {  	s3 =	simm.s32 @!p0 $0x1082;
	s9 =	sld [smem:$0x3FB3]  }
0x2f: {  	lr =	sadd.s32 s0, s3;
	s0 =	sld [smem:$0x3FAA]  }
0x30: {  	s3 =	sld [smem:$0x3FAD]  }
0x31: {  	[smem:$0x3FB6] =	sst s10  }
0x32: {  	s10 =	sld [smem:$0x3FB4];
	_ =	sdelay $0x3  }
0x33: {  	p0 =	seq.s32 s10, $0x1;
	s10 =	sld [smem:$0x3FB6];
	_ =	sdelay $0x3  }
0x34: {  	[smem:$0x3FB6] =	sst s10  }
0x35: {  	s10 =	sld [smem:$0x3FB5];
	_ =	sdelay $0x3  }
0x36: {  	p1 =	seq.s32 s10, $0x1;
	s10 =	sld [smem:$0x3FB6];
	_ =	sdelay $0x3  }
0x37: {  	[smem:$0x3FB6] =	sst s10  }
0x38: {  	s10 =	sld [smem:$0x3FB7]  }
0x39: {  	_ = 	snop;
	(pc) =	sbr.ind lr, $3  }
0x3a: {  	_ = 	snop  }
0x3b: {  	_ = 	snop  }
0x3c: {  	p2 =	seq.s32 s10, $0x1;
	s10 =	sld [smem:$0x3FB6]  }
0x3d: {  	_ =	shalt  }
0x3e: {  	_ =	shalt  }
0x3f: {  	_ =	shalt  }
0x40: {  	_ =	shalt  }
0x41: {  	_ =	shalt  }
0x42: {  	_ =	shalt  }
0x43: {  	_ =	shalt  }
0x44: {  	_ =	shalt  }
0x45: {  	_ =	shalt  }
0x46: {  	_ =	shalt  }
0x47: {  	_ =	shalt  }
0x48: {  	_ =	shalt  }
0x49: {  	_ =	shalt  }
0x4a: {  	_ =	shalt  }
0x4b: {  	_ =	shalt  }
0x4c: {  	_ =	shalt  }
0x4d: {  	_ =	shalt  }
0x4e: {  	_ =	shalt  }
0x4f: {  	_ =	shalt  }
0x50: {  	_ =	shalt  }
0x51: {  	_ =	shalt  }
0x52: {  	_ =	shalt  }
0x53: {  	_ =	shalt  }
0x54: {  	_ =	shalt  }
0x55: {  	_ =	shalt  }
0x56: {  	_ =	shalt  }
0x57: {  	_ =	shalt  }
0x58: {  	_ =	shalt  }
0x59: {  	_ =	shalt  }
0x5a: {  	_ =	shalt  }
0x5b: {  	_ =	shalt  }
0x5c: {  	_ =	shalt  }
0x5d: {  	_ =	shalt  }
0x5e: {  	_ =	shalt  }
0x5f: {  	_ =	shalt  }
0x60: {  	_ =	shalt  }
0x61: {  	_ =	shalt  }
0x62: {  	_ =	shalt  }
0x63: {  	_ =	shalt  }
0x64: {  	_ =	shalt  }
0x65: {  	_ =	shalt  }
0x66: {  	_ =	shalt  }
0x67: {  	_ =	shalt  }
0x68: {  	_ =	shalt  }
0x69: {  	_ =	shalt  }
0x6a: {  	_ =	shalt  }
0x6b: {  	_ =	shalt  }
0x6c: {  	_ =	shalt  }
0x6d: {  	_ =	shalt  }
0x6e: {  	_ =	shalt  }
0x6f: {  	_ =	shalt  }
0x70: {  	_ =	shalt  }
0x71: {  	_ =	shalt  }
0x72: {  	_ =	shalt  }
0x73: {  	_ =	shalt  }
0x74: {  	_ =	shalt  }
0x75: {  	_ =	shalt  }
0x76: {  	_ =	shalt  }
0x77: {  	_ =	shalt  }
0x78: {  	_ =	shalt  }
0x79: {  	_ =	shalt  }
0x7a: {  	_ =	shalt  }
0x7b: {  	_ =	shalt  }
0x7c: {  	_ =	shalt  }
0x7d: {  	_ =	shalt  }
0x7e: {  	_ =	shalt  }
0x7f: {  	_ =	shalt  }
0x80: {  	_ =	shalt  }
0x81: {  	_ =	shalt  }
0x82: {  	_ =	shalt  }
0x83: {  	_ =	shalt  }
0x84: {  	_ =	shalt  }
0x85: {  	_ =	shalt  }
0x86: {  	_ =	shalt  }
0x87: {  	_ =	shalt  }
.Lfunc_end0:
.L_simem_size_0:
called_computation.1_lowered:
.L_overlay_start_0:
0x88: {  	s2 =	sld [smem:$0x3FD9]  }
0x89: {  	s3 =	sld [smem:$0x3FFE];
	_ =	sdelay $0x1  }
0x8a: {  	s1 =	srdreg.scid  }
0x8b: {  	s0 =	sand.u32 $0x1, s1  }
0x8c: {  	s16 =	sshll.u32 s0, $0xA;
	s2 =	sadd.s32 s3, s2  }
0x8d: {  	s2 =	sadd.s32 s2, s16  }
0x8e: {  	[smem:$0x3FC2] =	sst s2  }
0x8f: {  	_ = 	snop  }
0x90: {  	(tm) =	ssettm $0x1  }
0x91: {  	s17 =	sld [smem:$0x3FFB];
	_ =	sdelay $0x3  }
0x92: {  	_ =	strace s17  }
0x93: {  	s2 =	sld [smem:$0x3FFC];
	_ =	sdelay $0x3  }
0x94: {  	_ =	strace s2  }
0x95: {  	s2 =	sld [smem:$0x3FFD];
	_ =	sdelay $0x3  }
0x96: {  	_ =	strace s2  }
0x97: {  	_ =	strace $0x8FFFFFFF  }
0x98: {  	s18 =	sld [smem:$0x3FDB];
	_ =	sdelay $0x1  }
0x99: {  	s19 =	simm.s32 $_scs_section_size  }
0x9a: {  	s4 =	simm.s32 $_size__tile_overlayer_lowered;
	s5 =	simm.s32 $_tile_overlayer_lowered  }
0x9b: {  	s22 =	simm.s32 $0x1BFF;
	s21 =	sshll.u32 s5, $0x1;
	s2 =	sadd.s32 s19, s18  }
0x9c: {  	s6 =	simm.s32 $0x0;
	s20 =	sshll.u32 s4, $0x1;
	s4 =	sadd.s32 s21, s2  }
0x9d: {  	[timem:s6], [sflag:s22] =	dma.local [hbm:s4], s20  }
0x9e: {  	_ =	swait.ge [sflag:s22], s20  }
0x9f: {  	s3 =	ssub.s32 $0x0, s20;
	[sflag:s22] =	ssyncset.done $0x0  }
0xa0: {  	[sflag:s22] =	ssyncadd.s32 s3;
	_ =	sdelay $0x1  }
0xa1: {  	s23 =	simm.s32 $0x1B8B  }
0xa2: {  	_ =	swait.ge [sflag:s23], $0x1  }
0xa3: {  	[sflag:s23] =	ssyncset.done $0x0  }
0xa4: {  	s25 =	simm.s32 $0x1B8E;
	s24 =	sld [smem:$0x3FFE];
	[sflag:s23] =	ssyncadd.s32 $0xFFFFFFFF  }
0xa5: {  	s26 =	simm.s32 $execute0_lowered;
	[smem:$0x3FD2] =	sst s25  }
0xa6: {  	s4 =	sshll.u32 s26, $0x1;
	_ =	strace $0x80000049;
	[dreg:$0x1] =	wrdreg $0xFFFFFFFF  }
0xa7: {  	s28 =	simm.s32 $_size_execute0_lowered;
	s2 =	sadd.s32 s2, s4;
	[dreg:$0x0] =	wrdreg $0x0  }
0xa8: {  	s4 =	sshll.u32 s28, $0x1;
	[dreg:$0x2] =	wrdreg s2  }
0xa9: {  	[dreg:$0x3] =	wrdreg s4  }
0xaa: {  	[dreg:$0x4] =	wrdreg $0xC0  }
0xab: {  	_ =	task [dreg:s6], $0x5FFFF  }
0xac: {  	[dreg:$0x1] =	wrdreg $0xFFFFFFFF  }
0xad: {  	[dreg:$0x0] =	wrdreg $0x60  }
0xae: {  	[dreg:$0x2] =	wrdreg s24  }
0xaf: {  	[dreg:$0x3] =	wrdreg $0xD4800  }
0xb0: {  	[dreg:$0x4] =	wrdreg $0x9  }
0xb1: {  	_ =	task.clear_ibuf [dreg:s6], $0x5FFFF;
	_ =	strace $0x90000049  }
0xb2: {  	s29 =	simm.s32 $0x9;
	_ =	strace $0x8000004B  }
0xb3: {  	_ =	swait.ge [sflag:s29], $0x1  }
0xb4: {  	[sflag:s29] =	ssyncadd.s32 $0xFFFFFFFF  }
0xb5: {  	_ =	strace $0x9000004B  }
0xb6: {  	_ =	sfence  }
0xb7: {  	s30 =	sld [smem:$0x0];
	_ =	sdelay $0x2  }
0xb8: {  	s31 =	sshll.u32 s1, $0xD;
	s1 =	sshrl.u32 s1, $0x2  }
0xb9: {  	s3 =	sand.u32 $0x4000, s31;
	s1 =	sadd.s32 s1, s30  }
0xba: {  	s0 =	sor.u32 s3, s0;
	s1 =	sshll.u32 s1, $0x11  }
0xbb: {  	s0 =	sor.u32 s1, s0  }
0xbc: {  	s0 =	sadd.s32 $0x8F2B, s0  }
0xbd: {  	[sflag:s0] =	ssyncadd.remote.s32 $0x1  }
0xbe: {  	_ =	sfence.sel $0xFFFF  }
0xbf: {  	[dreg:$0x0] =	wrdreg $0xFFFFFFFF;
	(pc) =	sbr.abs _section_cstart, $3  }
0xc0: {  	[dreg:$0x1] =	wrdreg $0xFFFFFFFF  }
0xc1: {  	_ =	task.clear_ibuf [dreg:s6], $0x2FFFF;
	_ =	strace $0x9FFFFFFF  }
0xc2: {  	(tm) =	ssettm $0x7FFFFFFF  }
0xc3: {  	_ =	shalt  }
tec
execute0_lowered:
.L_overlay_start_1:
0x0: {  	(tag) =	ssettag $0x1  }
0x1: {  	s0 =	rddreg [dreg:$0x0]  }
0x2: {  	s2 =	rddreg [dreg:$0x1];
	s18 =	simm.s32 $0x0;
	s1 =	srdreg.scid  }
0x3: {  	s7 =	stileid.u32;
	s28 =	simm.s32 $0x32;
	s29 =	simm.s32 $0x7080  }
0x4: {  	s30 =	simm.s32 $0x9600;
	s8 =	simm.s32 $0xC800;
	s5 =	smul.u32 $0xA000, s7  }
0x5: {  	s31 =	simm.s32 $0x6400;
	s3 =	sshll.u32 s7, $0x1;
	s7 =	smul.u32 $0x28000, s7  }
0x6: {  	s1 =	sand.u32 $0x1, s1;
	[smem:$0x7FF] =	sst s18;
	s4 =	sadd.s32 $0x1600, s0  }
0x7: {  	s3 =	sor.u32 s1, s3;
	s6 =	smul.u32 $0xA0000, s1;
	s7 =	sshrl.u32 s7, $0x2  }
0x8: {  	_ =	strace $0x8000004A;
	s19 =	sadd.s32 s5, s2;
	s11 =	sadd.s32 s7, s2  }
0x9: {  	s1 =	ssub.s32 $0x2, s1;
	[dreg:$0x5] =	wrdreg s19;
	s12 =	sadd.s32 $0xC80, s11  }
0xa: {  	s3 =	smul.u32 $0x578, s3;
	s13 =	sadd.s32 $0x1900, s11;
	[dreg:$0x6] =	wrdreg s12  }
0xb: {  	s9 =	sshrl.u32 s1, $0x1;
	s14 =	sadd.s32 $0x2580, s11;
	[dreg:$0x7] =	wrdreg s13  }
0xc: {  	s6 =	sadd.s32 s5, s6;
	s15 =	sadd.s32 $0x3200, s11;
	[dreg:$0x8] =	wrdreg s14  }
0xd: {  	s1 =	ssub.s32 s1, s9;
	s16 =	sadd.s32 $0x3E80, s11;
	[dreg:$0x9] =	wrdreg s15  }
0xe: {  	s5 =	simm.s32 $0xAF00;
	s17 =	sadd.s32 $0x4B00, s11;
	[dreg:$0xa] =	wrdreg s16  }
0xf: {  	s9 =	simm.s32 $0x3;
	s20 =	sadd.s32 $0x5780, s11;
	[dreg:$0xb] =	wrdreg s17  }
0x10: {  	s3 =	sadd.s32 s3, s0;
	s21 =	sadd.s32 $0x6400, s11;
	[dreg:$0xc] =	wrdreg s20  }
0x11: {  	s6 =	sshrl.u32 s6, $0x3;
	s22 =	sadd.s32 $0x7080, s11;
	[dreg:$0xd] =	wrdreg s21  }
0x12: {  	s23 =	sadd.s32 $0x7D00, s11;
	s24 =	sadd.s32 $0x8980, s11;
	[dreg:$0xe] =	wrdreg s22  }
0x13: {  	s25 =	sadd.s32 $0x9600, s11;
	s26 =	smax.u32 s1, $0x1;
	[dreg:$0xf] =	wrdreg s23  }
0x14: {  	s1 =	simm.s32 $0x7D00;
	s11 =	simm.s32 $0x5;
	[dreg:$0x10] =	wrdreg s24  }
0x15: {  	s0 =	sadd.s32 s6, s0;
	s10 =	sadd.s32 $0x70200, s3;
	[dreg:$0x11] =	wrdreg s25  }
0x16: {  	s3 =	sadd.s32 $0x65200, s3;
	[dreg:$0x13] =	wrdreg s26;
	s20 =	simm.s32 $0x5780  }
0x17: {  	s24 =	simm.s32 $0xB;
	s25 =	simm.s32 $0x1;
	s26 =	simm.s32 $0x2  }
0x18: {  	s21 =	simm.s32 $0x6400;
	s23 =	simm.s32 $0x8980;
	s6 =	simm.s32 $0xBB80  }
0x19: {  	s12 =	simm.s32 $0x6;
	s13 =	simm.s32 $0x7;
	s14 =	simm.s32 $0x8  }
0x1a: {  	s15 =	simm.s32 $0x9;
	s16 =	simm.s32 $0xA;
	[dreg:$0x3] =	wrdreg s10  }
0x1b: {  	s22 =	simm.s32 $0x5780;
	[dreg:$0x4] =	wrdreg s3;
	s0 =	sadd.s32 $0x15000, s0  }
0x1c: {  	v0 =	vimm.f32 $0.0e+00;
	s10 =	simm.s32 $0x4;
	s3 =	simm.s32 $0x0;
	[dreg:$0x12] =	wrdreg s0  }
.LBB2_1:
0x1d: {  	s0 =	rddreg [dreg:$0x3]  }
0x1e: {  	[tilespmem:s18], [sflag:$0x1] =	stream.linear.gather [hbm4b:s0+s18], $0x2BC0, $0x38;
	[tilespmem:$0x17480] =	vst v63  }
0x1f: {  	s7 =	rddreg [dreg:$0x4];
	s17 =	simm.s32 $0x2BC0  }
0x20: {  	[tilespmem:s17], [sflag:$0x2] =	stream.linear.gather [hbm4b:s7+s18], $0x2BC0, $0x38;
	[tilespmem:$0x17480] =	vst v63  }
0x21: {  	[dreg:$0x14] =	wrdreg s3;
	s3 =	simm.s32 $0x0;
	s7 =	simm.s32 $0x100  }
.LBB2_2:
0x22: {  	p0 =	sne.s32 s7, $0x3100;
	[tilespmem:s3+$0x57B0] =	vst v0;
	s17 =	smov.u32 s7;
	s7 =	sadd.s32 $0x100, s7  }
.Ltmp0:
0x23: {  	[tilespmem:s3+$0x57A0] =	vst v0;
	(pc) =	sbr.rel @p0 .LBB2_2-.Ltmp0, $3  }
0x24: {  	[tilespmem:s3+$0x5780] =	vst v0  }
0x25: {  	[tilespmem:s3+$0x5790] =	vst v0;
	_ =	sdelay $0x1  }
0x26: {  	s3 =	sshra.s32 s17, $0x2  }
0x27: {  	[tilespmem:s3+$0x57B0] =	vst v0  }
0x28: {  	[tilespmem:s3+$0x57A0] =	vst v0  }
0x29: {  	[tilespmem:s3+$0x5780] =	vst v0  }
0x2a: {  	[tilespmem:s3+$0x5790] =	vst v0  }
0x2b: {  	[spmem:s19] =	stream.linear.scatter [tilespmem:s20], [sflag:$0xB], $0xC80, $0x38;
	[tilespmem:$0x17480] =	vst v63  }
0x2c: {  	_ =	swait.ge [sflag:s24], $0xC80  }
0x2d: {  	[sflag:s24] =	ssyncset.done $0x0  }
0x2e: {  	s0 =	rddreg [dreg:$0x6];
	[sflag:s24] =	ssyncadd.s32 $0xFFFFF380  }
0x2f: {  	[spmem:s0] =	stream.linear.scatter [tilespmem:s20], [sflag:$0xB], $0xC80, $0x38;
	[tilespmem:$0x17480] =	vst v63  }
0x30: {  	_ =	swait.ge [sflag:s24], $0xC80  }
0x31: {  	[sflag:s24] =	ssyncset.done $0x0  }
0x32: {  	s3 =	rddreg [dreg:$0x7];
	[sflag:s24] =	ssyncadd.s32 $0xFFFFF380  }
0x33: {  	[spmem:s3] =	stream.linear.scatter [tilespmem:s20], [sflag:$0xB], $0xC80, $0x38;
	[tilespmem:$0x17480] =	vst v63  }
0x34: {  	_ =	swait.ge [sflag:s24], $0xC80  }
0x35: {  	[sflag:s24] =	ssyncset.done $0x0  }
0x36: {  	s7 =	rddreg [dreg:$0x8];
	[sflag:s24] =	ssyncadd.s32 $0xFFFFF380  }
0x37: {  	[spmem:s7] =	stream.linear.scatter [tilespmem:s20], [sflag:$0xB], $0xC80, $0x38;
	[tilespmem:$0x17480] =	vst v63  }
0x38: {  	_ =	swait.ge [sflag:s24], $0xC80  }
0x39: {  	[sflag:s24] =	ssyncset.done $0x0  }
0x3a: {  	s17 =	rddreg [dreg:$0x9];
	[sflag:s24] =	ssyncadd.s32 $0xFFFFF380  }
0x3b: {  	[spmem:s17] =	stream.linear.scatter [tilespmem:s20], [sflag:$0xB], $0xC80, $0x38;
	[tilespmem:$0x17480] =	vst v63  }
0x3c: {  	_ =	swait.ge [sflag:s24], $0xC80  }
0x3d: {  	[sflag:s24] =	ssyncset.done $0x0  }
0x3e: {  	s19 =	rddreg [dreg:$0xa];
	[sflag:s24] =	ssyncadd.s32 $0xFFFFF380  }
0x3f: {  	[spmem:s19] =	stream.linear.scatter [tilespmem:s20], [sflag:$0xB], $0xC80, $0x38;
	[tilespmem:$0x17480] =	vst v63  }
0x40: {  	_ =	swait.ge [sflag:s24], $0xC80  }
0x41: {  	[sflag:s24] =	ssyncset.done $0x0  }
0x42: {  	s3 =	rddreg [dreg:$0xb];
	[sflag:s24] =	ssyncadd.s32 $0xFFFFF380  }
0x43: {  	[spmem:s3] =	stream.linear.scatter [tilespmem:s20], [sflag:$0xB], $0xC80, $0x38;
	[tilespmem:$0x17480] =	vst v63  }
0x44: {  	_ =	swait.ge [sflag:s24], $0xC80  }
0x45: {  	[sflag:s24] =	ssyncset.done $0x0  }
0x46: {  	s7 =	rddreg [dreg:$0xc];
	[sflag:s24] =	ssyncadd.s32 $0xFFFFF380  }
0x47: {  	[spmem:s7] =	stream.linear.scatter [tilespmem:s20], [sflag:$0xB], $0xC80, $0x38;
	[tilespmem:$0x17480] =	vst v63  }
0x48: {  	_ =	swait.ge [sflag:s24], $0xC80  }
0x49: {  	[sflag:s24] =	ssyncset.done $0x0  }
0x4a: {  	s17 =	rddreg [dreg:$0xd];
	[sflag:s24] =	ssyncadd.s32 $0xFFFFF380  }
0x4b: {  	[spmem:s17] =	stream.linear.scatter [tilespmem:s20], [sflag:$0xB], $0xC80, $0x38;
	[tilespmem:$0x17480] =	vst v63  }
0x4c: {  	_ =	swait.ge [sflag:s24], $0xC80  }
0x4d: {  	[sflag:s24] =	ssyncset.done $0x0  }
0x4e: {  	s19 =	rddreg [dreg:$0xe];
	[sflag:s24] =	ssyncadd.s32 $0xFFFFF380  }
0x4f: {  	[spmem:s19] =	stream.linear.scatter [tilespmem:s20], [sflag:$0xB], $0xC80, $0x38;
	[tilespmem:$0x17480] =	vst v63  }
0x50: {  	_ =	swait.ge [sflag:s24], $0xC80  }
0x51: {  	[sflag:s24] =	ssyncset.done $0x0  }
0x52: {  	s3 =	rddreg [dreg:$0xf];
	[sflag:s24] =	ssyncadd.s32 $0xFFFFF380  }
0x53: {  	[spmem:s3] =	stream.linear.scatter [tilespmem:s20], [sflag:$0xB], $0xC80, $0x38;
	[tilespmem:$0x17480] =	vst v63  }
0x54: {  	_ =	swait.ge [sflag:s24], $0xC80  }
0x55: {  	[sflag:s24] =	ssyncset.done $0x0  }
0x56: {  	s7 =	rddreg [dreg:$0x10];
	[sflag:s24] =	ssyncadd.s32 $0xFFFFF380  }
0x57: {  	[spmem:s7] =	stream.linear.scatter [tilespmem:s20], [sflag:$0xB], $0xC80, $0x38;
	[tilespmem:$0x17480] =	vst v63  }
0x58: {  	_ =	swait.ge [sflag:s24], $0xC80  }
0x59: {  	[sflag:s24] =	ssyncset.done $0x0  }
0x5a: {  	s17 =	rddreg [dreg:$0x11];
	[sflag:s24] =	ssyncadd.s32 $0xFFFFF380  }
0x5b: {  	[spmem:s17] =	stream.linear.scatter [tilespmem:s20], [sflag:$0xB], $0xA00, $0x38;
	[tilespmem:$0x17480] =	vst v63  }
0x5c: {  	_ =	swait.ge [sflag:s24], $0xA00  }
0x5d: {  	[sflag:s24] =	ssyncset.done $0x0  }
0x5e: {  	[sflag:s24] =	ssyncadd.s32 $0xFFFFF600  }
0x5f: {  	_ =	swait.ge [sflag:s25], $0x2BC0  }
0x60: {  	[sflag:s25] =	ssyncset.done $0x0  }
0x61: {  	[sflag:s25] =	ssyncadd.s32 $0xFFFFD440  }
0x62: {  	_ =	swait.ge [sflag:s26], $0x2BC0  }
0x63: {  	[sflag:s26] =	ssyncset.done $0x0  }
0x64: {  	[sflag:s26] =	ssyncadd.s32 $0xFFFFD440  }
0x65: {  	[bflag:$0x0] =	sbarrier.arrive $0xFFFF  }
0x66: {  	[tilespmem:s20], [sflag:$0x1] =	stream.indirect.gather [hbm4b:s4+s28], $0x40, s18, s28, $0xb8;
	[tilespmem:$0x17480] =	vst v63  }
0x67: {  	s19 =	simm.s32 $0x38  }
0x68: {  	[tilespmem:s21], [sflag:$0x2] =	stream.indirect.gather [hbm4b:s4+s28], $0x40, s19, s28, $0xb8;
	[tilespmem:$0x17480] =	vst v63  }
0x69: {  	s3 =	simm.s32 $0x70  }
0x6a: {  	[tilespmem:s29], [sflag:$0x3] =	stream.indirect.gather [hbm4b:s4+s28], $0x40, s3, s28, $0xb8;
	[tilespmem:$0x17480] =	vst v63  }
0x6b: {  	s7 =	simm.s32 $0xA8  }
0x6c: {  	[tilespmem:s1], [sflag:$0x4] =	stream.indirect.gather [hbm4b:s4+s28], $0x40, s7, s28, $0xb8;
	[tilespmem:$0x17480] =	vst v63  }
0x6d: {  	s17 =	simm.s32 $0xE0  }
0x6e: {  	[tilespmem:s23], [sflag:$0x5] =	stream.indirect.gather [hbm4b:s4+s28], $0x40, s17, s28, $0xb8;
	[tilespmem:$0x17480] =	vst v63  }
0x6f: {  	s18 =	simm.s32 $0x118  }
0x70: {  	[tilespmem:s30], [sflag:$0x6] =	stream.indirect.gather [hbm4b:s4+s28], $0x40, s18, s28, $0xb8;
	[tilespmem:$0x17480] =	vst v63  }
0x71: {  	s19 =	simm.s32 $0x150;
	s7 =	simm.s32 $0xA280  }
0x72: {  	[tilespmem:s7], [sflag:$0x7] =	stream.indirect.gather [hbm4b:s4+s28], $0x40, s19, s28, $0xb8;
	[tilespmem:$0x17480] =	vst v63  }
0x73: {  	s3 =	simm.s32 $0x188  }
0x74: {  	[tilespmem:s5], [sflag:$0x8] =	stream.indirect.gather [hbm4b:s4+s28], $0x40, s3, s28, $0xb8;
	[tilespmem:$0x17480] =	vst v63  }
0x75: {  	s17 =	simm.s32 $0x1C0  }
0x76: {  	[tilespmem:s6], [sflag:$0x9] =	stream.indirect.gather [hbm4b:s4+s28], $0x40, s17, s28, $0xb8;
	[tilespmem:$0x17480] =	vst v63  }
0x77: {  	_ =	swait.ge [sflag:s25], $0xC80  }
0x78: {  	[sflag:s25] =	ssyncset.done $0x0  }
0x79: {  	s18 =	simm.s32 $0x1F8;
	[sflag:s25] =	ssyncadd.s32 $0xFFFFF380  }
0x7a: {  	[tilespmem:s8], [sflag:$0xA] =	stream.indirect.gather [hbm4b:s4+s28], $0x40, s18, s28, $0xb8;
	[tilespmem:$0x17480] =	vst v63  }
0x7b: {  	s19 =	simm.s32 $0x2BC0  }
0x7c: {  	[spmem:s2] =	stream.indirect.scatter.add.f32 [tilespmem:s20], [sflag:$0xB], $0x40, s19, s28, $0xb8;
	[tilespmem:$0x17480] =	vst v63  }
0x7d: {  	_ =	swait.ge [sflag:s24], $0xC80  }
0x7e: {  	[sflag:s24] =	ssyncset.done $0x0  }
0x7f: {  	[sflag:s24] =	ssyncadd.s32 $0xFFFFF380  }
0x80: {  	p0 =	por $0x0, $0x0;
	s3 =	simm.s32 $0x8C0;
	_ =	swait.ge [sflag:s26], $0xC80  }
0x81: {  	s3 =	simm.s32 @p0 $0x0;
	[sflag:s26] =	ssyncset.done $0x0  }
0x82: {  	s3 =	sshra.s32 s3, $0x2;
	[sflag:s26] =	ssyncadd.s32 $0xFFFFF380  }
0x83: {  	[tilespmem:s20], [sflag:$0x1] =	stream.indirect.gather [hbm4b:s4+s28], $0x40, s3, s28, $0xb8;
	[tilespmem:$0x17480] =	vst v63  }
0x84: {  	s0 =	simm.s32 $0x2BF8  }
0x85: {  	[spmem:s2] =	stream.indirect.scatter.add.f32 [tilespmem:s21], [sflag:$0xB], $0x40, s0, s28, $0xb8;
	[tilespmem:$0x17480] =	vst v63  }
0x86: {  	_ =	swait.ge [sflag:s24], $0xC80  }
0x87: {  	[sflag:s24] =	ssyncset.done $0x0  }
0x88: {  	[sflag:s24] =	ssyncadd.s32 $0xFFFFF380  }
0x89: {  	s3 =	simm.s32 $0x9A0;
	_ =	swait.ge [sflag:s9], $0xC80  }
0x8a: {  	s3 =	simm.s32 @p0 $0xE0;
	[sflag:s9] =	ssyncset.done $0x0  }
0x8b: {  	s3 =	sshra.s32 s3, $0x2;
	[sflag:s9] =	ssyncadd.s32 $0xFFFFF380  }
0x8c: {  	[tilespmem:s21], [sflag:$0x2] =	stream.indirect.gather [hbm4b:s4+s28], $0x40, s3, s28, $0xb8;
	[tilespmem:$0x17480] =	vst v63  }
0x8d: {  	s17 =	simm.s32 $0x2C30  }
0x8e: {  	[spmem:s2] =	stream.indirect.scatter.add.f32 [tilespmem:s29], [sflag:$0xB], $0x40, s17, s28, $0xb8;
	[tilespmem:$0x17480] =	vst v63  }
0x8f: {  	_ =	swait.ge [sflag:s24], $0xC80  }
0x90: {  	[sflag:s24] =	ssyncset.done $0x0  }
0x91: {  	[sflag:s24] =	ssyncadd.s32 $0xFFFFF380  }
0x92: {  	s3 =	simm.s32 $0xA80;
	_ =	swait.ge [sflag:s10], $0xC80  }
0x93: {  	s3 =	simm.s32 @p0 $0x1C0;
	[sflag:s10] =	ssyncset.done $0x0  }
0x94: {  	s3 =	sshra.s32 s3, $0x2;
	[sflag:s10] =	ssyncadd.s32 $0xFFFFF380  }
0x95: {  	[tilespmem:s29], [sflag:$0x3] =	stream.indirect.gather [hbm4b:s4+s28], $0x40, s3, s28, $0xb8;
	[tilespmem:$0x17480] =	vst v63  }
0x96: {  	s18 =	simm.s32 $0x2C68  }
0x97: {  	[spmem:s2] =	stream.indirect.scatter.add.f32 [tilespmem:s1], [sflag:$0xB], $0x40, s18, s28, $0xb8;
	[tilespmem:$0x17480] =	vst v63  }
0x98: {  	_ =	swait.ge [sflag:s24], $0xC80  }
0x99: {  	[sflag:s24] =	ssyncset.done $0x0  }
0x9a: {  	[sflag:s24] =	ssyncadd.s32 $0xFFFFF380  }
0x9b: {  	s3 =	simm.s32 $0xB60;
	_ =	swait.ge [sflag:s11], $0xC80  }
0x9c: {  	s3 =	simm.s32 @p0 $0x2A0;
	[sflag:s11] =	ssyncset.done $0x0  }
0x9d: {  	s3 =	sshra.s32 s3, $0x2;
	[sflag:s11] =	ssyncadd.s32 $0xFFFFF380  }
0x9e: {  	[tilespmem:s1], [sflag:$0x4] =	stream.indirect.gather [hbm4b:s4+s28], $0x40, s3, s28, $0xb8;
	[tilespmem:$0x17480] =	vst v63  }
0x9f: {  	s19 =	simm.s32 $0x2CA0  }
0xa0: {  	[spmem:s2] =	stream.indirect.scatter.add.f32 [tilespmem:s23], [sflag:$0xB], $0x40, s19, s28, $0xb8;
	[tilespmem:$0x17480] =	vst v63  }
0xa1: {  	_ =	swait.ge [sflag:s24], $0xC80  }
0xa2: {  	[sflag:s24] =	ssyncset.done $0x0  }
0xa3: {  	[sflag:s24] =	ssyncadd.s32 $0xFFFFF380  }
0xa4: {  	s3 =	simm.s32 $0xC40;
	_ =	swait.ge [sflag:s12], $0xC80  }
0xa5: {  	s3 =	simm.s32 @p0 $0x380;
	[sflag:s12] =	ssyncset.done $0x0  }
0xa6: {  	s3 =	sshra.s32 s3, $0x2;
	[sflag:s12] =	ssyncadd.s32 $0xFFFFF380  }
0xa7: {  	[tilespmem:s23], [sflag:$0x5] =	stream.indirect.gather [hbm4b:s4+s28], $0x40, s3, s28, $0xb8;
	[tilespmem:$0x17480] =	vst v63  }
0xa8: {  	s20 =	simm.s32 $0x2CD8  }
0xa9: {  	[spmem:s2] =	stream.indirect.scatter.add.f32 [tilespmem:s30], [sflag:$0xB], $0x40, s20, s28, $0xb8;
	[tilespmem:$0x17480] =	vst v63  }
0xaa: {  	_ =	swait.ge [sflag:s24], $0xC80  }
0xab: {  	[sflag:s24] =	ssyncset.done $0x0  }
0xac: {  	[sflag:s24] =	ssyncadd.s32 $0xFFFFF380  }
0xad: {  	s3 =	simm.s32 $0xD20;
	_ =	swait.ge [sflag:s13], $0xC80  }
0xae: {  	s3 =	simm.s32 @p0 $0x460;
	[sflag:s13] =	ssyncset.done $0x0  }
0xaf: {  	s3 =	sshra.s32 s3, $0x2;
	[sflag:s13] =	ssyncadd.s32 $0xFFFFF380  }
0xb0: {  	[tilespmem:s30], [sflag:$0x6] =	stream.indirect.gather [hbm4b:s4+s28], $0x40, s3, s28, $0xb8;
	[tilespmem:$0x17480] =	vst v63  }
0xb1: {  	s21 =	simm.s32 $0x2D10  }
0xb2: {  	[spmem:s2] =	stream.indirect.scatter.add.f32 [tilespmem:s7], [sflag:$0xB], $0x40, s21, s28, $0xb8;
	[tilespmem:$0x17480] =	vst v63  }
0xb3: {  	_ =	swait.ge [sflag:s24], $0xC80  }
0xb4: {  	[sflag:s24] =	ssyncset.done $0x0  }
0xb5: {  	[sflag:s24] =	ssyncadd.s32 $0xFFFFF380  }
0xb6: {  	s3 =	simm.s32 $0xE00;
	_ =	swait.ge [sflag:s14], $0xC80  }
0xb7: {  	s3 =	simm.s32 @p0 $0x540;
	[sflag:s14] =	ssyncset.done $0x0  }
0xb8: {  	s3 =	sshra.s32 s3, $0x2;
	[sflag:s14] =	ssyncadd.s32 $0xFFFFF380  }
0xb9: {  	[tilespmem:s7], [sflag:$0x7] =	stream.indirect.gather [hbm4b:s4+s28], $0x40, s3, s28, $0xb8;
	[tilespmem:$0x17480] =	vst v63  }
0xba: {  	s23 =	simm.s32 $0x2D48  }
0xbb: {  	[spmem:s2] =	stream.indirect.scatter.add.f32 [tilespmem:s5], [sflag:$0xB], $0x40, s23, s28, $0xb8;
	[tilespmem:$0x17480] =	vst v63  }
0xbc: {  	_ =	swait.ge [sflag:s24], $0xC80  }
0xbd: {  	[sflag:s24] =	ssyncset.done $0x0  }
0xbe: {  	[sflag:s24] =	ssyncadd.s32 $0xFFFFF380  }
0xbf: {  	s3 =	simm.s32 $0xEE0;
	_ =	swait.ge [sflag:s15], $0xC80  }
0xc0: {  	s3 =	simm.s32 @p0 $0x620;
	[sflag:s15] =	ssyncset.done $0x0  }
0xc1: {  	s3 =	sshra.s32 s3, $0x2;
	[sflag:s15] =	ssyncadd.s32 $0xFFFFF380  }
0xc2: {  	[tilespmem:s5], [sflag:$0x8] =	stream.indirect.gather [hbm4b:s4+s28], $0x40, s3, s28, $0xb8;
	[tilespmem:$0x17480] =	vst v63  }
0xc3: {  	s29 =	simm.s32 $0x2D80  }
0xc4: {  	[spmem:s2] =	stream.indirect.scatter.add.f32 [tilespmem:s6], [sflag:$0xB], $0x40, s29, s28, $0xb8;
	[tilespmem:$0x17480] =	vst v63  }
0xc5: {  	_ =	swait.ge [sflag:s24], $0xC80  }
0xc6: {  	[sflag:s24] =	ssyncset.done $0x0  }
0xc7: {  	[sflag:s24] =	ssyncadd.s32 $0xFFFFF380  }
0xc8: {  	s3 =	simm.s32 $0xFC0;
	_ =	swait.ge [sflag:s16], $0xC80  }
0xc9: {  	s3 =	simm.s32 @p0 $0x700;
	[sflag:s16] =	ssyncset.done $0x0  }
0xca: {  	s3 =	sshra.s32 s3, $0x2;
	[sflag:s16] =	ssyncadd.s32 $0xFFFFF380  }
0xcb: {  	[tilespmem:s6], [sflag:$0x9] =	stream.indirect.gather [hbm4b:s4+s28], $0x40, s3, s28, $0xb8;
	[tilespmem:$0x17480] =	vst v63  }
0xcc: {  	s30 =	simm.s32 $0x2DB8  }
0xcd: {  	[spmem:s2] =	stream.indirect.scatter.add.f32 [tilespmem:s8], [sflag:$0xB], $0x40, s30, s28, $0xb8;
	[tilespmem:$0x17480] =	vst v63  }
0xce: {  	_ =	swait.ge [sflag:s24], $0xC80  }
0xcf: {  	s18 =	simm.s32 $0x1880;
	[sflag:s24] =	ssyncset.done $0x0  }
.LBB2_4:
0xd0: {  	p0 =	sne.s32 s18, $0xB600  }
0xd1: {  	[sflag:s24] =	ssyncadd.s32 $0xFFFFF380;
	s19 =	smov.u32 s18;
	s18 =	sadd.s32 $0x8C0, s18  }
0xd2: {  	_ = 	snop  }
0xd3: {  	_ =	swait.ge [sflag:s25], $0xC80  }
0xd4: {  	s20 =	sshra.s32 s19, $0x2;
	[sflag:s25] =	ssyncset.done $0x0  }
0xd5: {  	s3 =	sadd.s32 $0xFFFFFE08, s20;
	[sflag:s25] =	ssyncadd.s32 $0xFFFFF380  }
0xd6: {  	[tilespmem:s8], [sflag:$0xA] =	stream.indirect.gather [hbm4b:s4+s28], $0x40, s3, s28, $0xb8;
	[tilespmem:$0x17480] =	vst v63  }
0xd7: {  	s1 =	simm.s32 $0x7080;
	s21 =	sadd.s32 $0xFFFFFF20, s19;
	s3 =	sadd.s32 $0x27D0, s20  }
0xd8: {  	[spmem:s2] =	stream.indirect.scatter.add.f32 [tilespmem:s22], [sflag:$0xB], $0x40, s3, s28, $0xb8;
	[tilespmem:$0x17480] =	vst v63  }
0xd9: {  	s7 =	sadd.s32 $0xFFFFFD60, s19;
	s3 =	sadd.s32 $0xFFFFFE40, s19;
	_ =	swait.ge [sflag:s24], $0xC80  }
0xda: {  	s23 =	sadd.s32 $0xFFFFFBA0, s19;
	s17 =	sadd.s32 $0xFFFFFC80, s19;
	[sflag:s24] =	ssyncset.done $0x0  }
0xdb: {  	s30 =	sadd.s32 $0xFFFFF9E0, s19;
	s0 =	sadd.s32 $0xFFFFFAC0, s19;
	[sflag:s24] =	ssyncadd.s32 $0xFFFFF380  }
0xdc: {  	p1 =	seq.s32 s19, $0xB600;
	s29 =	sadd.s32 $0xFFFFF900, s19;
	_ =	swait.ge [sflag:s26], $0xC80  }
0xdd: {  	s29 =	simm.s32 @p1 $0x0;
	s30 =	simm.s32 @p1 $0xE0;
	[sflag:s26] =	ssyncset.done $0x0  }
0xde: {  	s0 =	simm.s32 @p1 $0x1C0;
	s29 =	sshra.s32 s29, $0x2;
	[sflag:s26] =	ssyncadd.s32 $0xFFFFF380  }
0xdf: {  	[tilespmem:s22], [sflag:$0x1] =	stream.indirect.gather [hbm4b:s4+s28], $0x40, s29, s28, $0xb8;
	[tilespmem:$0x17480] =	vst v63  }
0xe0: {  	s23 =	simm.s32 @p1 $0x2A0;
	s17 =	simm.s32 @p1 $0x380;
	s29 =	sadd.s32 $0x2808, s20  }
0xe1: {  	[spmem:s2] =	stream.indirect.scatter.add.f32 [tilespmem:s31], [sflag:$0xB], $0x40, s29, s28, $0xb8;
	[tilespmem:$0x17480] =	vst v63  }
0xe2: {  	s7 =	simm.s32 @p1 $0x460;
	s3 =	simm.s32 @p1 $0x540;
	_ =	swait.ge [sflag:s24], $0xC80  }
0xe3: {  	s21 =	simm.s32 @p1 $0x620;
	s19 =	simm.s32 @p1 $0x700;
	[sflag:s24] =	ssyncset.done $0x0  }
0xe4: {  	[sflag:s24] =	ssyncadd.s32 $0xFFFFF380  }
0xe5: {  	_ =	swait.ge [sflag:s9], $0xC80  }
0xe6: {  	[sflag:s9] =	ssyncset.done $0x0  }
0xe7: {  	s29 =	sshra.s32 s30, $0x2;
	s30 =	simm.s32 $0x9600;
	[sflag:s9] =	ssyncadd.s32 $0xFFFFF380  }
0xe8: {  	[tilespmem:s31], [sflag:$0x2] =	stream.indirect.gather [hbm4b:s4+s28], $0x40, s29, s28, $0xb8;
	[tilespmem:$0x17480] =	vst v63  }
0xe9: {  	s29 =	sadd.s32 $0x2840, s20  }
0xea: {  	[spmem:s2] =	stream.indirect.scatter.add.f32 [tilespmem:s1], [sflag:$0xB], $0x40, s29, s28, $0xb8;
	[tilespmem:$0x17480] =	vst v63  }
0xeb: {  	s1 =	simm.s32 $0x7D00;
	s29 =	simm.s32 $0x7080  }
0xec: {  	_ =	swait.ge [sflag:s24], $0xC80  }
0xed: {  	[sflag:s24] =	ssyncset.done $0x0  }
0xee: {  	[sflag:s24] =	ssyncadd.s32 $0xFFFFF380  }
0xef: {  	_ =	swait.ge [sflag:s10], $0xC80  }
0xf0: {  	[sflag:s10] =	ssyncset.done $0x0  }
0xf1: {  	s0 =	sshra.s32 s0, $0x2;
	[sflag:s10] =	ssyncadd.s32 $0xFFFFF380  }
0xf2: {  	[tilespmem:s29], [sflag:$0x3] =	stream.indirect.gather [hbm4b:s4+s28], $0x40, s0, s28, $0xb8;
	[tilespmem:$0x17480] =	vst v63  }
0xf3: {  	s0 =	sadd.s32 $0x2878, s20  }
0xf4: {  	[spmem:s2] =	stream.indirect.scatter.add.f32 [tilespmem:s1], [sflag:$0xB], $0x40, s0, s28, $0xb8;
	[tilespmem:$0x17480] =	vst v63  }
0xf5: {  	_ =	swait.ge [sflag:s24], $0xC80  }
0xf6: {  	[sflag:s24] =	ssyncset.done $0x0  }
0xf7: {  	[sflag:s24] =	ssyncadd.s32 $0xFFFFF380  }
0xf8: {  	_ =	swait.ge [sflag:s11], $0xC80  }
0xf9: {  	[sflag:s11] =	ssyncset.done $0x0  }
0xfa: {  	s0 =	sshra.s32 s23, $0x2;
	s23 =	simm.s32 $0x8980;
	[sflag:s11] =	ssyncadd.s32 $0xFFFFF380  }
0xfb: {  	[tilespmem:s1], [sflag:$0x4] =	stream.indirect.gather [hbm4b:s4+s28], $0x40, s0, s28, $0xb8;
	[tilespmem:$0x17480] =	vst v63  }
0xfc: {  	s0 =	sadd.s32 $0x28B0, s20  }
0xfd: {  	[spmem:s2] =	stream.indirect.scatter.add.f32 [tilespmem:s23], [sflag:$0xB], $0x40, s0, s28, $0xb8;
	[tilespmem:$0x17480] =	vst v63  }
0xfe: {  	_ =	swait.ge [sflag:s24], $0xC80  }
0xff: {  	[sflag:s24] =	ssyncset.done $0x0  }
0x100: {  	[sflag:s24] =	ssyncadd.s32 $0xFFFFF380  }
0x101: {  	_ =	swait.ge [sflag:s12], $0xC80  }
0x102: {  	[sflag:s12] =	ssyncset.done $0x0  }
0x103: {  	s0 =	sshra.s32 s17, $0x2;
	s17 =	simm.s32 $0xA280;
	[sflag:s12] =	ssyncadd.s32 $0xFFFFF380  }
0x104: {  	[tilespmem:s23], [sflag:$0x5] =	stream.indirect.gather [hbm4b:s4+s28], $0x40, s0, s28, $0xb8;
	[tilespmem:$0x17480] =	vst v63  }
0x105: {  	s0 =	sadd.s32 $0x28E8, s20  }
0x106: {  	[spmem:s2] =	stream.indirect.scatter.add.f32 [tilespmem:s30], [sflag:$0xB], $0x40, s0, s28, $0xb8;
	[tilespmem:$0x17480] =	vst v63  }
0x107: {  	_ =	swait.ge [sflag:s24], $0xC80  }
0x108: {  	[sflag:s24] =	ssyncset.done $0x0  }
0x109: {  	[sflag:s24] =	ssyncadd.s32 $0xFFFFF380  }
0x10a: {  	_ =	swait.ge [sflag:s13], $0xC80  }
0x10b: {  	[sflag:s13] =	ssyncset.done $0x0  }
0x10c: {  	s0 =	sshra.s32 s7, $0x2;
	[sflag:s13] =	ssyncadd.s32 $0xFFFFF380  }
0x10d: {  	[tilespmem:s30], [sflag:$0x6] =	stream.indirect.gather [hbm4b:s4+s28], $0x40, s0, s28, $0xb8;
	[tilespmem:$0x17480] =	vst v63  }
0x10e: {  	s0 =	sadd.s32 $0x2920, s20  }
0x10f: {  	[spmem:s2] =	stream.indirect.scatter.add.f32 [tilespmem:s17], [sflag:$0xB], $0x40, s0, s28, $0xb8;
	[tilespmem:$0x17480] =	vst v63  }
0x110: {  	_ =	swait.ge [sflag:s24], $0xC80  }
0x111: {  	[sflag:s24] =	ssyncset.done $0x0  }
0x112: {  	[sflag:s24] =	ssyncadd.s32 $0xFFFFF380  }
0x113: {  	_ =	swait.ge [sflag:s14], $0xC80  }
0x114: {  	[sflag:s14] =	ssyncset.done $0x0  }
0x115: {  	s0 =	sshra.s32 s3, $0x2;
	[sflag:s14] =	ssyncadd.s32 $0xFFFFF380  }
0x116: {  	[tilespmem:s17], [sflag:$0x7] =	stream.indirect.gather [hbm4b:s4+s28], $0x40, s0, s28, $0xb8;
	[tilespmem:$0x17480] =	vst v63  }
0x117: {  	s0 =	sadd.s32 $0x2958, s20  }
0x118: {  	[spmem:s2] =	stream.indirect.scatter.add.f32 [tilespmem:s5], [sflag:$0xB], $0x40, s0, s28, $0xb8;
	[tilespmem:$0x17480] =	vst v63  }
0x119: {  	_ =	swait.ge [sflag:s24], $0xC80  }
0x11a: {  	[sflag:s24] =	ssyncset.done $0x0  }
0x11b: {  	[sflag:s24] =	ssyncadd.s32 $0xFFFFF380  }
0x11c: {  	_ =	swait.ge [sflag:s15], $0xC80  }
0x11d: {  	[sflag:s15] =	ssyncset.done $0x0  }
0x11e: {  	s0 =	sshra.s32 s21, $0x2;
	[sflag:s15] =	ssyncadd.s32 $0xFFFFF380  }
0x11f: {  	[tilespmem:s5], [sflag:$0x8] =	stream.indirect.gather [hbm4b:s4+s28], $0x40, s0, s28, $0xb8;
	[tilespmem:$0x17480] =	vst v63  }
0x120: {  	s0 =	sadd.s32 $0x2990, s20  }
0x121: {  	[spmem:s2] =	stream.indirect.scatter.add.f32 [tilespmem:s6], [sflag:$0xB], $0x40, s0, s28, $0xb8;
	[tilespmem:$0x17480] =	vst v63  }
0x122: {  	_ =	swait.ge [sflag:s24], $0xC80  }
0x123: {  	[sflag:s24] =	ssyncset.done $0x0  }
0x124: {  	[sflag:s24] =	ssyncadd.s32 $0xFFFFF380  }
0x125: {  	_ =	swait.ge [sflag:s16], $0xC80  }
0x126: {  	[sflag:s16] =	ssyncset.done $0x0  }
0x127: {  	s0 =	sshra.s32 s19, $0x2;
	[sflag:s16] =	ssyncadd.s32 $0xFFFFF380  }
0x128: {  	[tilespmem:s6], [sflag:$0x9] =	stream.indirect.gather [hbm4b:s4+s28], $0x40, s0, s28, $0xb8;
	[tilespmem:$0x17480] =	vst v63  }
.Ltmp1:
0x129: {  	_ = 	snop;
	(pc) =	sbr.rel @p0 .LBB2_4-.Ltmp1, $4  }
0x12a: {  	s0 =	sadd.s32 $0x29C8, s20  }
0x12b: {  	[spmem:s2] =	stream.indirect.scatter.add.f32 [tilespmem:s8], [sflag:$0xB], $0x40, s0, s28, $0xb8;
	[tilespmem:$0x17480] =	vst v63  }
0x12c: {  	_ =	swait.ge [sflag:s24], $0xC80  }
0x12d: {  	[sflag:s24] =	ssyncset.done $0x0  }
0x12e: {  	[sflag:s24] =	ssyncadd.s32 $0xFFFFF380  }
0x12f: {  	_ =	swait.ge [sflag:s25], $0xC80  }
0x130: {  	[sflag:s25] =	ssyncset.done $0x0  }
0x131: {  	[sflag:s25] =	ssyncadd.s32 $0xFFFFF380  }
0x132: {  	_ =	swait.ge [sflag:s26], $0xC80  }
0x133: {  	[sflag:s26] =	ssyncset.done $0x0  }
0x134: {  	[sflag:s26] =	ssyncadd.s32 $0xFFFFF380  }
0x135: {  	_ =	swait.ge [sflag:s9], $0xC80  }
0x136: {  	[sflag:s9] =	ssyncset.done $0x0  }
0x137: {  	[sflag:s9] =	ssyncadd.s32 $0xFFFFF380  }
0x138: {  	_ =	swait.ge [sflag:s10], $0xC80  }
0x139: {  	[sflag:s10] =	ssyncset.done $0x0  }
0x13a: {  	[sflag:s10] =	ssyncadd.s32 $0xFFFFF380  }
0x13b: {  	_ =	swait.ge [sflag:s11], $0xC80  }
0x13c: {  	[sflag:s11] =	ssyncset.done $0x0  }
0x13d: {  	[sflag:s11] =	ssyncadd.s32 $0xFFFFF380  }
0x13e: {  	_ =	swait.ge [sflag:s12], $0xC80  }
0x13f: {  	[sflag:s12] =	ssyncset.done $0x0  }
0x140: {  	[sflag:s12] =	ssyncadd.s32 $0xFFFFF380  }
0x141: {  	_ =	swait.ge [sflag:s13], $0xC80  }
0x142: {  	[sflag:s13] =	ssyncset.done $0x0  }
0x143: {  	[sflag:s13] =	ssyncadd.s32 $0xFFFFF380  }
0x144: {  	_ =	swait.ge [sflag:s14], $0xC80  }
0x145: {  	[sflag:s14] =	ssyncset.done $0x0  }
0x146: {  	[sflag:s14] =	ssyncadd.s32 $0xFFFFF380  }
0x147: {  	_ =	swait.ge [sflag:s15], $0xC80  }
0x148: {  	[sflag:s15] =	ssyncset.done $0x0  }
0x149: {  	[sflag:s15] =	ssyncadd.s32 $0xFFFFF380  }
0x14a: {  	s0 =	stileid.u32;
	[bflag:$0x0] =	sbarrier.arrive $0xFFFF  }
0x14b: {  	s0 =	sshll.u32 s0, $0x6;
	s19 =	rddreg [dreg:$0x5]  }
0x14c: {  	s0 =	sor.u32 $0x1C0B, s0;
	s7 =	rddreg [dreg:$0x12];
	s3 =	sshrl.u32 s19, $0x3  }
0x14d: {  	[hbm:s7], [sflag:s0] =	dma.local [spmem:s3], $0x1400  }
0x14e: {  	_ =	swait.ge [sflag:s24], $0x1400  }
0x14f: {  	s20 =	rddreg [dreg:$0x14]  }
0x150: {  	s21 =	rddreg [dreg:$0x13];
	s3 =	sadd.s32 $0x1, s20  }
0x151: {  	p0 =	sne.s32 s3, s21  }
.Ltmp2:
0x152: {  	_ = 	snop;
	(pc) =	sbr.rel @p0 .LBB2_1-.Ltmp2, $3  }
0x153: {  	_ =	sdelay $0x1  }
0x154: {  	s18 =	simm.s32 $0x0;
	[sflag:s24] =	ssyncset.done $0x0  }
0x155: {  	[sflag:s24] =	ssyncadd.s32 $0xFFFFEC00;
	s20 =	simm.s32 $0x5780;
	s21 =	simm.s32 $0x6400  }
0x156: {  	_ =	sfence.sel $0x180000  }
0x157: {  	[bflag:$0x0] =	sbarrier.arrive $0xFFFF  }
0x158: {  	_ =	strace $0x9000004A  }
0x159: {  	s0 =	stileid.u32;
	[bflag:$0x2] =	sbarrier.arrive $0xFFFF  }
0x15a: {  	p0 =	sne.s32 s0, $0x0;
	s0 =	rddreg [dreg:$0x2]  }
0x15b: {  	s0 =	sadd.s32 @!p0 $0x100000, s0  }
0x15c: {  	[sflag:s0] =	ssyncadd.tile.s32 @!p0 $0x1;
	_ =	shalt  }
.Lfunc_end2:
_tile_overlayer_lowered:
.L_overlay_start_2:
0x15d: {  	(tag) =	ssettag $0x2  }
0x15e: {  	s0 =	rddreg [dreg:$0x0];
	s2 =	stileid.u32  }
0x15f: {  	s1 =	rddreg [dreg:$0x1];
	p0 =	sne.s32 s2, $0x0  }
0x160: {  	s3 =	rddreg [dreg:$0x2];
	[bflag:$0x3] =	sbarrier.arrive $0xFFFF;
	s2 =	simm.s32 @!p0 $0x1C0B  }
0x161: {  	[timem:s3], [sflag:s2] =	dma.local @!p0 [hbm:s0], s1  }
0x162: {  	s0 =	simm.s32 @!p0 $0xB  }
0x163: {  	_ =	swait.ge @!p0 [sflag:s0], s1  }
0x164: {  	s1 =	ssub.s32 @!p0 $0x0, s1;
	[sflag:s0] =	ssyncset.done @!p0 $0x0  }
0x165: {  	[sflag:s0] =	ssyncadd.s32 @!p0 s1  }
0x166: {  	[bflag:$0x3] =	sbarrier.arrive $0xFFFF  }
0x167: {  	_ =	shalt  }

</sc_bundles>
